<compile_context>
chip_gen: v7x
topology: tpu7x:2x2x1
jax: 0.10.2.dev20260603
libtpu: 0.0.44.dev20260713+nightly
codegen_flags: <defaults>
</compile_context>

<pallas_src>
import functools
import math

import jax
import jax.numpy as jnp
from jax import lax
from jax.experimental import pallas as pl
from jax.experimental.pallas import tpu as pltpu
from jax.experimental.pallas import tpu_sc as plsc

NC = 2
NS = 16
NW = NC * NS

VOCAB = 1_000_000
D = 64
N_IDS = 4096 * 200
PER_W = N_IDS // NW
CHUNK = 128
NCHUNK = PER_W // CHUNK
NBUF = 8
SCALE = float(math.sqrt(64.0))


def _sc_body(table_hbm, idx_hbm, out_hbm, idx_v, *bufs_and_sems):
    rows = bufs_and_sems[:NBUF]
    gsem = bufs_and_sems[NBUF:2 * NBUF]
    ssem = bufs_and_sems[2 * NBUF:3 * NBUF]

    wid = lax.axis_index("c") * NS + lax.axis_index("s")

    pltpu.sync_copy(idx_hbm.at[wid], idx_v)

    def scale_rows(buf):
        def sbody(r4, carry):
            for rr in range(4):
                row = r4 * 4 + rr
                for c in range(0, D, 16):
                    buf[row, pl.ds(c, 16)] = buf[row, pl.ds(c, 16)] * SCALE
            return carry
        lax.fori_loop(0, CHUNK // 4, sbody, 0)

    def outer(i, carry):
        g0 = i * NBUF
        gcps = []
        for b in range(NBUF):
            gcps.append(pltpu.async_copy(
                table_hbm.at[idx_v.at[g0 + b]], rows[b], gsem[b]))
        scps = []
        for b in range(NBUF):
            gcps[b].wait()
            scale_rows(rows[b])
            scps.append(pltpu.async_copy(
                rows[b], out_hbm.at[wid, g0 + b], ssem[b]))
        for b in range(NBUF):
            scps[b].wait()
        return carry

    lax.fori_loop(0, NCHUNK // NBUF, outer, 0)


@jax.jit
def kernel(input_ids, embeddings):
    idx = input_ids.reshape(NW, NCHUNK, CHUNK).astype(jnp.int32)
    mesh = plsc.VectorSubcoreMesh(core_axis_name="c", subcore_axis_name="s")
    k = functools.partial(
        pl.kernel,
        mesh=mesh,
        out_type=jax.ShapeDtypeStruct((NW, NCHUNK, CHUNK, D), jnp.float32),
        scratch_types=(
            [pltpu.VMEM((NCHUNK, CHUNK), jnp.int32)]
            + [pltpu.VMEM((CHUNK, D), jnp.float32) for _ in range(NBUF)]
            + [pltpu.SemaphoreType.DMA for _ in range(2 * NBUF)]
        ),
        compiler_params=pltpu.CompilerParams(use_tc_tiling_on_sc=False),
    )(_sc_body)
    out = k(embeddings, idx)
    return out.reshape(4096, 200, D)

# --- scband reference (transcript-rebuilt; emitter-appended) ---
"""Pipeline reference for scband-embeddings-27771258536113 (READ-ONLY COPY).

The authoritative reference and input builder live on the scoring server;
editing this copy changes nothing except your own understanding.
"""

import jax, jax.numpy as jnp
import numpy as np

VOCAB_SIZE = 1000000
D_MODEL = 64
BATCH = 4096
HIST = 200

def setup_inputs(seed: int = 0) -> dict:
    key = jax.random.key(seed)
    k_ids, k_emb = jax.random.split(key)
    input_ids = jax.random.randint(k_ids, (BATCH, HIST), 0, VOCAB_SIZE, dtype=jnp.int64 if jax.config.jax_enable_x64 else jnp.int32)
    # xavier_normal_: std = sqrt(2 / (fan_in + fan_out)) = sqrt(2 / (vocab + d_model))
    std = float(np.sqrt(2.0 / (VOCAB_SIZE + D_MODEL)))
    embeddings = jax.random.normal(k_emb, (VOCAB_SIZE, D_MODEL), dtype=jnp.float32) * std
    return {"input_ids": input_ids, "embeddings": embeddings}

def reference(input_ids, embeddings):
    out = jnp.take(embeddings, input_ids, axis=0)
    out = out * jnp.sqrt(jnp.asarray(D_MODEL, dtype=jnp.float32))
    return out

if __name__ == "__main__":
    import jax
    _d = setup_inputs()
    print(jax.jit(kernel)(*tuple(_d.values())))

</pallas_src>

<mosaic_0001>
#map = affine_map<(d0, d1) -> (0, 0)>
#map1 = affine_map<(d0, d1) -> (0, 0, 0)>
#map2 = affine_map<(d0, d1) -> (0, 0, 0, 0)>
module attributes {stable_mosaic.version = 14 : i64} {
  func.func @_sc_body(%arg0: i32, %arg1: i32, %arg2: memref<1000000x64xf32, #tpu.memory_space<hbm>>, %arg3: memref<32x200x128xi32, #tpu.memory_space<hbm>>, %arg4: memref<32x200x128x64xf32, #tpu.memory_space<hbm>>, %arg5: memref<200x128xi32, #tpu.memory_space<vmem>>, %arg6: memref<128x64xf32, #tpu.memory_space<vmem>>, %arg7: memref<128x64xf32, #tpu.memory_space<vmem>>, %arg8: memref<128x64xf32, #tpu.memory_space<vmem>>, %arg9: memref<128x64xf32, #tpu.memory_space<vmem>>, %arg10: memref<128x64xf32, #tpu.memory_space<vmem>>, %arg11: memref<128x64xf32, #tpu.memory_space<vmem>>, %arg12: memref<128x64xf32, #tpu.memory_space<vmem>>, %arg13: memref<128x64xf32, #tpu.memory_space<vmem>>, %arg14: memref<!tpu.dma_semaphore, #tpu.memory_space<semaphore_mem>>, %arg15: memref<!tpu.dma_semaphore, #tpu.memory_space<semaphore_mem>>, %arg16: memref<!tpu.dma_semaphore, #tpu.memory_space<semaphore_mem>>, %arg17: memref<!tpu.dma_semaphore, #tpu.memory_space<semaphore_mem>>, %arg18: memref<!tpu.dma_semaphore, #tpu.memory_space<semaphore_mem>>, %arg19: memref<!tpu.dma_semaphore, #tpu.memory_space<semaphore_mem>>, %arg20: memref<!tpu.dma_semaphore, #tpu.memory_space<semaphore_mem>>, %arg21: memref<!tpu.dma_semaphore, #tpu.memory_space<semaphore_mem>>, %arg22: memref<!tpu.dma_semaphore, #tpu.memory_space<semaphore_mem>>, %arg23: memref<!tpu.dma_semaphore, #tpu.memory_space<semaphore_mem>>, %arg24: memref<!tpu.dma_semaphore, #tpu.memory_space<semaphore_mem>>, %arg25: memref<!tpu.dma_semaphore, #tpu.memory_space<semaphore_mem>>, %arg26: memref<!tpu.dma_semaphore, #tpu.memory_space<semaphore_mem>>, %arg27: memref<!tpu.dma_semaphore, #tpu.memory_space<semaphore_mem>>, %arg28: memref<!tpu.dma_semaphore, #tpu.memory_space<semaphore_mem>>, %arg29: memref<!tpu.dma_semaphore, #tpu.memory_space<semaphore_mem>>) attributes {dimension_semantics = [#tpu.dimension_semantics<core_parallel>, #tpu.dimension_semantics<subcore_parallel>], iteration_bounds = array<i64: 2, 16>, scalar_prefetch = 0 : i64, scratch_operands = 25 : i64, tpu.core_type = #tpu.core_type<sc_vector_subcore>, window_params = [{transform_indices = #map}, {transform_indices = #map1}, {transform_indices = #map2}]} {
    %mul3A = arith.constant 16 : i32
    %mul3A_0 = arith.muli %arg0, %mul3A : i32
    %add3A = arith.addi %mul3A_0, %arg1 : i32
    "tpu.region"() ({
      %run_scoped3A = tpu.sem_alloc : memref<!tpu.dma_semaphore, #tpu.memory_space<semaphore_mem>>
      %dma_start3A = arith.constant 0 : i32
      %dma_start3A_6 = arith.constant 0 : i32
      %dma_start3A_7 = tpu.memref_slice %arg3[%add3A, %dma_start3A, %dma_start3A_6] : memref<32x200x128xi32, #tpu.memory_space<hbm>> -> memref<1x200x128xi32, #tpu.memory_space<hbm>>
      %dma_start3A_8 = tpu.memref_squeeze %dma_start3A_7 : memref<1x200x128xi32, #tpu.memory_space<hbm>> -> memref<200x128xi32, #tpu.memory_space<hbm>>
      %dma_start3A_9 = arith.constant 0 : i32
      %dma_start3A_10 = arith.constant 0 : i32
      %dma_start3A_11 = tpu.memref_slice %arg3[%add3A, %dma_start3A_9, %dma_start3A_10] : memref<32x200x128xi32, #tpu.memory_space<hbm>> -> memref<1x200x128xi32, #tpu.memory_space<hbm>>
      %dma_start3A_12 = tpu.memref_squeeze %dma_start3A_11 : memref<1x200x128xi32, #tpu.memory_space<hbm>> -> memref<200x128xi32, #tpu.memory_space<hbm>>
      tpu.enqueue_dma source(%dma_start3A_12 : memref<200x128xi32, #tpu.memory_space<hbm>>) target(%arg5 : memref<200x128xi32, #tpu.memory_space<vmem>>) target_semaphore(%run_scoped3A : memref<!tpu.dma_semaphore, #tpu.memory_space<semaphore_mem>>)
      %dma_wait3A = arith.constant 0 : i32
      %dma_wait3A_13 = arith.constant 0 : i32
      %dma_wait3A_14 = tpu.memref_slice %arg3[%add3A, %dma_wait3A, %dma_wait3A_13] : memref<32x200x128xi32, #tpu.memory_space<hbm>> -> memref<1x200x128xi32, #tpu.memory_space<hbm>>
      %dma_wait3A_15 = tpu.memref_squeeze %dma_wait3A_14 : memref<1x200x128xi32, #tpu.memory_space<hbm>> -> memref<200x128xi32, #tpu.memory_space<hbm>>
      %dma_wait3A_16 = arith.constant 0 : i32
      %dma_wait3A_17 = arith.constant 0 : i32
      %dma_wait3A_18 = tpu.memref_slice %arg3[%add3A, %dma_wait3A_16, %dma_wait3A_17] : memref<32x200x128xi32, #tpu.memory_space<hbm>> -> memref<1x200x128xi32, #tpu.memory_space<hbm>>
      %dma_wait3A_19 = tpu.memref_squeeze %dma_wait3A_18 : memref<1x200x128xi32, #tpu.memory_space<hbm>> -> memref<200x128xi32, #tpu.memory_space<hbm>>
      tpu.wait_dma2 semaphore(%run_scoped3A : memref<!tpu.dma_semaphore, #tpu.memory_space<semaphore_mem>>) src(%dma_wait3A_19 : memref<200x128xi32, #tpu.memory_space<hbm>>) dst(%arg5 : memref<200x128xi32, #tpu.memory_space<vmem>>)
      tpu.yield
    }) : () -> ()
    %scan3A = arith.constant 0 : i32
    %scan3A_1 = arith.constant 0 : i32
    %scan3A_2 = arith.constant 25 : i32
    %scan3A_3 = arith.addi %scan3A_1, %scan3A_2 : i32
    %scan3A_4 = arith.constant 1 : i32
    scf.for %scan3A_6 = %scan3A_1 to %scan3A_3 step %scan3A_4  : i32 {
      %mul3A_7 = arith.constant 8 : i32
      %mul3A_8 = arith.muli %scan3A_6, %mul3A_7 : i32
      %add3A_9 = arith.constant 0 : i32
      %add3A_10 = arith.addi %mul3A_8, %add3A_9 : i32
      %dma_start3A = arith.constant 0 : i32
      %dma_start3A_11 = tpu.memref_slice %arg5[%add3A_10, %dma_start3A] : memref<200x128xi32, #tpu.memory_space<vmem>> -> memref<1x128xi32, #tpu.memory_space<vmem>>
      %dma_start3A_12 = tpu.memref_squeeze %dma_start3A_11 : memref<1x128xi32, #tpu.memory_space<vmem>> -> memref<128xi32, #tpu.memory_space<vmem>>
      %dma_start3A_13 = arith.constant 0 : i32
      %dma_start3A_14 = arith.constant 0 : i32
      %dma_start3A_15 = tpu.memref_slice %arg2[%dma_start3A_13, %dma_start3A_14] : memref<1000000x64xf32, #tpu.memory_space<hbm>> -> memref<1000000x64xf32, #tpu.memory_space<hbm>>
      tpu.enqueue_indirect_dma source(%dma_start3A_15 : memref<1000000x64xf32, #tpu.memory_space<hbm>>) target(%arg6 : memref<128x64xf32, #tpu.memory_space<vmem>>) offsets(%dma_start3A_12 : memref<128xi32, #tpu.memory_space<vmem>>) semaphore(%arg14 : memref<!tpu.dma_semaphore, #tpu.memory_space<semaphore_mem>>)
      %add3A_16 = arith.constant 1 : i32
      %add3A_17 = arith.addi %mul3A_8, %add3A_16 : i32
      %dma_start3A_18 = arith.constant 0 : i32
      %dma_start3A_19 = tpu.memref_slice %arg5[%add3A_17, %dma_start3A_18] : memref<200x128xi32, #tpu.memory_space<vmem>> -> memref<1x128xi32, #tpu.memory_space<vmem>>
      %dma_start3A_20 = tpu.memref_squeeze %dma_start3A_19 : memref<1x128xi32, #tpu.memory_space<vmem>> -> memref<128xi32, #tpu.memory_space<vmem>>
      %dma_start3A_21 = arith.constant 0 : i32
      %dma_start3A_22 = arith.constant 0 : i32
      %dma_start3A_23 = tpu.memref_slice %arg2[%dma_start3A_21, %dma_start3A_22] : memref<1000000x64xf32, #tpu.memory_space<hbm>> -> memref<1000000x64xf32, #tpu.memory_space<hbm>>
      tpu.enqueue_indirect_dma source(%dma_start3A_23 : memref<1000000x64xf32, #tpu.memory_space<hbm>>) target(%arg7 : memref<128x64xf32, #tpu.memory_space<vmem>>) offsets(%dma_start3A_20 : memref<128xi32, #tpu.memory_space<vmem>>) semaphore(%arg15 : memref<!tpu.dma_semaphore, #tpu.memory_space<semaphore_mem>>)
      %add3A_24 = arith.constant 2 : i32
      %add3A_25 = arith.addi %mul3A_8, %add3A_24 : i32
      %dma_start3A_26 = arith.constant 0 : i32
      %dma_start3A_27 = tpu.memref_slice %arg5[%add3A_25, %dma_start3A_26] : memref<200x128xi32, #tpu.memory_space<vmem>> -> memref<1x128xi32, #tpu.memory_space<vmem>>
      %dma_start3A_28 = tpu.memref_squeeze %dma_start3A_27 : memref<1x128xi32, #tpu.memory_space<vmem>> -> memref<128xi32, #tpu.memory_space<vmem>>
      %dma_start3A_29 = arith.constant 0 : i32
      %dma_start3A_30 = arith.constant 0 : i32
      %dma_start3A_31 = tpu.memref_slice %arg2[%dma_start3A_29, %dma_start3A_30] : memref<1000000x64xf32, #tpu.memory_space<hbm>> -> memref<1000000x64xf32, #tpu.memory_space<hbm>>
      tpu.enqueue_indirect_dma source(%dma_start3A_31 : memref<1000000x64xf32, #tpu.memory_space<hbm>>) target(%arg8 : memref<128x64xf32, #tpu.memory_space<vmem>>) offsets(%dma_start3A_28 : memref<128xi32, #tpu.memory_space<vmem>>) semaphore(%arg16 : memref<!tpu.dma_semaphore, #tpu.memory_space<semaphore_mem>>)
      %add3A_32 = arith.constant 3 : i32
      %add3A_33 = arith.addi %mul3A_8, %add3A_32 : i32
      %dma_start3A_34 = arith.constant 0 : i32
      %dma_start3A_35 = tpu.memref_slice %arg5[%add3A_33, %dma_start3A_34] : memref<200x128xi32, #tpu.memory_space<vmem>> -> memref<1x128xi32, #tpu.memory_space<vmem>>
      %dma_start3A_36 = tpu.memref_squeeze %dma_start3A_35 : memref<1x128xi32, #tpu.memory_space<vmem>> -> memref<128xi32, #tpu.memory_space<vmem>>
      %dma_start3A_37 = arith.constant 0 : i32
      %dma_start3A_38 = arith.constant 0 : i32
      %dma_start3A_39 = tpu.memref_slice %arg2[%dma_start3A_37, %dma_start3A_38] : memref<1000000x64xf32, #tpu.memory_space<hbm>> -> memref<1000000x64xf32, #tpu.memory_space<hbm>>
      tpu.enqueue_indirect_dma source(%dma_start3A_39 : memref<1000000x64xf32, #tpu.memory_space<hbm>>) target(%arg9 : memref<128x64xf32, #tpu.memory_space<vmem>>) offsets(%dma_start3A_36 : memref<128xi32, #tpu.memory_space<vmem>>) semaphore(%arg17 : memref<!tpu.dma_semaphore, #tpu.memory_space<semaphore_mem>>)
      %add3A_40 = arith.constant 4 : i32
      %add3A_41 = arith.addi %mul3A_8, %add3A_40 : i32
      %dma_start3A_42 = arith.constant 0 : i32
      %dma_start3A_43 = tpu.memref_slice %arg5[%add3A_41, %dma_start3A_42] : memref<200x128xi32, #tpu.memory_space<vmem>> -> memref<1x128xi32, #tpu.memory_space<vmem>>
      %dma_start3A_44 = tpu.memref_squeeze %dma_start3A_43 : memref<1x128xi32, #tpu.memory_space<vmem>> -> memref<128xi32, #tpu.memory_space<vmem>>
      %dma_start3A_45 = arith.constant 0 : i32
      %dma_start3A_46 = arith.constant 0 : i32
      %dma_start3A_47 = tpu.memref_slice %arg2[%dma_start3A_45, %dma_start3A_46] : memref<1000000x64xf32, #tpu.memory_space<hbm>> -> memref<1000000x64xf32, #tpu.memory_space<hbm>>
      tpu.enqueue_indirect_dma source(%dma_start3A_47 : memref<1000000x64xf32, #tpu.memory_space<hbm>>) target(%arg10 : memref<128x64xf32, #tpu.memory_space<vmem>>) offsets(%dma_start3A_44 : memref<128xi32, #tpu.memory_space<vmem>>) semaphore(%arg18 : memref<!tpu.dma_semaphore, #tpu.memory_space<semaphore_mem>>)
      %add3A_48 = arith.constant 5 : i32
      %add3A_49 = arith.addi %mul3A_8, %add3A_48 : i32
      %dma_start3A_50 = arith.constant 0 : i32
      %dma_start3A_51 = tpu.memref_slice %arg5[%add3A_49, %dma_start3A_50] : memref<200x128xi32, #tpu.memory_space<vmem>> -> memref<1x128xi32, #tpu.memory_space<vmem>>
      %dma_start3A_52 = tpu.memref_squeeze %dma_start3A_51 : memref<1x128xi32, #tpu.memory_space<vmem>> -> memref<128xi32, #tpu.memory_space<vmem>>
      %dma_start3A_53 = arith.constant 0 : i32
      %dma_start3A_54 = arith.constant 0 : i32
      %dma_start3A_55 = tpu.memref_slice %arg2[%dma_start3A_53, %dma_start3A_54] : memref<1000000x64xf32, #tpu.memory_space<hbm>> -> memref<1000000x64xf32, #tpu.memory_space<hbm>>
      tpu.enqueue_indirect_dma source(%dma_start3A_55 : memref<1000000x64xf32, #tpu.memory_space<hbm>>) target(%arg11 : memref<128x64xf32, #tpu.memory_space<vmem>>) offsets(%dma_start3A_52 : memref<128xi32, #tpu.memory_space<vmem>>) semaphore(%arg19 : memref<!tpu.dma_semaphore, #tpu.memory_space<semaphore_mem>>)
      %add3A_56 = arith.constant 6 : i32
      %add3A_57 = arith.addi %mul3A_8, %add3A_56 : i32
      %dma_start3A_58 = arith.constant 0 : i32
      %dma_start3A_59 = tpu.memref_slice %arg5[%add3A_57, %dma_start3A_58] : memref<200x128xi32, #tpu.memory_space<vmem>> -> memref<1x128xi32, #tpu.memory_space<vmem>>
      %dma_start3A_60 = tpu.memref_squeeze %dma_start3A_59 : memref<1x128xi32, #tpu.memory_space<vmem>> -> memref<128xi32, #tpu.memory_space<vmem>>
      %dma_start3A_61 = arith.constant 0 : i32
      %dma_start3A_62 = arith.constant 0 : i32
      %dma_start3A_63 = tpu.memref_slice %arg2[%dma_start3A_61, %dma_start3A_62] : memref<1000000x64xf32, #tpu.memory_space<hbm>> -> memref<1000000x64xf32, #tpu.memory_space<hbm>>
      tpu.enqueue_indirect_dma source(%dma_start3A_63 : memref<1000000x64xf32, #tpu.memory_space<hbm>>) target(%arg12 : memref<128x64xf32, #tpu.memory_space<vmem>>) offsets(%dma_start3A_60 : memref<128xi32, #tpu.memory_space<vmem>>) semaphore(%arg20 : memref<!tpu.dma_semaphore, #tpu.memory_space<semaphore_mem>>)
      %add3A_64 = arith.constant 7 : i32
      %add3A_65 = arith.addi %mul3A_8, %add3A_64 : i32
      %dma_start3A_66 = arith.constant 0 : i32
      %dma_start3A_67 = tpu.memref_slice %arg5[%add3A_65, %dma_start3A_66] : memref<200x128xi32, #tpu.memory_space<vmem>> -> memref<1x128xi32, #tpu.memory_space<vmem>>
      %dma_start3A_68 = tpu.memref_squeeze %dma_start3A_67 : memref<1x128xi32, #tpu.memory_space<vmem>> -> memref<128xi32, #tpu.memory_space<vmem>>
      %dma_start3A_69 = arith.constant 0 : i32
      %dma_start3A_70 = arith.constant 0 : i32
      %dma_start3A_71 = tpu.memref_slice %arg2[%dma_start3A_69, %dma_start3A_70] : memref<1000000x64xf32, #tpu.memory_space<hbm>> -> memref<1000000x64xf32, #tpu.memory_space<hbm>>
      tpu.enqueue_indirect_dma source(%dma_start3A_71 : memref<1000000x64xf32, #tpu.memory_space<hbm>>) target(%arg13 : memref<128x64xf32, #tpu.memory_space<vmem>>) offsets(%dma_start3A_68 : memref<128xi32, #tpu.memory_space<vmem>>) semaphore(%arg21 : memref<!tpu.dma_semaphore, #tpu.memory_space<semaphore_mem>>)
      %dma_wait3A = arith.constant 0 : i32
      %dma_wait3A_72 = tpu.memref_slice %arg5[%add3A_10, %dma_wait3A] : memref<200x128xi32, #tpu.memory_space<vmem>> -> memref<1x128xi32, #tpu.memory_space<vmem>>
      %dma_wait3A_73 = tpu.memref_squeeze %dma_wait3A_72 : memref<1x128xi32, #tpu.memory_space<vmem>> -> memref<128xi32, #tpu.memory_space<vmem>>
      %dma_wait3A_74 = arith.constant 0 : i32
      %dma_wait3A_75 = arith.constant 0 : i32
      %dma_wait3A_76 = tpu.memref_slice %arg2[%dma_wait3A_74, %dma_wait3A_75] : memref<1000000x64xf32, #tpu.memory_space<hbm>> -> memref<1000000x64xf32, #tpu.memory_space<hbm>>
      tpu.wait_indirect_dma semaphore(%arg14 : memref<!tpu.dma_semaphore, #tpu.memory_space<semaphore_mem>>) src(%dma_wait3A_76 : memref<1000000x64xf32, #tpu.memory_space<hbm>>) dst(%arg6 : memref<128x64xf32, #tpu.memory_space<vmem>>)
      %scan3A_77 = arith.constant 0 : i32
      %scan3A_78 = arith.constant 0 : i32
      %scan3A_79 = arith.constant 32 : i32
      %scan3A_80 = arith.addi %scan3A_78, %scan3A_79 : i32
      %scan3A_81 = arith.constant 1 : i32
      scf.for %scan3A_311 = %scan3A_78 to %scan3A_80 step %scan3A_81  : i32 {
        %mul3A_312 = arith.constant 4 : i32
        %mul3A_313 = arith.muli %scan3A_311, %mul3A_312 : i32
        %add3A_314 = arith.constant 0 : i32
        %add3A_315 = arith.addi %mul3A_313, %add3A_314 : i32
        %get3A = arith.index_cast %add3A_315 : i32 to index
        %get3A_316 = arith.constant 0 : index
        %get3A_317 = tpu.vector_load %arg6[%get3A, %get3A_316] {strides = array<i32>} : memref<128x64xf32, #tpu.memory_space<vmem>>, vector<1x16xf32>,
        %get3A_318 = vector.shape_cast %get3A_317 : vector<1x16xf32> to vector<16xf32>
        %mul3A_319 = arith.constant 8.000000e+00 : f32
        %mul3A_320 = vector.broadcast %mul3A_319 : f32 to vector<16xf32>
        %mul3A_321 = arith.mulf %get3A_318, %mul3A_320 : vector<16xf32>
        %swap3A = arith.index_cast %add3A_315 : i32 to index
        %swap3A_322 = arith.constant 0 : index
        %swap3A_323 = tpu.vector_load %arg6[%swap3A, %swap3A_322] {strides = array<i32>} : memref<128x64xf32, #tpu.memory_space<vmem>>, vector<1x16xf32>,
        %swap3A_324 = vector.shape_cast %swap3A_323 : vector<1x16xf32> to vector<16xf32>
        %swap3A_325 = vector.shape_cast %mul3A_321 : vector<16xf32> to vector<1x16xf32>
        tpu.vector_store %arg6[%swap3A, %swap3A_322], %swap3A_325 {strides = array<i32>} : memref<128x64xf32, #tpu.memory_space<vmem>>, vector<1x16xf32>,
        %get3A_326 = arith.index_cast %add3A_315 : i32 to index
        %get3A_327 = arith.constant 16 : index
        %get3A_328 = tpu.vector_load %arg6[%get3A_326, %get3A_327] {strides = array<i32>} : memref<128x64xf32, #tpu.memory_space<vmem>>, vector<1x16xf32>,
        %get3A_329 = vector.shape_cast %get3A_328 : vector<1x16xf32> to vector<16xf32>
        %mul3A_330 = arith.constant 8.000000e+00 : f32
        %mul3A_331 = vector.broadcast %mul3A_330 : f32 to vector<16xf32>
        %mul3A_332 = arith.mulf %get3A_329, %mul3A_331 : vector<16xf32>
        %swap3A_333 = arith.index_cast %add3A_315 : i32 to index
        %swap3A_334 = arith.constant 16 : index
        %swap3A_335 = tpu.vector_load %arg6[%swap3A_333, %swap3A_334] {strides = array<i32>} : memref<128x64xf32, #tpu.memory_space<vmem>>, vector<1x16xf32>,
        %swap3A_336 = vector.shape_cast %swap3A_335 : vector<1x16xf32> to vector<16xf32>
        %swap3A_337 = vector.shape_cast %mul3A_332 : vector<16xf32> to vector<1x16xf32>
        tpu.vector_store %arg6[%swap3A_333, %swap3A_334], %swap3A_337 {strides = array<i32>} : memref<128x64xf32, #tpu.memory_space<vmem>>, vector<1x16xf32>,
        %get3A_338 = arith.index_cast %add3A_315 : i32 to index
        %get3A_339 = arith.constant 32 : index
        %get3A_340 = tpu.vector_load %arg6[%get3A_338, %get3A_339] {strides = array<i32>} : memref<128x64xf32, #tpu.memory_space<vmem>>, vector<1x16xf32>,
        %get3A_341 = vector.shape_cast %get3A_340 : vector<1x16xf32> to vector<16xf32>
        %mul3A_342 = arith.constant 8.000000e+00 : f32
        %mul3A_343 = vector.broadcast %mul3A_342 : f32 to vector<16xf32>
        %mul3A_344 = arith.mulf %get3A_341, %mul3A_343 : vector<16xf32>
        %swap3A_345 = arith.index_cast %add3A_315 : i32 to index
        %swap3A_346 = arith.constant 32 : index
        %swap3A_347 = tpu.vector_load %arg6[%swap3A_345, %swap3A_346] {strides = array<i32>} : memref<128x64xf32, #tpu.memory_space<vmem>>, vector<1x16xf32>,
        %swap3A_348 = vector.shape_cast %swap3A_347 : vector<1x16xf32> to vector<16xf32>
        %swap3A_349 = vector.shape_cast %mul3A_344 : vector<16xf32> to vector<1x16xf32>
        tpu.vector_store %arg6[%swap3A_345, %swap3A_346], %swap3A_349 {strides = array<i32>} : memref<128x64xf32, #tpu.memory_space<vmem>>, vector<1x16xf32>,
        %get3A_350 = arith.index_cast %add3A_315 : i32 to index
        %get3A_351 = arith.constant 48 : index
        %get3A_352 = tpu.vector_load %arg6[%get3A_350, %get3A_351] {strides = array<i32>} : memref<128x64xf32, #tpu.memory_space<vmem>>, vector<1x16xf32>,
        %get3A_353 = vector.shape_cast %get3A_352 : vector<1x16xf32> to vector<16xf32>
        %mul3A_354 = arith.constant 8.000000e+00 : f32
        %mul3A_355 = vector.broadcast %mul3A_354 : f32 to vector<16xf32>
        %mul3A_356 = arith.mulf %get3A_353, %mul3A_355 : vector<16xf32>
        %swap3A_357 = arith.index_cast %add3A_315 : i32 to index
        %swap3A_358 = arith.constant 48 : index
        %swap3A_359 = tpu.vector_load %arg6[%swap3A_357, %swap3A_358] {strides = array<i32>} : memref<128x64xf32, #tpu.memory_space<vmem>>, vector<1x16xf32>,
        %swap3A_360 = vector.shape_cast %swap3A_359 : vector<1x16xf32> to vector<16xf32>
        %swap3A_361 = vector.shape_cast %mul3A_356 : vector<16xf32> to vector<1x16xf32>
        tpu.vector_store %arg6[%swap3A_357, %swap3A_358], %swap3A_361 {strides = array<i32>} : memref<128x64xf32, #tpu.memory_space<vmem>>, vector<1x16xf32>,
        %mul3A_362 = arith.constant 4 : i32
        %mul3A_363 = arith.muli %scan3A_311, %mul3A_362 : i32
        %add3A_364 = arith.constant 1 : i32
        %add3A_365 = arith.addi %mul3A_363, %add3A_364 : i32
        %get3A_366 = arith.index_cast %add3A_365 : i32 to index
        %get3A_367 = arith.constant 0 : index
        %get3A_368 = tpu.vector_load %arg6[%get3A_366, %get3A_367] {strides = array<i32>} : memref<128x64xf32, #tpu.memory_space<vmem>>, vector<1x16xf32>,
        %get3A_369 = vector.shape_cast %get3A_368 : vector<1x16xf32> to vector<16xf32>
        %mul3A_370 = arith.constant 8.000000e+00 : f32
        %mul3A_371 = vector.broadcast %mul3A_370 : f32 to vector<16xf32>
        %mul3A_372 = arith.mulf %get3A_369, %mul3A_371 : vector<16xf32>
        %swap3A_373 = arith.index_cast %add3A_365 : i32 to index
        %swap3A_374 = arith.constant 0 : index
        %swap3A_375 = tpu.vector_load %arg6[%swap3A_373, %swap3A_374] {strides = array<i32>} : memref<128x64xf32, #tpu.memory_space<vmem>>, vector<1x16xf32>,
        %swap3A_376 = vector.shape_cast %swap3A_375 : vector<1x16xf32> to vector<16xf32>
        %swap3A_377 = vector.shape_cast %mul3A_372 : vector<16xf32> to vector<1x16xf32>
        tpu.vector_store %arg6[%swap3A_373, %swap3A_374], %swap3A_377 {strides = array<i32>} : memref<128x64xf32, #tpu.memory_space<vmem>>, vector<1x16xf32>,
        %get3A_378 = arith.index_cast %add3A_365 : i32 to index
        %get3A_379 = arith.constant 16 : index
        %get3A_380 = tpu.vector_load %arg6[%get3A_378, %get3A_379] {strides = array<i32>} : memref<128x64xf32, #tpu.memory_space<vmem>>, vector<1x16xf32>,
        %get3A_381 = vector.shape_cast %get3A_380 : vector<1x16xf32> to vector<16xf32>
        %mul3A_382 = arith.constant 8.000000e+00 : f32
        %mul3A_383 = vector.broadcast %mul3A_382 : f32 to vector<16xf32>
        %mul3A_384 = arith.mulf %get3A_381, %mul3A_383 : vector<16xf32>
        %swap3A_385 = arith.index_cast %add3A_365 : i32 to index
        %swap3A_386 = arith.constant 16 : index
        %swap3A_387 = tpu.vector_load %arg6[%swap3A_385, %swap3A_386] {strides = array<i32>} : memref<128x64xf32, #tpu.memory_space<vmem>>, vector<1x16xf32>,
        %swap3A_388 = vector.shape_cast %swap3A_387 : vector<1x16xf32> to vector<16xf32>
        %swap3A_389 = vector.shape_cast %mul3A_384 : vector<16xf32> to vector<1x16xf32>
        tpu.vector_store %arg6[%swap3A_385, %swap3A_386], %swap3A_389 {strides = array<i32>} : memref<128x64xf32, #tpu.memory_space<vmem>>, vector<1x16xf32>,
        %get3A_390 = arith.index_cast %add3A_365 : i32 to index
        %get3A_391 = arith.constant 32 : index
        %get3A_392 = tpu.vector_load %arg6[%get3A_390, %get3A_391] {strides = array<i32>} : memref<128x64xf32, #tpu.memory_space<vmem>>, vector<1x16xf32>,
        %get3A_393 = vector.shape_cast %get3A_392 : vector<1x16xf32> to vector<16xf32>
        %mul3A_394 = arith.constant 8.000000e+00 : f32
        %mul3A_395 = vector.broadcast %mul3A_394 : f32 to vector<16xf32>
        %mul3A_396 = arith.mulf %get3A_393, %mul3A_395 : vector<16xf32>
        %swap3A_397 = arith.index_cast %add3A_365 : i32 to index
        %swap3A_398 = arith.constant 32 : index
        %swap3A_399 = tpu.vector_load %arg6[%swap3A_397, %swap3A_398] {strides = array<i32>} : memref<128x64xf32, #tpu.memory_space<vmem>>, vector<1x16xf32>,
        %swap3A_400 = vector.shape_cast %swap3A_399 : vector<1x16xf32> to vector<16xf32>
        %swap3A_401 = vector.shape_cast %mul3A_396 : vector<16xf32> to vector<1x16xf32>
        tpu.vector_store %arg6[%swap3A_397, %swap3A_398], %swap3A_401 {strides = array<i32>} : memref<128x64xf32, #tpu.memory_space<vmem>>, vector<1x16xf32>,
        %get3A_402 = arith.index_cast %add3A_365 : i32 to index
        %get3A_403 = arith.constant 48 : index
        %get3A_404 = tpu.vector_load %arg6[%get3A_402, %get3A_403] {strides = array<i32>} : memref<128x64xf32, #tpu.memory_space<vmem>>, vector<1x16xf32>,
        %get3A_405 = vector.shape_cast %get3A_404 : vector<1x16xf32> to vector<16xf32>
        %mul3A_406 = arith.constant 8.000000e+00 : f32
        %mul3A_407 = vector.broadcast %mul3A_406 : f32 to vector<16xf32>
        %mul3A_408 = arith.mulf %get3A_405, %mul3A_407 : vector<16xf32>
        %swap3A_409 = arith.index_cast %add3A_365 : i32 to index
        %swap3A_410 = arith.constant 48 : index
        %swap3A_411 = tpu.vector_load %arg6[%swap3A_409, %swap3A_410] {strides = array<i32>} : memref<128x64xf32, #tpu.memory_space<vmem>>, vector<1x16xf32>,
        %swap3A_412 = vector.shape_cast %swap3A_411 : vector<1x16xf32> to vector<16xf32>
        %swap3A_413 = vector.shape_cast %mul3A_408 : vector<16xf32> to vector<1x16xf32>
        tpu.vector_store %arg6[%swap3A_409, %swap3A_410], %swap3A_413 {strides = array<i32>} : memref<128x64xf32, #tpu.memory_space<vmem>>, vector<1x16xf32>,
        %mul3A_414 = arith.constant 4 : i32
        %mul3A_415 = arith.muli %scan3A_311, %mul3A_414 : i32
        %add3A_416 = arith.constant 2 : i32
        %add3A_417 = arith.addi %mul3A_415, %add3A_416 : i32
        %get3A_418 = arith.index_cast %add3A_417 : i32 to index
        %get3A_419 = arith.constant 0 : index
        %get3A_420 = tpu.vector_load %arg6[%get3A_418, %get3A_419] {strides = array<i32>} : memref<128x64xf32, #tpu.memory_space<vmem>>, vector<1x16xf32>,
        %get3A_421 = vector.shape_cast %get3A_420 : vector<1x16xf32> to vector<16xf32>
        %mul3A_422 = arith.constant 8.000000e+00 : f32
        %mul3A_423 = vector.broadcast %mul3A_422 : f32 to vector<16xf32>
        %mul3A_424 = arith.mulf %get3A_421, %mul3A_423 : vector<16xf32>
        %swap3A_425 = arith.index_cast %add3A_417 : i32 to index
        %swap3A_426 = arith.constant 0 : index
        %swap3A_427 = tpu.vector_load %arg6[%swap3A_425, %swap3A_426] {strides = array<i32>} : memref<128x64xf32, #tpu.memory_space<vmem>>, vector<1x16xf32>,
        %swap3A_428 = vector.shape_cast %swap3A_427 : vector<1x16xf32> to vector<16xf32>
        %swap3A_429 = vector.shape_cast %mul3A_424 : vector<16xf32> to vector<1x16xf32>
        tpu.vector_store %arg6[%swap3A_425, %swap3A_426], %swap3A_429 {strides = array<i32>} : memref<128x64xf32, #tpu.memory_space<vmem>>, vector<1x16xf32>,
        %get3A_430 = arith.index_cast %add3A_417 : i32 to index
        %get3A_431 = arith.constant 16 : index
        %get3A_432 = tpu.vector_load %arg6[%get3A_430, %get3A_431] {strides = array<i32>} : memref<128x64xf32, #tpu.memory_space<vmem>>, vector<1x16xf32>,
        %get3A_433 = vector.shape_cast %get3A_432 : vector<1x16xf32> to vector<16xf32>
        %mul3A_434 = arith.constant 8.000000e+00 : f32
        %mul3A_435 = vector.broadcast %mul3A_434 : f32 to vector<16xf32>
        %mul3A_436 = arith.mulf %get3A_433, %mul3A_435 : vector<16xf32>
        %swap3A_437 = arith.index_cast %add3A_417 : i32 to index
        %swap3A_438 = arith.constant 16 : index
        %swap3A_439 = tpu.vector_load %arg6[%swap3A_437, %swap3A_438] {strides = array<i32>} : memref<128x64xf32, #tpu.memory_space<vmem>>, vector<1x16xf32>,
        %swap3A_440 = vector.shape_cast %swap3A_439 : vector<1x16xf32> to vector<16xf32>
        %swap3A_441 = vector.shape_cast %mul3A_436 : vector<16xf32> to vector<1x16xf32>
        tpu.vector_store %arg6[%swap3A_437, %swap3A_438], %swap3A_441 {strides = array<i32>} : memref<128x64xf32, #tpu.memory_space<vmem>>, vector<1x16xf32>,
        %get3A_442 = arith.index_cast %add3A_417 : i32 to index
        %get3A_443 = arith.constant 32 : index
        %get3A_444 = tpu.vector_load %arg6[%get3A_442, %get3A_443] {strides = array<i32>} : memref<128x64xf32, #tpu.memory_space<vmem>>, vector<1x16xf32>,
        %get3A_445 = vector.shape_cast %get3A_444 : vector<1x16xf32> to vector<16xf32>
        %mul3A_446 = arith.constant 8.000000e+00 : f32
        %mul3A_447 = vector.broadcast %mul3A_446 : f32 to vector<16xf32>
        %mul3A_448 = arith.mulf %get3A_445, %mul3A_447 : vector<16xf32>
        %swap3A_449 = arith.index_cast %add3A_417 : i32 to index
        %swap3A_450 = arith.constant 32 : index
        %swap3A_451 = tpu.vector_load %arg6[%swap3A_449, %swap3A_450] {strides = array<i32>} : memref<128x64xf32, #tpu.memory_space<vmem>>, vector<1x16xf32>,
        %swap3A_452 = vector.shape_cast %swap3A_451 : vector<1x16xf32> to vector<16xf32>
        %swap3A_453 = vector.shape_cast %mul3A_448 : vector<16xf32> to vector<1x16xf32>
        tpu.vector_store %arg6[%swap3A_449, %swap3A_450], %swap3A_453 {strides = array<i32>} : memref<128x64xf32, #tpu.memory_space<vmem>>, vector<1x16xf32>,
        %get3A_454 = arith.index_cast %add3A_417 : i32 to index
        %get3A_455 = arith.constant 48 : index
        %get3A_456 = tpu.vector_load %arg6[%get3A_454, %get3A_455] {strides = array<i32>} : memref<128x64xf32, #tpu.memory_space<vmem>>, vector<1x16xf32>,
        %get3A_457 = vector.shape_cast %get3A_456 : vector<1x16xf32> to vector<16xf32>
        %mul3A_458 = arith.constant 8.000000e+00 : f32
        %mul3A_459 = vector.broadcast %mul3A_458 : f32 to vector<16xf32>
        %mul3A_460 = arith.mulf %get3A_457, %mul3A_459 : vector<16xf32>
        %swap3A_461 = arith.index_cast %add3A_417 : i32 to index
        %swap3A_462 = arith.constant 48 : index
        %swap3A_463 = tpu.vector_load %arg6[%swap3A_461, %swap3A_462] {strides = array<i32>} : memref<128x64xf32, #tpu.memory_space<vmem>>, vector<1x16xf32>,
        %swap3A_464 = vector.shape_cast %swap3A_463 : vector<1x16xf32> to vector<16xf32>
        %swap3A_465 = vector.shape_cast %mul3A_460 : vector<16xf32> to vector<1x16xf32>
        tpu.vector_store %arg6[%swap3A_461, %swap3A_462], %swap3A_465 {strides = array<i32>} : memref<128x64xf32, #tpu.memory_space<vmem>>, vector<1x16xf32>,
        %mul3A_466 = arith.constant 4 : i32
        %mul3A_467 = arith.muli %scan3A_311, %mul3A_466 : i32
        %add3A_468 = arith.constant 3 : i32
        %add3A_469 = arith.addi %mul3A_467, %add3A_468 : i32
        %get3A_470 = arith.index_cast %add3A_469 : i32 to index
        %get3A_471 = arith.constant 0 : index
        %get3A_472 = tpu.vector_load %arg6[%get3A_470, %get3A_471] {strides = array<i32>} : memref<128x64xf32, #tpu.memory_space<vmem>>, vector<1x16xf32>,
        %get3A_473 = vector.shape_cast %get3A_472 : vector<1x16xf32> to vector<16xf32>
        %mul3A_474 = arith.constant 8.000000e+00 : f32
        %mul3A_475 = vector.broadcast %mul3A_474 : f32 to vector<16xf32>
        %mul3A_476 = arith.mulf %get3A_473, %mul3A_475 : vector<16xf32>
        %swap3A_477 = arith.index_cast %add3A_469 : i32 to index
        %swap3A_478 = arith.constant 0 : index
        %swap3A_479 = tpu.vector_load %arg6[%swap3A_477, %swap3A_478] {strides = array<i32>} : memref<128x64xf32, #tpu.memory_space<vmem>>, vector<1x16xf32>,
        %swap3A_480 = vector.shape_cast %swap3A_479 : vector<1x16xf32> to vector<16xf32>
        %swap3A_481 = vector.shape_cast %mul3A_476 : vector<16xf32> to vector<1x16xf32>
        tpu.vector_store %arg6[%swap3A_477, %swap3A_478], %swap3A_481 {strides = array<i32>} : memref<128x64xf32, #tpu.memory_space<vmem>>, vector<1x16xf32>,
        %get3A_482 = arith.index_cast %add3A_469 : i32 to index
        %get3A_483 = arith.constant 16 : index
        %get3A_484 = tpu.vector_load %arg6[%get3A_482, %get3A_483] {strides = array<i32>} : memref<128x64xf32, #tpu.memory_space<vmem>>, vector<1x16xf32>,
        %get3A_485 = vector.shape_cast %get3A_484 : vector<1x16xf32> to vector<16xf32>
        %mul3A_486 = arith.constant 8.000000e+00 : f32
        %mul3A_487 = vector.broadcast %mul3A_486 : f32 to vector<16xf32>
        %mul3A_488 = arith.mulf %get3A_485, %mul3A_487 : vector<16xf32>
        %swap3A_489 = arith.index_cast %add3A_469 : i32 to index
        %swap3A_490 = arith.constant 16 : index
        %swap3A_491 = tpu.vector_load %arg6[%swap3A_489, %swap3A_490] {strides = array<i32>} : memref<128x64xf32, #tpu.memory_space<vmem>>, vector<1x16xf32>,
        %swap3A_492 = vector.shape_cast %swap3A_491 : vector<1x16xf32> to vector<16xf32>
        %swap3A_493 = vector.shape_cast %mul3A_488 : vector<16xf32> to vector<1x16xf32>
        tpu.vector_store %arg6[%swap3A_489, %swap3A_490], %swap3A_493 {strides = array<i32>} : memref<128x64xf32, #tpu.memory_space<vmem>>, vector<1x16xf32>,
        %get3A_494 = arith.index_cast %add3A_469 : i32 to index
        %get3A_495 = arith.constant 32 : index
        %get3A_496 = tpu.vector_load %arg6[%get3A_494, %get3A_495] {strides = array<i32>} : memref<128x64xf32, #tpu.memory_space<vmem>>, vector<1x16xf32>,
        %get3A_497 = vector.shape_cast %get3A_496 : vector<1x16xf32> to vector<16xf32>
        %mul3A_498 = arith.constant 8.000000e+00 : f32
        %mul3A_499 = vector.broadcast %mul3A_498 : f32 to vector<16xf32>
        %mul3A_500 = arith.mulf %get3A_497, %mul3A_499 : vector<16xf32>
        %swap3A_501 = arith.index_cast %add3A_469 : i32 to index
        %swap3A_502 = arith.constant 32 : index
        %swap3A_503 = tpu.vector_load %arg6[%swap3A_501, %swap3A_502] {strides = array<i32>} : memref<128x64xf32, #tpu.memory_space<vmem>>, vector<1x16xf32>,
        %swap3A_504 = vector.shape_cast %swap3A_503 : vector<1x16xf32> to vector<16xf32>
        %swap3A_505 = vector.shape_cast %mul3A_500 : vector<16xf32> to vector<1x16xf32>
        tpu.vector_store %arg6[%swap3A_501, %swap3A_502], %swap3A_505 {strides = array<i32>} : memref<128x64xf32, #tpu.memory_space<vmem>>, vector<1x16xf32>,
        %get3A_506 = arith.index_cast %add3A_469 : i32 to index
        %get3A_507 = arith.constant 48 : index
        %get3A_508 = tpu.vector_load %arg6[%get3A_506, %get3A_507] {strides = array<i32>} : memref<128x64xf32, #tpu.memory_space<vmem>>, vector<1x16xf32>,
        %get3A_509 = vector.shape_cast %get3A_508 : vector<1x16xf32> to vector<16xf32>
        %mul3A_510 = arith.constant 8.000000e+00 : f32
        %mul3A_511 = vector.broadcast %mul3A_510 : f32 to vector<16xf32>
        %mul3A_512 = arith.mulf %get3A_509, %mul3A_511 : vector<16xf32>
        %swap3A_513 = arith.index_cast %add3A_469 : i32 to index
        %swap3A_514 = arith.constant 48 : index
        %swap3A_515 = tpu.vector_load %arg6[%swap3A_513, %swap3A_514] {strides = array<i32>} : memref<128x64xf32, #tpu.memory_space<vmem>>, vector<1x16xf32>,
        %swap3A_516 = vector.shape_cast %swap3A_515 : vector<1x16xf32> to vector<16xf32>
        %swap3A_517 = vector.shape_cast %mul3A_512 : vector<16xf32> to vector<1x16xf32>
        tpu.vector_store %arg6[%swap3A_513, %swap3A_514], %swap3A_517 {strides = array<i32>} : memref<128x64xf32, #tpu.memory_space<vmem>>, vector<1x16xf32>,
      }
      %scan3A_82 = arith.constant 32 : i32
      %add3A_83 = arith.constant 0 : i32
      %add3A_84 = arith.addi %mul3A_8, %add3A_83 : i32
      %dma_start3A_85 = arith.constant 0 : i32
      %dma_start3A_86 = arith.constant 0 : i32
      %dma_start3A_87 = tpu.memref_slice %arg4[%add3A, %add3A_84, %dma_start3A_85, %dma_start3A_86] : memref<32x200x128x64xf32, #tpu.memory_space<hbm>> -> memref<1x1x128x64xf32, #tpu.memory_space<hbm>>
      %dma_start3A_88 = tpu.memref_squeeze %dma_start3A_87 : memref<1x1x128x64xf32, #tpu.memory_space<hbm>> -> memref<128x64xf32, #tpu.memory_space<hbm>>
      %dma_start3A_89 = arith.constant 0 : i32
      %dma_start3A_90 = arith.constant 0 : i32
      %dma_start3A_91 = tpu.memref_slice %arg4[%add3A, %add3A_84, %dma_start3A_89, %dma_start3A_90] : memref<32x200x128x64xf32, #tpu.memory_space<hbm>> -> memref<1x1x128x64xf32, #tpu.memory_space<hbm>>
      %dma_start3A_92 = tpu.memref_squeeze %dma_start3A_91 : memref<1x1x128x64xf32, #tpu.memory_space<hbm>> -> memref<128x64xf32, #tpu.memory_space<hbm>>
      tpu.enqueue_dma source(%arg6 : memref<128x64xf32, #tpu.memory_space<vmem>>) target(%dma_start3A_92 : memref<128x64xf32, #tpu.memory_space<hbm>>) target_semaphore(%arg22 : memref<!tpu.dma_semaphore, #tpu.memory_space<semaphore_mem>>)
      %dma_wait3A_93 = arith.constant 0 : i32
      %dma_wait3A_94 = tpu.memref_slice %arg5[%add3A_17, %dma_wait3A_93] : memref<200x128xi32, #tpu.memory_space<vmem>> -> memref<1x128xi32, #tpu.memory_space<vmem>>
      %dma_wait3A_95 = tpu.memref_squeeze %dma_wait3A_94 : memref<1x128xi32, #tpu.memory_space<vmem>> -> memref<128xi32, #tpu.memory_space<vmem>>
      %dma_wait3A_96 = arith.constant 0 : i32
      %dma_wait3A_97 = arith.constant 0 : i32
      %dma_wait3A_98 = tpu.memref_slice %arg2[%dma_wait3A_96, %dma_wait3A_97] : memref<1000000x64xf32, #tpu.memory_space<hbm>> -> memref<1000000x64xf32, #tpu.memory_space<hbm>>
      tpu.wait_indirect_dma semaphore(%arg15 : memref<!tpu.dma_semaphore, #tpu.memory_space<semaphore_mem>>) src(%dma_wait3A_98 : memref<1000000x64xf32, #tpu.memory_space<hbm>>) dst(%arg7 : memref<128x64xf32, #tpu.memory_space<vmem>>)
      %scan3A_99 = arith.constant 0 : i32
      %scan3A_100 = arith.constant 0 : i32
      %scan3A_101 = arith.constant 32 : i32
      %scan3A_102 = arith.addi %scan3A_100, %scan3A_101 : i32
      %scan3A_103 = arith.constant 1 : i32
      scf.for %scan3A_311 = %scan3A_100 to %scan3A_102 step %scan3A_103  : i32 {
        %mul3A_312 = arith.constant 4 : i32
        %mul3A_313 = arith.muli %scan3A_311, %mul3A_312 : i32
        %add3A_314 = arith.constant 0 : i32
        %add3A_315 = arith.addi %mul3A_313, %add3A_314 : i32
        %get3A = arith.index_cast %add3A_315 : i32 to index
        %get3A_316 = arith.constant 0 : index
        %get3A_317 = tpu.vector_load %arg7[%get3A, %get3A_316] {strides = array<i32>} : memref<128x64xf32, #tpu.memory_space<vmem>>, vector<1x16xf32>,
        %get3A_318 = vector.shape_cast %get3A_317 : vector<1x16xf32> to vector<16xf32>
        %mul3A_319 = arith.constant 8.000000e+00 : f32
        %mul3A_320 = vector.broadcast %mul3A_319 : f32 to vector<16xf32>
        %mul3A_321 = arith.mulf %get3A_318, %mul3A_320 : vector<16xf32>
        %swap3A = arith.index_cast %add3A_315 : i32 to index
        %swap3A_322 = arith.constant 0 : index
        %swap3A_323 = tpu.vector_load %arg7[%swap3A, %swap3A_322] {strides = array<i32>} : memref<128x64xf32, #tpu.memory_space<vmem>>, vector<1x16xf32>,
        %swap3A_324 = vector.shape_cast %swap3A_323 : vector<1x16xf32> to vector<16xf32>
        %swap3A_325 = vector.shape_cast %mul3A_321 : vector<16xf32> to vector<1x16xf32>
        tpu.vector_store %arg7[%swap3A, %swap3A_322], %swap3A_325 {strides = array<i32>} : memref<128x64xf32, #tpu.memory_space<vmem>>, vector<1x16xf32>,
        %get3A_326 = arith.index_cast %add3A_315 : i32 to index
        %get3A_327 = arith.constant 16 : index
        %get3A_328 = tpu.vector_load %arg7[%get3A_326, %get3A_327] {strides = array<i32>} : memref<128x64xf32, #tpu.memory_space<vmem>>, vector<1x16xf32>,
        %get3A_329 = vector.shape_cast %get3A_328 : vector<1x16xf32> to vector<16xf32>
        %mul3A_330 = arith.constant 8.000000e+00 : f32
        %mul3A_331 = vector.broadcast %mul3A_330 : f32 to vector<16xf32>
        %mul3A_332 = arith.mulf %get3A_329, %mul3A_331 : vector<16xf32>
        %swap3A_333 = arith.index_cast %add3A_315 : i32 to index
        %swap3A_334 = arith.constant 16 : index
        %swap3A_335 = tpu.vector_load %arg7[%swap3A_333, %swap3A_334] {strides = array<i32>} : memref<128x64xf32, #tpu.memory_space<vmem>>, vector<1x16xf32>,
        %swap3A_336 = vector.shape_cast %swap3A_335 : vector<1x16xf32> to vector<16xf32>
        %swap3A_337 = vector.shape_cast %mul3A_332 : vector<16xf32> to vector<1x16xf32>
        tpu.vector_store %arg7[%swap3A_333, %swap3A_334], %swap3A_337 {strides = array<i32>} : memref<128x64xf32, #tpu.memory_space<vmem>>, vector<1x16xf32>,
        %get3A_338 = arith.index_cast %add3A_315 : i32 to index
        %get3A_339 = arith.constant 32 : index
        %get3A_340 = tpu.vector_load %arg7[%get3A_338, %get3A_339] {strides = array<i32>} : memref<128x64xf32, #tpu.memory_space<vmem>>, vector<1x16xf32>,
        %get3A_341 = vector.shape_cast %get3A_340 : vector<1x16xf32> to vector<16xf32>
        %mul3A_342 = arith.constant 8.000000e+00 : f32
        %mul3A_343 = vector.broadcast %mul3A_342 : f32 to vector<16xf32>
        %mul3A_344 = arith.mulf %get3A_341, %mul3A_343 : vector<16xf32>
        %swap3A_345 = arith.index_cast %add3A_315 : i32 to index
        %swap3A_346 = arith.constant 32 : index
        %swap3A_347 = tpu.vector_load %arg7[%swap3A_345, %swap3A_346] {strides = array<i32>} : memref<128x64xf32, #tpu.memory_space<vmem>>, vector<1x16xf32>,
        %swap3A_348 = vector.shape_cast %swap3A_347 : vector<1x16xf32> to vector<16xf32>
        %swap3A_349 = vector.shape_cast %mul3A_344 : vector<16xf32> to vector<1x16xf32>
        tpu.vector_store %arg7[%swap3A_345, %swap3A_346], %swap3A_349 {strides = array<i32>} : memref<128x64xf32, #tpu.memory_space<vmem>>, vector<1x16xf32>,
        %get3A_350 = arith.index_cast %add3A_315 : i32 to index
        %get3A_351 = arith.constant 48 : index
        %get3A_352 = tpu.vector_load %arg7[%get3A_350, %get3A_351] {strides = array<i32>} : memref<128x64xf32, #tpu.memory_space<vmem>>, vector<1x16xf32>,
        %get3A_353 = vector.shape_cast %get3A_352 : vector<1x16xf32> to vector<16xf32>
        %mul3A_354 = arith.constant 8.000000e+00 : f32
        %mul3A_355 = vector.broadcast %mul3A_354 : f32 to vector<16xf32>
        %mul3A_356 = arith.mulf %get3A_353, %mul3A_355 : vector<16xf32>
        %swap3A_357 = arith.index_cast %add3A_315 : i32 to index
        %swap3A_358 = arith.constant 48 : index
        %swap3A_359 = tpu.vector_load %arg7[%swap3A_357, %swap3A_358] {strides = array<i32>} : memref<128x64xf32, #tpu.memory_space<vmem>>, vector<1x16xf32>,
        %swap3A_360 = vector.shape_cast %swap3A_359 : vector<1x16xf32> to vector<16xf32>
        %swap3A_361 = vector.shape_cast %mul3A_356 : vector<16xf32> to vector<1x16xf32>
        tpu.vector_store %arg7[%swap3A_357, %swap3A_358], %swap3A_361 {strides = array<i32>} : memref<128x64xf32, #tpu.memory_space<vmem>>, vector<1x16xf32>,
        %mul3A_362 = arith.constant 4 : i32
        %mul3A_363 = arith.muli %scan3A_311, %mul3A_362 : i32
        %add3A_364 = arith.constant 1 : i32
        %add3A_365 = arith.addi %mul3A_363, %add3A_364 : i32
        %get3A_366 = arith.index_cast %add3A_365 : i32 to index
        %get3A_367 = arith.constant 0 : index
        %get3A_368 = tpu.vector_load %arg7[%get3A_366, %get3A_367] {strides = array<i32>} : memref<128x64xf32, #tpu.memory_space<vmem>>, vector<1x16xf32>,
        %get3A_369 = vector.shape_cast %get3A_368 : vector<1x16xf32> to vector<16xf32>
        %mul3A_370 = arith.constant 8.000000e+00 : f32
        %mul3A_371 = vector.broadcast %mul3A_370 : f32 to vector<16xf32>
        %mul3A_372 = arith.mulf %get3A_369, %mul3A_371 : vector<16xf32>
        %swap3A_373 = arith.index_cast %add3A_365 : i32 to index
        %swap3A_374 = arith.constant 0 : index
        %swap3A_375 = tpu.vector_load %arg7[%swap3A_373, %swap3A_374] {strides = array<i32>} : memref<128x64xf32, #tpu.memory_space<vmem>>, vector<1x16xf32>,
        %swap3A_376 = vector.shape_cast %swap3A_375 : vector<1x16xf32> to vector<16xf32>
        %swap3A_377 = vector.shape_cast %mul3A_372 : vector<16xf32> to vector<1x16xf32>
        tpu.vector_store %arg7[%swap3A_373, %swap3A_374], %swap3A_377 {strides = array<i32>} : memref<128x64xf32, #tpu.memory_space<vmem>>, vector<1x16xf32>,
        %get3A_378 = arith.index_cast %add3A_365 : i32 to index
        %get3A_379 = arith.constant 16 : index
        %get3A_380 = tpu.vector_load %arg7[%get3A_378, %get3A_379] {strides = array<i32>} : memref<128x64xf32, #tpu.memory_space<vmem>>, vector<1x16xf32>,
        %get3A_381 = vector.shape_cast %get3A_380 : vector<1x16xf32> to vector<16xf32>
        %mul3A_382 = arith.constant 8.000000e+00 : f32
        %mul3A_383 = vector.broadcast %mul3A_382 : f32 to vector<16xf32>
        %mul3A_384 = arith.mulf %get3A_381, %mul3A_383 : vector<16xf32>
        %swap3A_385 = arith.index_cast %add3A_365 : i32 to index
        %swap3A_386 = arith.constant 16 : index
        %swap3A_387 = tpu.vector_load %arg7[%swap3A_385, %swap3A_386] {strides = array<i32>} : memref<128x64xf32, #tpu.memory_space<vmem>>, vector<1x16xf32>,
        %swap3A_388 = vector.shape_cast %swap3A_387 : vector<1x16xf32> to vector<16xf32>
        %swap3A_389 = vector.shape_cast %mul3A_384 : vector<16xf32> to vector<1x16xf32>
        tpu.vector_store %arg7[%swap3A_385, %swap3A_386], %swap3A_389 {strides = array<i32>} : memref<128x64xf32, #tpu.memory_space<vmem>>, vector<1x16xf32>,
        %get3A_390 = arith.index_cast %add3A_365 : i32 to index
        %get3A_391 = arith.constant 32 : index
        %get3A_392 = tpu.vector_load %arg7[%get3A_390, %get3A_391] {strides = array<i32>} : memref<128x64xf32, #tpu.memory_space<vmem>>, vector<1x16xf32>,
        %get3A_393 = vector.shape_cast %get3A_392 : vector<1x16xf32> to vector<16xf32>
        %mul3A_394 = arith.constant 8.000000e+00 : f32
        %mul3A_395 = vector.broadcast %mul3A_394 : f32 to vector<16xf32>
        %mul3A_396 = arith.mulf %get3A_393, %mul3A_395 : vector<16xf32>
        %swap3A_397 = arith.index_cast %add3A_365 : i32 to index
        %swap3A_398 = arith.constant 32 : index
        %swap3A_399 = tpu.vector_load %arg7[%swap3A_397, %swap3A_398] {strides = array<i32>} : memref<128x64xf32, #tpu.memory_space<vmem>>, vector<1x16xf32>,
        %swap3A_400 = vector.shape_cast %swap3A_399 : vector<1x16xf32> to vector<16xf32>
        %swap3A_401 = vector.shape_cast %mul3A_396 : vector<16xf32> to vector<1x16xf32>
        tpu.vector_store %arg7[%swap3A_397, %swap3A_398], %swap3A_401 {strides = array<i32>} : memref<128x64xf32, #tpu.memory_space<vmem>>, vector<1x16xf32>,
        %get3A_402 = arith.index_cast %add3A_365 : i32 to index
        %get3A_403 = arith.constant 48 : index
        %get3A_404 = tpu.vector_load %arg7[%get3A_402, %get3A_403] {strides = array<i32>} : memref<128x64xf32, #tpu.memory_space<vmem>>, vector<1x16xf32>,
        %get3A_405 = vector.shape_cast %get3A_404 : vector<1x16xf32> to vector<16xf32>
        %mul3A_406 = arith.constant 8.000000e+00 : f32
        %mul3A_407 = vector.broadcast %mul3A_406 : f32 to vector<16xf32>
        %mul3A_408 = arith.mulf %get3A_405, %mul3A_407 : vector<16xf32>
        %swap3A_409 = arith.index_cast %add3A_365 : i32 to index
        %swap3A_410 = arith.constant 48 : index
        %swap3A_411 = tpu.vector_load %arg7[%swap3A_409, %swap3A_410] {strides = array<i32>} : memref<128x64xf32, #tpu.memory_space<vmem>>, vector<1x16xf32>,
        %swap3A_412 = vector.shape_cast %swap3A_411 : vector<1x16xf32> to vector<16xf32>
        %swap3A_413 = vector.shape_cast %mul3A_408 : vector<16xf32> to vector<1x16xf32>
        tpu.vector_store %arg7[%swap3A_409, %swap3A_410], %swap3A_413 {strides = array<i32>} : memref<128x64xf32, #tpu.memory_space<vmem>>, vector<1x16xf32>,
        %mul3A_414 = arith.constant 4 : i32
        %mul3A_415 = arith.muli %scan3A_311, %mul3A_414 : i32
        %add3A_416 = arith.constant 2 : i32
        %add3A_417 = arith.addi %mul3A_415, %add3A_416 : i32
        %get3A_418 = arith.index_cast %add3A_417 : i32 to index
        %get3A_419 = arith.constant 0 : index
        %get3A_420 = tpu.vector_load %arg7[%get3A_418, %get3A_419] {strides = array<i32>} : memref<128x64xf32, #tpu.memory_space<vmem>>, vector<1x16xf32>,
        %get3A_421 = vector.shape_cast %get3A_420 : vector<1x16xf32> to vector<16xf32>
        %mul3A_422 = arith.constant 8.000000e+00 : f32
        %mul3A_423 = vector.broadcast %mul3A_422 : f32 to vector<16xf32>
        %mul3A_424 = arith.mulf %get3A_421, %mul3A_423 : vector<16xf32>
        %swap3A_425 = arith.index_cast %add3A_417 : i32 to index
        %swap3A_426 = arith.constant 0 : index
        %swap3A_427 = tpu.vector_load %arg7[%swap3A_425, %swap3A_426] {strides = array<i32>} : memref<128x64xf32, #tpu.memory_space<vmem>>, vector<1x16xf32>,
        %swap3A_428 = vector.shape_cast %swap3A_427 : vector<1x16xf32> to vector<16xf32>
        %swap3A_429 = vector.shape_cast %mul3A_424 : vector<16xf32> to vector<1x16xf32>
        tpu.vector_store %arg7[%swap3A_425, %swap3A_426], %swap3A_429 {strides = array<i32>} : memref<128x64xf32, #tpu.memory_space<vmem>>, vector<1x16xf32>,
        %get3A_430 = arith.index_cast %add3A_417 : i32 to index
        %get3A_431 = arith.constant 16 : index
        %get3A_432 = tpu.vector_load %arg7[%get3A_430, %get3A_431] {strides = array<i32>} : memref<128x64xf32, #tpu.memory_space<vmem>>, vector<1x16xf32>,
        %get3A_433 = vector.shape_cast %get3A_432 : vector<1x16xf32> to vector<16xf32>
        %mul3A_434 = arith.constant 8.000000e+00 : f32
        %mul3A_435 = vector.broadcast %mul3A_434 : f32 to vector<16xf32>
        %mul3A_436 = arith.mulf %get3A_433, %mul3A_435 : vector<16xf32>
        %swap3A_437 = arith.index_cast %add3A_417 : i32 to index
        %swap3A_438 = arith.constant 16 : index
        %swap3A_439 = tpu.vector_load %arg7[%swap3A_437, %swap3A_438] {strides = array<i32>} : memref<128x64xf32, #tpu.memory_space<vmem>>, vector<1x16xf32>,
        %swap3A_440 = vector.shape_cast %swap3A_439 : vector<1x16xf32> to vector<16xf32>
        %swap3A_441 = vector.shape_cast %mul3A_436 : vector<16xf32> to vector<1x16xf32>
        tpu.vector_store %arg7[%swap3A_437, %swap3A_438], %swap3A_441 {strides = array<i32>} : memref<128x64xf32, #tpu.memory_space<vmem>>, vector<1x16xf32>,
        %get3A_442 = arith.index_cast %add3A_417 : i32 to index
        %get3A_443 = arith.constant 32 : index
        %get3A_444 = tpu.vector_load %arg7[%get3A_442, %get3A_443] {strides = array<i32>} : memref<128x64xf32, #tpu.memory_space<vmem>>, vector<1x16xf32>,
        %get3A_445 = vector.shape_cast %get3A_444 : vector<1x16xf32> to vector<16xf32>
        %mul3A_446 = arith.constant 8.000000e+00 : f32
        %mul3A_447 = vector.broadcast %mul3A_446 : f32 to vector<16xf32>
        %mul3A_448 = arith.mulf %get3A_445, %mul3A_447 : vector<16xf32>
        %swap3A_449 = arith.index_cast %add3A_417 : i32 to index
        %swap3A_450 = arith.constant 32 : index
        %swap3A_451 = tpu.vector_load %arg7[%swap3A_449, %swap3A_450] {strides = array<i32>} : memref<128x64xf32, #tpu.memory_space<vmem>>, vector<1x16xf32>,
        %swap3A_452 = vector.shape_cast %swap3A_451 : vector<1x16xf32> to vector<16xf32>
        %swap3A_453 = vector.shape_cast %mul3A_448 : vector<16xf32> to vector<1x16xf32>
        tpu.vector_store %arg7[%swap3A_449, %swap3A_450], %swap3A_453 {strides = array<i32>} : memref<128x64xf32, #tpu.memory_space<vmem>>, vector<1x16xf32>,
        %get3A_454 = arith.index_cast %add3A_417 : i32 to index
        %get3A_455 = arith.constant 48 : index
        %get3A_456 = tpu.vector_load %arg7[%get3A_454, %get3A_455] {strides = array<i32>} : memref<128x64xf32, #tpu.memory_space<vmem>>, vector<1x16xf32>,
        %get3A_457 = vector.shape_cast %get3A_456 : vector<1x16xf32> to vector<16xf32>
        %mul3A_458 = arith.constant 8.000000e+00 : f32
        %mul3A_459 = vector.broadcast %mul3A_458 : f32 to vector<16xf32>
        %mul3A_460 = arith.mulf %get3A_457, %mul3A_459 : vector<16xf32>
        %swap3A_461 = arith.index_cast %add3A_417 : i32 to index
        %swap3A_462 = arith.constant 48 : index
        %swap3A_463 = tpu.vector_load %arg7[%swap3A_461, %swap3A_462] {strides = array<i32>} : memref<128x64xf32, #tpu.memory_space<vmem>>, vector<1x16xf32>,
        %swap3A_464 = vector.shape_cast %swap3A_463 : vector<1x16xf32> to vector<16xf32>
        %swap3A_465 = vector.shape_cast %mul3A_460 : vector<16xf32> to vector<1x16xf32>
        tpu.vector_store %arg7[%swap3A_461, %swap3A_462], %swap3A_465 {strides = array<i32>} : memref<128x64xf32, #tpu.memory_space<vmem>>, vector<1x16xf32>,
        %mul3A_466 = arith.constant 4 : i32
        %mul3A_467 = arith.muli %scan3A_311, %mul3A_466 : i32
        %add3A_468 = arith.constant 3 : i32
        %add3A_469 = arith.addi %mul3A_467, %add3A_468 : i32
        %get3A_470 = arith.index_cast %add3A_469 : i32 to index
        %get3A_471 = arith.constant 0 : index
        %get3A_472 = tpu.vector_load %arg7[%get3A_470, %get3A_471] {strides = array<i32>} : memref<128x64xf32, #tpu.memory_space<vmem>>, vector<1x16xf32>,
        %get3A_473 = vector.shape_cast %get3A_472 : vector<1x16xf32> to vector<16xf32>
        %mul3A_474 = arith.constant 8.000000e+00 : f32
        %mul3A_475 = vector.broadcast %mul3A_474 : f32 to vector<16xf32>
        %mul3A_476 = arith.mulf %get3A_473, %mul3A_475 : vector<16xf32>
        %swap3A_477 = arith.index_cast %add3A_469 : i32 to index
        %swap3A_478 = arith.constant 0 : index
        %swap3A_479 = tpu.vector_load %arg7[%swap3A_477, %swap3A_478] {strides = array<i32>} : memref<128x64xf32, #tpu.memory_space<vmem>>, vector<1x16xf32>,
        %swap3A_480 = vector.shape_cast %swap3A_479 : vector<1x16xf32> to vector<16xf32>
        %swap3A_481 = vector.shape_cast %mul3A_476 : vector<16xf32> to vector<1x16xf32>
        tpu.vector_store %arg7[%swap3A_477, %swap3A_478], %swap3A_481 {strides = array<i32>} : memref<128x64xf32, #tpu.memory_space<vmem>>, vector<1x16xf32>,
        %get3A_482 = arith.index_cast %add3A_469 : i32 to index
        %get3A_483 = arith.constant 16 : index
        %get3A_484 = tpu.vector_load %arg7[%get3A_482, %get3A_483] {strides = array<i32>} : memref<128x64xf32, #tpu.memory_space<vmem>>, vector<1x16xf32>,
        %get3A_485 = vector.shape_cast %get3A_484 : vector<1x16xf32> to vector<16xf32>
        %mul3A_486 = arith.constant 8.000000e+00 : f32
        %mul3A_487 = vector.broadcast %mul3A_486 : f32 to vector<16xf32>
        %mul3A_488 = arith.mulf %get3A_485, %mul3A_487 : vector<16xf32>
        %swap3A_489 = arith.index_cast %add3A_469 : i32 to index
        %swap3A_490 = arith.constant 16 : index
        %swap3A_491 = tpu.vector_load %arg7[%swap3A_489, %swap3A_490] {strides = array<i32>} : memref<128x64xf32, #tpu.memory_space<vmem>>, vector<1x16xf32>,
        %swap3A_492 = vector.shape_cast %swap3A_491 : vector<1x16xf32> to vector<16xf32>
        %swap3A_493 = vector.shape_cast %mul3A_488 : vector<16xf32> to vector<1x16xf32>
        tpu.vector_store %arg7[%swap3A_489, %swap3A_490], %swap3A_493 {strides = array<i32>} : memref<128x64xf32, #tpu.memory_space<vmem>>, vector<1x16xf32>,
        %get3A_494 = arith.index_cast %add3A_469 : i32 to index
        %get3A_495 = arith.constant 32 : index
        %get3A_496 = tpu.vector_load %arg7[%get3A_494, %get3A_495] {strides = array<i32>} : memref<128x64xf32, #tpu.memory_space<vmem>>, vector<1x16xf32>,
        %get3A_497 = vector.shape_cast %get3A_496 : vector<1x16xf32> to vector<16xf32>
        %mul3A_498 = arith.constant 8.000000e+00 : f32
        %mul3A_499 = vector.broadcast %mul3A_498 : f32 to vector<16xf32>
        %mul3A_500 = arith.mulf %get3A_497, %mul3A_499 : vector<16xf32>
        %swap3A_501 = arith.index_cast %add3A_469 : i32 to index
        %swap3A_502 = arith.constant 32 : index
        %swap3A_503 = tpu.vector_load %arg7[%swap3A_501, %swap3A_502] {strides = array<i32>} : memref<128x64xf32, #tpu.memory_space<vmem>>, vector<1x16xf32>,
        %swap3A_504 = vector.shape_cast %swap3A_503 : vector<1x16xf32> to vector<16xf32>
        %swap3A_505 = vector.shape_cast %mul3A_500 : vector<16xf32> to vector<1x16xf32>
        tpu.vector_store %arg7[%swap3A_501, %swap3A_502], %swap3A_505 {strides = array<i32>} : memref<128x64xf32, #tpu.memory_space<vmem>>, vector<1x16xf32>,
        %get3A_506 = arith.index_cast %add3A_469 : i32 to index
        %get3A_507 = arith.constant 48 : index
        %get3A_508 = tpu.vector_load %arg7[%get3A_506, %get3A_507] {strides = array<i32>} : memref<128x64xf32, #tpu.memory_space<vmem>>, vector<1x16xf32>,
        %get3A_509 = vector.shape_cast %get3A_508 : vector<1x16xf32> to vector<16xf32>
        %mul3A_510 = arith.constant 8.000000e+00 : f32
        %mul3A_511 = vector.broadcast %mul3A_510 : f32 to vector<16xf32>
        %mul3A_512 = arith.mulf %get3A_509, %mul3A_511 : vector<16xf32>
        %swap3A_513 = arith.index_cast %add3A_469 : i32 to index
        %swap3A_514 = arith.constant 48 : index
        %swap3A_515 = tpu.vector_load %arg7[%swap3A_513, %swap3A_514] {strides = array<i32>} : memref<128x64xf32, #tpu.memory_space<vmem>>, vector<1x16xf32>,
        %swap3A_516 = vector.shape_cast %swap3A_515 : vector<1x16xf32> to vector<16xf32>
        %swap3A_517 = vector.shape_cast %mul3A_512 : vector<16xf32> to vector<1x16xf32>
        tpu.vector_store %arg7[%swap3A_513, %swap3A_514], %swap3A_517 {strides = array<i32>} : memref<128x64xf32, #tpu.memory_space<vmem>>, vector<1x16xf32>,
      }
      %scan3A_104 = arith.constant 32 : i32
      %add3A_105 = arith.constant 1 : i32
      %add3A_106 = arith.addi %mul3A_8, %add3A_105 : i32
      %dma_start3A_107 = arith.constant 0 : i32
      %dma_start3A_108 = arith.constant 0 : i32
      %dma_start3A_109 = tpu.memref_slice %arg4[%add3A, %add3A_106, %dma_start3A_107, %dma_start3A_108] : memref<32x200x128x64xf32, #tpu.memory_space<hbm>> -> memref<1x1x128x64xf32, #tpu.memory_space<hbm>>
      %dma_start3A_110 = tpu.memref_squeeze %dma_start3A_109 : memref<1x1x128x64xf32, #tpu.memory_space<hbm>> -> memref<128x64xf32, #tpu.memory_space<hbm>>
      %dma_start3A_111 = arith.constant 0 : i32
      %dma_start3A_112 = arith.constant 0 : i32
      %dma_start3A_113 = tpu.memref_slice %arg4[%add3A, %add3A_106, %dma_start3A_111, %dma_start3A_112] : memref<32x200x128x64xf32, #tpu.memory_space<hbm>> -> memref<1x1x128x64xf32, #tpu.memory_space<hbm>>
      %dma_start3A_114 = tpu.memref_squeeze %dma_start3A_113 : memref<1x1x128x64xf32, #tpu.memory_space<hbm>> -> memref<128x64xf32, #tpu.memory_space<hbm>>
      tpu.enqueue_dma source(%arg7 : memref<128x64xf32, #tpu.memory_space<vmem>>) target(%dma_start3A_114 : memref<128x64xf32, #tpu.memory_space<hbm>>) target_semaphore(%arg23 : memref<!tpu.dma_semaphore, #tpu.memory_space<semaphore_mem>>)
      %dma_wait3A_115 = arith.constant 0 : i32
      %dma_wait3A_116 = tpu.memref_slice %arg5[%add3A_25, %dma_wait3A_115] : memref<200x128xi32, #tpu.memory_space<vmem>> -> memref<1x128xi32, #tpu.memory_space<vmem>>
      %dma_wait3A_117 = tpu.memref_squeeze %dma_wait3A_116 : memref<1x128xi32, #tpu.memory_space<vmem>> -> memref<128xi32, #tpu.memory_space<vmem>>
      %dma_wait3A_118 = arith.constant 0 : i32
      %dma_wait3A_119 = arith.constant 0 : i32
      %dma_wait3A_120 = tpu.memref_slice %arg2[%dma_wait3A_118, %dma_wait3A_119] : memref<1000000x64xf32, #tpu.memory_space<hbm>> -> memref<1000000x64xf32, #tpu.memory_space<hbm>>
      tpu.wait_indirect_dma semaphore(%arg16 : memref<!tpu.dma_semaphore, #tpu.memory_space<semaphore_mem>>) src(%dma_wait3A_120 : memref<1000000x64xf32, #tpu.memory_space<hbm>>) dst(%arg8 : memref<128x64xf32, #tpu.memory_space<vmem>>)
      %scan3A_121 = arith.constant 0 : i32
      %scan3A_122 = arith.constant 0 : i32
      %scan3A_123 = arith.constant 32 : i32
      %scan3A_124 = arith.addi %scan3A_122, %scan3A_123 : i32
      %scan3A_125 = arith.constant 1 : i32
      scf.for %scan3A_311 = %scan3A_122 to %scan3A_124 step %scan3A_125  : i32 {
        %mul3A_312 = arith.constant 4 : i32
        %mul3A_313 = arith.muli %scan3A_311, %mul3A_312 : i32
        %add3A_314 = arith.constant 0 : i32
        %add3A_315 = arith.addi %mul3A_313, %add3A_314 : i32
        %get3A = arith.index_cast %add3A_315 : i32 to index
        %get3A_316 = arith.constant 0 : index
        %get3A_317 = tpu.vector_load %arg8[%get3A, %get3A_316] {strides = array<i32>} : memref<128x64xf32, #tpu.memory_space<vmem>>, vector<1x16xf32>,
        %get3A_318 = vector.shape_cast %get3A_317 : vector<1x16xf32> to vector<16xf32>
        %mul3A_319 = arith.constant 8.000000e+00 : f32
        %mul3A_320 = vector.broadcast %mul3A_319 : f32 to vector<16xf32>
        %mul3A_321 = arith.mulf %get3A_318, %mul3A_320 : vector<16xf32>
        %swap3A = arith.index_cast %add3A_315 : i32 to index
        %swap3A_322 = arith.constant 0 : index
        %swap3A_323 = tpu.vector_load %arg8[%swap3A, %swap3A_322] {strides = array<i32>} : memref<128x64xf32, #tpu.memory_space<vmem>>, vector<1x16xf32>,
        %swap3A_324 = vector.shape_cast %swap3A_323 : vector<1x16xf32> to vector<16xf32>
        %swap3A_325 = vector.shape_cast %mul3A_321 : vector<16xf32> to vector<1x16xf32>
        tpu.vector_store %arg8[%swap3A, %swap3A_322], %swap3A_325 {strides = array<i32>} : memref<128x64xf32, #tpu.memory_space<vmem>>, vector<1x16xf32>,
        %get3A_326 = arith.index_cast %add3A_315 : i32 to index
        %get3A_327 = arith.constant 16 : index
        %get3A_328 = tpu.vector_load %arg8[%get3A_326, %get3A_327] {strides = array<i32>} : memref<128x64xf32, #tpu.memory_space<vmem>>, vector<1x16xf32>,
        %get3A_329 = vector.shape_cast %get3A_328 : vector<1x16xf32> to vector<16xf32>
        %mul3A_330 = arith.constant 8.000000e+00 : f32
        %mul3A_331 = vector.broadcast %mul3A_330 : f32 to vector<16xf32>
        %mul3A_332 = arith.mulf %get3A_329, %mul3A_331 : vector<16xf32>
        %swap3A_333 = arith.index_cast %add3A_315 : i32 to index
        %swap3A_334 = arith.constant 16 : index
        %swap3A_335 = tpu.vector_load %arg8[%swap3A_333, %swap3A_334] {strides = array<i32>} : memref<128x64xf32, #tpu.memory_space<vmem>>, vector<1x16xf32>,
        %swap3A_336 = vector.shape_cast %swap3A_335 : vector<1x16xf32> to vector<16xf32>
        %swap3A_337 = vector.shape_cast %mul3A_332 : vector<16xf32> to vector<1x16xf32>
        tpu.vector_store %arg8[%swap3A_333, %swap3A_334], %swap3A_337 {strides = array<i32>} : memref<128x64xf32, #tpu.memory_space<vmem>>, vector<1x16xf32>,
        %get3A_338 = arith.index_cast %add3A_315 : i32 to index
        %get3A_339 = arith.constant 32 : index
        %get3A_340 = tpu.vector_load %arg8[%get3A_338, %get3A_339] {strides = array<i32>} : memref<128x64xf32, #tpu.memory_space<vmem>>, vector<1x16xf32>,
        %get3A_341 = vector.shape_cast %get3A_340 : vector<1x16xf32> to vector<16xf32>
        %mul3A_342 = arith.constant 8.000000e+00 : f32
        %mul3A_343 = vector.broadcast %mul3A_342 : f32 to vector<16xf32>
        %mul3A_344 = arith.mulf %get3A_341, %mul3A_343 : vector<16xf32>
        %swap3A_345 = arith.index_cast %add3A_315 : i32 to index
        %swap3A_346 = arith.constant 32 : index
        %swap3A_347 = tpu.vector_load %arg8[%swap3A_345, %swap3A_346] {strides = array<i32>} : memref<128x64xf32, #tpu.memory_space<vmem>>, vector<1x16xf32>,
        %swap3A_348 = vector.shape_cast %swap3A_347 : vector<1x16xf32> to vector<16xf32>
        %swap3A_349 = vector.shape_cast %mul3A_344 : vector<16xf32> to vector<1x16xf32>
        tpu.vector_store %arg8[%swap3A_345, %swap3A_346], %swap3A_349 {strides = array<i32>} : memref<128x64xf32, #tpu.memory_space<vmem>>, vector<1x16xf32>,
        %get3A_350 = arith.index_cast %add3A_315 : i32 to index
        %get3A_351 = arith.constant 48 : index
        %get3A_352 = tpu.vector_load %arg8[%get3A_350, %get3A_351] {strides = array<i32>} : memref<128x64xf32, #tpu.memory_space<vmem>>, vector<1x16xf32>,
        %get3A_353 = vector.shape_cast %get3A_352 : vector<1x16xf32> to vector<16xf32>
        %mul3A_354 = arith.constant 8.000000e+00 : f32
        %mul3A_355 = vector.broadcast %mul3A_354 : f32 to vector<16xf32>
        %mul3A_356 = arith.mulf %get3A_353, %mul3A_355 : vector<16xf32>
        %swap3A_357 = arith.index_cast %add3A_315 : i32 to index
        %swap3A_358 = arith.constant 48 : index
        %swap3A_359 = tpu.vector_load %arg8[%swap3A_357, %swap3A_358] {strides = array<i32>} : memref<128x64xf32, #tpu.memory_space<vmem>>, vector<1x16xf32>,
        %swap3A_360 = vector.shape_cast %swap3A_359 : vector<1x16xf32> to vector<16xf32>
        %swap3A_361 = vector.shape_cast %mul3A_356 : vector<16xf32> to vector<1x16xf32>
        tpu.vector_store %arg8[%swap3A_357, %swap3A_358], %swap3A_361 {strides = array<i32>} : memref<128x64xf32, #tpu.memory_space<vmem>>, vector<1x16xf32>,
        %mul3A_362 = arith.constant 4 : i32
        %mul3A_363 = arith.muli %scan3A_311, %mul3A_362 : i32
        %add3A_364 = arith.constant 1 : i32
        %add3A_365 = arith.addi %mul3A_363, %add3A_364 : i32
        %get3A_366 = arith.index_cast %add3A_365 : i32 to index
        %get3A_367 = arith.constant 0 : index
        %get3A_368 = tpu.vector_load %arg8[%get3A_366, %get3A_367] {strides = array<i32>} : memref<128x64xf32, #tpu.memory_space<vmem>>, vector<1x16xf32>,
        %get3A_369 = vector.shape_cast %get3A_368 : vector<1x16xf32> to vector<16xf32>
        %mul3A_370 = arith.constant 8.000000e+00 : f32
        %mul3A_371 = vector.broadcast %mul3A_370 : f32 to vector<16xf32>
        %mul3A_372 = arith.mulf %get3A_369, %mul3A_371 : vector<16xf32>
        %swap3A_373 = arith.index_cast %add3A_365 : i32 to index
        %swap3A_374 = arith.constant 0 : index
        %swap3A_375 = tpu.vector_load %arg8[%swap3A_373, %swap3A_374] {strides = array<i32>} : memref<128x64xf32, #tpu.memory_space<vmem>>, vector<1x16xf32>,
        %swap3A_376 = vector.shape_cast %swap3A_375 : vector<1x16xf32> to vector<16xf32>
        %swap3A_377 = vector.shape_cast %mul3A_372 : vector<16xf32> to vector<1x16xf32>
        tpu.vector_store %arg8[%swap3A_373, %swap3A_374], %swap3A_377 {strides = array<i32>} : memref<128x64xf32, #tpu.memory_space<vmem>>, vector<1x16xf32>,
        %get3A_378 = arith.index_cast %add3A_365 : i32 to index
        %get3A_379 = arith.constant 16 : index
        %get3A_380 = tpu.vector_load %arg8[%get3A_378, %get3A_379] {strides = array<i32>} : memref<128x64xf32, #tpu.memory_space<vmem>>, vector<1x16xf32>,
        %get3A_381 = vector.shape_cast %get3A_380 : vector<1x16xf32> to vector<16xf32>
        %mul3A_382 = arith.constant 8.000000e+00 : f32
        %mul3A_383 = vector.broadcast %mul3A_382 : f32 to vector<16xf32>
        %mul3A_384 = arith.mulf %get3A_381, %mul3A_383 : vector<16xf32>
        %swap3A_385 = arith.index_cast %add3A_365 : i32 to index
        %swap3A_386 = arith.constant 16 : index
        %swap3A_387 = tpu.vector_load %arg8[%swap3A_385, %swap3A_386] {strides = array<i32>} : memref<128x64xf32, #tpu.memory_space<vmem>>, vector<1x16xf32>,
        %swap3A_388 = vector.shape_cast %swap3A_387 : vector<1x16xf32> to vector<16xf32>
        %swap3A_389 = vector.shape_cast %mul3A_384 : vector<16xf32> to vector<1x16xf32>
        tpu.vector_store %arg8[%swap3A_385, %swap3A_386], %swap3A_389 {strides = array<i32>} : memref<128x64xf32, #tpu.memory_space<vmem>>, vector<1x16xf32>,
        %get3A_390 = arith.index_cast %add3A_365 : i32 to index
        %get3A_391 = arith.constant 32 : index
        %get3A_392 = tpu.vector_load %arg8[%get3A_390, %get3A_391] {strides = array<i32>} : memref<128x64xf32, #tpu.memory_space<vmem>>, vector<1x16xf32>,
        %get3A_393 = vector.shape_cast %get3A_392 : vector<1x16xf32> to vector<16xf32>
        %mul3A_394 = arith.constant 8.000000e+00 : f32
        %mul3A_395 = vector.broadcast %mul3A_394 : f32 to vector<16xf32>
        %mul3A_396 = arith.mulf %get3A_393, %mul3A_395 : vector<16xf32>
        %swap3A_397 = arith.index_cast %add3A_365 : i32 to index
        %swap3A_398 = arith.constant 32 : index
        %swap3A_399 = tpu.vector_load %arg8[%swap3A_397, %swap3A_398] {strides = array<i32>} : memref<128x64xf32, #tpu.memory_space<vmem>>, vector<1x16xf32>,
        %swap3A_400 = vector.shape_cast %swap3A_399 : vector<1x16xf32> to vector<16xf32>
        %swap3A_401 = vector.shape_cast %mul3A_396 : vector<16xf32> to vector<1x16xf32>
        tpu.vector_store %arg8[%swap3A_397, %swap3A_398], %swap3A_401 {strides = array<i32>} : memref<128x64xf32, #tpu.memory_space<vmem>>, vector<1x16xf32>,
        %get3A_402 = arith.index_cast %add3A_365 : i32 to index
        %get3A_403 = arith.constant 48 : index
        %get3A_404 = tpu.vector_load %arg8[%get3A_402, %get3A_403] {strides = array<i32>} : memref<128x64xf32, #tpu.memory_space<vmem>>, vector<1x16xf32>,
        %get3A_405 = vector.shape_cast %get3A_404 : vector<1x16xf32> to vector<16xf32>
        %mul3A_406 = arith.constant 8.000000e+00 : f32
        %mul3A_407 = vector.broadcast %mul3A_406 : f32 to vector<16xf32>
        %mul3A_408 = arith.mulf %get3A_405, %mul3A_407 : vector<16xf32>
        %swap3A_409 = arith.index_cast %add3A_365 : i32 to index
        %swap3A_410 = arith.constant 48 : index
        %swap3A_411 = tpu.vector_load %arg8[%swap3A_409, %swap3A_410] {strides = array<i32>} : memref<128x64xf32, #tpu.memory_space<vmem>>, vector<1x16xf32>,
        %swap3A_412 = vector.shape_cast %swap3A_411 : vector<1x16xf32> to vector<16xf32>
        %swap3A_413 = vector.shape_cast %mul3A_408 : vector<16xf32> to vector<1x16xf32>
        tpu.vector_store %arg8[%swap3A_409, %swap3A_410], %swap3A_413 {strides = array<i32>} : memref<128x64xf32, #tpu.memory_space<vmem>>, vector<1x16xf32>,
        %mul3A_414 = arith.constant 4 : i32
        %mul3A_415 = arith.muli %scan3A_311, %mul3A_414 : i32
        %add3A_416 = arith.constant 2 : i32
        %add3A_417 = arith.addi %mul3A_415, %add3A_416 : i32
        %get3A_418 = arith.index_cast %add3A_417 : i32 to index
        %get3A_419 = arith.constant 0 : index
        %get3A_420 = tpu.vector_load %arg8[%get3A_418, %get3A_419] {strides = array<i32>} : memref<128x64xf32, #tpu.memory_space<vmem>>, vector<1x16xf32>,
        %get3A_421 = vector.shape_cast %get3A_420 : vector<1x16xf32> to vector<16xf32>
        %mul3A_422 = arith.constant 8.000000e+00 : f32
        %mul3A_423 = vector.broadcast %mul3A_422 : f32 to vector<16xf32>
        %mul3A_424 = arith.mulf %get3A_421, %mul3A_423 : vector<16xf32>
        %swap3A_425 = arith.index_cast %add3A_417 : i32 to index
        %swap3A_426 = arith.constant 0 : index
        %swap3A_427 = tpu.vector_load %arg8[%swap3A_425, %swap3A_426] {strides = array<i32>} : memref<128x64xf32, #tpu.memory_space<vmem>>, vector<1x16xf32>,
        %swap3A_428 = vector.shape_cast %swap3A_427 : vector<1x16xf32> to vector<16xf32>
        %swap3A_429 = vector.shape_cast %mul3A_424 : vector<16xf32> to vector<1x16xf32>
        tpu.vector_store %arg8[%swap3A_425, %swap3A_426], %swap3A_429 {strides = array<i32>} : memref<128x64xf32, #tpu.memory_space<vmem>>, vector<1x16xf32>,
        %get3A_430 = arith.index_cast %add3A_417 : i32 to index
        %get3A_431 = arith.constant 16 : index
        %get3A_432 = tpu.vector_load %arg8[%get3A_430, %get3A_431] {strides = array<i32>} : memref<128x64xf32, #tpu.memory_space<vmem>>, vector<1x16xf32>,
        %get3A_433 = vector.shape_cast %get3A_432 : vector<1x16xf32> to vector<16xf32>
        %mul3A_434 = arith.constant 8.000000e+00 : f32
        %mul3A_435 = vector.broadcast %mul3A_434 : f32 to vector<16xf32>
        %mul3A_436 = arith.mulf %get3A_433, %mul3A_435 : vector<16xf32>
        %swap3A_437 = arith.index_cast %add3A_417 : i32 to index
        %swap3A_438 = arith.constant 16 : index
        %swap3A_439 = tpu.vector_load %arg8[%swap3A_437, %swap3A_438] {strides = array<i32>} : memref<128x64xf32, #tpu.memory_space<vmem>>, vector<1x16xf32>,
        %swap3A_440 = vector.shape_cast %swap3A_439 : vector<1x16xf32> to vector<16xf32>
        %swap3A_441 = vector.shape_cast %mul3A_436 : vector<16xf32> to vector<1x16xf32>
        tpu.vector_store %arg8[%swap3A_437, %swap3A_438], %swap3A_441 {strides = array<i32>} : memref<128x64xf32, #tpu.memory_space<vmem>>, vector<1x16xf32>,
        %get3A_442 = arith.index_cast %add3A_417 : i32 to index
        %get3A_443 = arith.constant 32 : index
        %get3A_444 = tpu.vector_load %arg8[%get3A_442, %get3A_443] {strides = array<i32>} : memref<128x64xf32, #tpu.memory_space<vmem>>, vector<1x16xf32>,
        %get3A_445 = vector.shape_cast %get3A_444 : vector<1x16xf32> to vector<16xf32>
        %mul3A_446 = arith.constant 8.000000e+00 : f32
        %mul3A_447 = vector.broadcast %mul3A_446 : f32 to vector<16xf32>
        %mul3A_448 = arith.mulf %get3A_445, %mul3A_447 : vector<16xf32>
        %swap3A_449 = arith.index_cast %add3A_417 : i32 to index
        %swap3A_450 = arith.constant 32 : index
        %swap3A_451 = tpu.vector_load %arg8[%swap3A_449, %swap3A_450] {strides = array<i32>} : memref<128x64xf32, #tpu.memory_space<vmem>>, vector<1x16xf32>,
        %swap3A_452 = vector.shape_cast %swap3A_451 : vector<1x16xf32> to vector<16xf32>
        %swap3A_453 = vector.shape_cast %mul3A_448 : vector<16xf32> to vector<1x16xf32>
        tpu.vector_store %arg8[%swap3A_449, %swap3A_450], %swap3A_453 {strides = array<i32>} : memref<128x64xf32, #tpu.memory_space<vmem>>, vector<1x16xf32>,
        %get3A_454 = arith.index_cast %add3A_417 : i32 to index
        %get3A_455 = arith.constant 48 : index
        %get3A_456 = tpu.vector_load %arg8[%get3A_454, %get3A_455] {strides = array<i32>} : memref<128x64xf32, #tpu.memory_space<vmem>>, vector<1x16xf32>,
        %get3A_457 = vector.shape_cast %get3A_456 : vector<1x16xf32> to vector<16xf32>
        %mul3A_458 = arith.constant 8.000000e+00 : f32
        %mul3A_459 = vector.broadcast %mul3A_458 : f32 to vector<16xf32>
        %mul3A_460 = arith.mulf %get3A_457, %mul3A_459 : vector<16xf32>
        %swap3A_461 = arith.index_cast %add3A_417 : i32 to index
        %swap3A_462 = arith.constant 48 : index
        %swap3A_463 = tpu.vector_load %arg8[%swap3A_461, %swap3A_462] {strides = array<i32>} : memref<128x64xf32, #tpu.memory_space<vmem>>, vector<1x16xf32>,
        %swap3A_464 = vector.shape_cast %swap3A_463 : vector<1x16xf32> to vector<16xf32>
        %swap3A_465 = vector.shape_cast %mul3A_460 : vector<16xf32> to vector<1x16xf32>
        tpu.vector_store %arg8[%swap3A_461, %swap3A_462], %swap3A_465 {strides = array<i32>} : memref<128x64xf32, #tpu.memory_space<vmem>>, vector<1x16xf32>,
        %mul3A_466 = arith.constant 4 : i32
        %mul3A_467 = arith.muli %scan3A_311, %mul3A_466 : i32
        %add3A_468 = arith.constant 3 : i32
        %add3A_469 = arith.addi %mul3A_467, %add3A_468 : i32
        %get3A_470 = arith.index_cast %add3A_469 : i32 to index
        %get3A_471 = arith.constant 0 : index
        %get3A_472 = tpu.vector_load %arg8[%get3A_470, %get3A_471] {strides = array<i32>} : memref<128x64xf32, #tpu.memory_space<vmem>>, vector<1x16xf32>,
        %get3A_473 = vector.shape_cast %get3A_472 : vector<1x16xf32> to vector<16xf32>
        %mul3A_474 = arith.constant 8.000000e+00 : f32
        %mul3A_475 = vector.broadcast %mul3A_474 : f32 to vector<16xf32>
        %mul3A_476 = arith.mulf %get3A_473, %mul3A_475 : vector<16xf32>
        %swap3A_477 = arith.index_cast %add3A_469 : i32 to index
        %swap3A_478 = arith.constant 0 : index
        %swap3A_479 = tpu.vector_load %arg8[%swap3A_477, %swap3A_478] {strides = array<i32>} : memref<128x64xf32, #tpu.memory_space<vmem>>, vector<1x16xf32>,
        %swap3A_480 = vector.shape_cast %swap3A_479 : vector<1x16xf32> to vector<16xf32>
        %swap3A_481 = vector.shape_cast %mul3A_476 : vector<16xf32> to vector<1x16xf32>
        tpu.vector_store %arg8[%swap3A_477, %swap3A_478], %swap3A_481 {strides = array<i32>} : memref<128x64xf32, #tpu.memory_space<vmem>>, vector<1x16xf32>,
        %get3A_482 = arith.index_cast %add3A_469 : i32 to index
        %get3A_483 = arith.constant 16 : index
        %get3A_484 = tpu.vector_load %arg8[%get3A_482, %get3A_483] {strides = array<i32>} : memref<128x64xf32, #tpu.memory_space<vmem>>, vector<1x16xf32>,
        %get3A_485 = vector.shape_cast %get3A_484 : vector<1x16xf32> to vector<16xf32>
        %mul3A_486 = arith.constant 8.000000e+00 : f32
        %mul3A_487 = vector.broadcast %mul3A_486 : f32 to vector<16xf32>
        %mul3A_488 = arith.mulf %get3A_485, %mul3A_487 : vector<16xf32>
        %swap3A_489 = arith.index_cast %add3A_469 : i32 to index
        %swap3A_490 = arith.constant 16 : index
        %swap3A_491 = tpu.vector_load %arg8[%swap3A_489, %swap3A_490] {strides = array<i32>} : memref<128x64xf32, #tpu.memory_space<vmem>>, vector<1x16xf32>,
        %swap3A_492 = vector.shape_cast %swap3A_491 : vector<1x16xf32> to vector<16xf32>
        %swap3A_493 = vector.shape_cast %mul3A_488 : vector<16xf32> to vector<1x16xf32>
        tpu.vector_store %arg8[%swap3A_489, %swap3A_490], %swap3A_493 {strides = array<i32>} : memref<128x64xf32, #tpu.memory_space<vmem>>, vector<1x16xf32>,
        %get3A_494 = arith.index_cast %add3A_469 : i32 to index
        %get3A_495 = arith.constant 32 : index
        %get3A_496 = tpu.vector_load %arg8[%get3A_494, %get3A_495] {strides = array<i32>} : memref<128x64xf32, #tpu.memory_space<vmem>>, vector<1x16xf32>,
        %get3A_497 = vector.shape_cast %get3A_496 : vector<1x16xf32> to vector<16xf32>
        %mul3A_498 = arith.constant 8.000000e+00 : f32
        %mul3A_499 = vector.broadcast %mul3A_498 : f32 to vector<16xf32>
        %mul3A_500 = arith.mulf %get3A_497, %mul3A_499 : vector<16xf32>
        %swap3A_501 = arith.index_cast %add3A_469 : i32 to index
        %swap3A_502 = arith.constant 32 : index
        %swap3A_503 = tpu.vector_load %arg8[%swap3A_501, %swap3A_502] {strides = array<i32>} : memref<128x64xf32, #tpu.memory_space<vmem>>, vector<1x16xf32>,
        %swap3A_504 = vector.shape_cast %swap3A_503 : vector<1x16xf32> to vector<16xf32>
        %swap3A_505 = vector.shape_cast %mul3A_500 : vector<16xf32> to vector<1x16xf32>
        tpu.vector_store %arg8[%swap3A_501, %swap3A_502], %swap3A_505 {strides = array<i32>} : memref<128x64xf32, #tpu.memory_space<vmem>>, vector<1x16xf32>,
        %get3A_506 = arith.index_cast %add3A_469 : i32 to index
        %get3A_507 = arith.constant 48 : index
        %get3A_508 = tpu.vector_load %arg8[%get3A_506, %get3A_507] {strides = array<i32>} : memref<128x64xf32, #tpu.memory_space<vmem>>, vector<1x16xf32>,
        %get3A_509 = vector.shape_cast %get3A_508 : vector<1x16xf32> to vector<16xf32>
        %mul3A_510 = arith.constant 8.000000e+00 : f32
        %mul3A_511 = vector.broadcast %mul3A_510 : f32 to vector<16xf32>
        %mul3A_512 = arith.mulf %get3A_509, %mul3A_511 : vector<16xf32>
        %swap3A_513 = arith.index_cast %add3A_469 : i32 to index
        %swap3A_514 = arith.constant 48 : index
        %swap3A_515 = tpu.vector_load %arg8[%swap3A_513, %swap3A_514] {strides = array<i32>} : memref<128x64xf32, #tpu.memory_space<vmem>>, vector<1x16xf32>,
        %swap3A_516 = vector.shape_cast %swap3A_515 : vector<1x16xf32> to vector<16xf32>
        %swap3A_517 = vector.shape_cast %mul3A_512 : vector<16xf32> to vector<1x16xf32>
        tpu.vector_store %arg8[%swap3A_513, %swap3A_514], %swap3A_517 {strides = array<i32>} : memref<128x64xf32, #tpu.memory_space<vmem>>, vector<1x16xf32>,
      }
      %scan3A_126 = arith.constant 32 : i32
      %add3A_127 = arith.constant 2 : i32
      %add3A_128 = arith.addi %mul3A_8, %add3A_127 : i32
      %dma_start3A_129 = arith.constant 0 : i32
      %dma_start3A_130 = arith.constant 0 : i32
      %dma_start3A_131 = tpu.memref_slice %arg4[%add3A, %add3A_128, %dma_start3A_129, %dma_start3A_130] : memref<32x200x128x64xf32, #tpu.memory_space<hbm>> -> memref<1x1x128x64xf32, #tpu.memory_space<hbm>>
      %dma_start3A_132 = tpu.memref_squeeze %dma_start3A_131 : memref<1x1x128x64xf32, #tpu.memory_space<hbm>> -> memref<128x64xf32, #tpu.memory_space<hbm>>
      %dma_start3A_133 = arith.constant 0 : i32
      %dma_start3A_134 = arith.constant 0 : i32
      %dma_start3A_135 = tpu.memref_slice %arg4[%add3A, %add3A_128, %dma_start3A_133, %dma_start3A_134] : memref<32x200x128x64xf32, #tpu.memory_space<hbm>> -> memref<1x1x128x64xf32, #tpu.memory_space<hbm>>
      %dma_start3A_136 = tpu.memref_squeeze %dma_start3A_135 : memref<1x1x128x64xf32, #tpu.memory_space<hbm>> -> memref<128x64xf32, #tpu.memory_space<hbm>>
      tpu.enqueue_dma source(%arg8 : memref<128x64xf32, #tpu.memory_space<vmem>>) target(%dma_start3A_136 : memref<128x64xf32, #tpu.memory_space<hbm>>) target_semaphore(%arg24 : memref<!tpu.dma_semaphore, #tpu.memory_space<semaphore_mem>>)
      %dma_wait3A_137 = arith.constant 0 : i32
      %dma_wait3A_138 = tpu.memref_slice %arg5[%add3A_33, %dma_wait3A_137] : memref<200x128xi32, #tpu.memory_space<vmem>> -> memref<1x128xi32, #tpu.memory_space<vmem>>
      %dma_wait3A_139 = tpu.memref_squeeze %dma_wait3A_138 : memref<1x128xi32, #tpu.memory_space<vmem>> -> memref<128xi32, #tpu.memory_space<vmem>>
      %dma_wait3A_140 = arith.constant 0 : i32
      %dma_wait3A_141 = arith.constant 0 : i32
      %dma_wait3A_142 = tpu.memref_slice %arg2[%dma_wait3A_140, %dma_wait3A_141] : memref<1000000x64xf32, #tpu.memory_space<hbm>> -> memref<1000000x64xf32, #tpu.memory_space<hbm>>
      tpu.wait_indirect_dma semaphore(%arg17 : memref<!tpu.dma_semaphore, #tpu.memory_space<semaphore_mem>>) src(%dma_wait3A_142 : memref<1000000x64xf32, #tpu.memory_space<hbm>>) dst(%arg9 : memref<128x64xf32, #tpu.memory_space<vmem>>)
      %scan3A_143 = arith.constant 0 : i32
      %scan3A_144 = arith.constant 0 : i32
      %scan3A_145 = arith.constant 32 : i32
      %scan3A_146 = arith.addi %scan3A_144, %scan3A_145 : i32
      %scan3A_147 = arith.constant 1 : i32
      scf.for %scan3A_311 = %scan3A_144 to %scan3A_146 step %scan3A_147  : i32 {
        %mul3A_312 = arith.constant 4 : i32
        %mul3A_313 = arith.muli %scan3A_311, %mul3A_312 : i32
        %add3A_314 = arith.constant 0 : i32
        %add3A_315 = arith.addi %mul3A_313, %add3A_314 : i32
        %get3A = arith.index_cast %add3A_315 : i32 to index
        %get3A_316 = arith.constant 0 : index
        %get3A_317 = tpu.vector_load %arg9[%get3A, %get3A_316] {strides = array<i32>} : memref<128x64xf32, #tpu.memory_space<vmem>>, vector<1x16xf32>,
        %get3A_318 = vector.shape_cast %get3A_317 : vector<1x16xf32> to vector<16xf32>
        %mul3A_319 = arith.constant 8.000000e+00 : f32
        %mul3A_320 = vector.broadcast %mul3A_319 : f32 to vector<16xf32>
        %mul3A_321 = arith.mulf %get3A_318, %mul3A_320 : vector<16xf32>
        %swap3A = arith.index_cast %add3A_315 : i32 to index
        %swap3A_322 = arith.constant 0 : index
        %swap3A_323 = tpu.vector_load %arg9[%swap3A, %swap3A_322] {strides = array<i32>} : memref<128x64xf32, #tpu.memory_space<vmem>>, vector<1x16xf32>,
        %swap3A_324 = vector.shape_cast %swap3A_323 : vector<1x16xf32> to vector<16xf32>
        %swap3A_325 = vector.shape_cast %mul3A_321 : vector<16xf32> to vector<1x16xf32>
        tpu.vector_store %arg9[%swap3A, %swap3A_322], %swap3A_325 {strides = array<i32>} : memref<128x64xf32, #tpu.memory_space<vmem>>, vector<1x16xf32>,
        %get3A_326 = arith.index_cast %add3A_315 : i32 to index
        %get3A_327 = arith.constant 16 : index
        %get3A_328 = tpu.vector_load %arg9[%get3A_326, %get3A_327] {strides = array<i32>} : memref<128x64xf32, #tpu.memory_space<vmem>>, vector<1x16xf32>,
        %get3A_329 = vector.shape_cast %get3A_328 : vector<1x16xf32> to vector<16xf32>
        %mul3A_330 = arith.constant 8.000000e+00 : f32
        %mul3A_331 = vector.broadcast %mul3A_330 : f32 to vector<16xf32>
        %mul3A_332 = arith.mulf %get3A_329, %mul3A_331 : vector<16xf32>
        %swap3A_333 = arith.index_cast %add3A_315 : i32 to index
        %swap3A_334 = arith.constant 16 : index
        %swap3A_335 = tpu.vector_load %arg9[%swap3A_333, %swap3A_334] {strides = array<i32>} : memref<128x64xf32, #tpu.memory_space<vmem>>, vector<1x16xf32>,
        %swap3A_336 = vector.shape_cast %swap3A_335 : vector<1x16xf32> to vector<16xf32>
        %swap3A_337 = vector.shape_cast %mul3A_332 : vector<16xf32> to vector<1x16xf32>
        tpu.vector_store %arg9[%swap3A_333, %swap3A_334], %swap3A_337 {strides = array<i32>} : memref<128x64xf32, #tpu.memory_space<vmem>>, vector<1x16xf32>,
        %get3A_338 = arith.index_cast %add3A_315 : i32 to index
        %get3A_339 = arith.constant 32 : index
        %get3A_340 = tpu.vector_load %arg9[%get3A_338, %get3A_339] {strides = array<i32>} : memref<128x64xf32, #tpu.memory_space<vmem>>, vector<1x16xf32>,
        %get3A_341 = vector.shape_cast %get3A_340 : vector<1x16xf32> to vector<16xf32>
        %mul3A_342 = arith.constant 8.000000e+00 : f32
        %mul3A_343 = vector.broadcast %mul3A_342 : f32 to vector<16xf32>
        %mul3A_344 = arith.mulf %get3A_341, %mul3A_343 : vector<16xf32>
        %swap3A_345 = arith.index_cast %add3A_315 : i32 to index
        %swap3A_346 = arith.constant 32 : index
        %swap3A_347 = tpu.vector_load %arg9[%swap3A_345, %swap3A_346] {strides = array<i32>} : memref<128x64xf32, #tpu.memory_space<vmem>>, vector<1x16xf32>,
        %swap3A_348 = vector.shape_cast %swap3A_347 : vector<1x16xf32> to vector<16xf32>
        %swap3A_349 = vector.shape_cast %mul3A_344 : vector<16xf32> to vector<1x16xf32>
        tpu.vector_store %arg9[%swap3A_345, %swap3A_346], %swap3A_349 {strides = array<i32>} : memref<128x64xf32, #tpu.memory_space<vmem>>, vector<1x16xf32>,
        %get3A_350 = arith.index_cast %add3A_315 : i32 to index
        %get3A_351 = arith.constant 48 : index
        %get3A_352 = tpu.vector_load %arg9[%get3A_350, %get3A_351] {strides = array<i32>} : memref<128x64xf32, #tpu.memory_space<vmem>>, vector<1x16xf32>,
        %get3A_353 = vector.shape_cast %get3A_352 : vector<1x16xf32> to vector<16xf32>
        %mul3A_354 = arith.constant 8.000000e+00 : f32
        %mul3A_355 = vector.broadcast %mul3A_354 : f32 to vector<16xf32>
        %mul3A_356 = arith.mulf %get3A_353, %mul3A_355 : vector<16xf32>
        %swap3A_357 = arith.index_cast %add3A_315 : i32 to index
        %swap3A_358 = arith.constant 48 : index
        %swap3A_359 = tpu.vector_load %arg9[%swap3A_357, %swap3A_358] {strides = array<i32>} : memref<128x64xf32, #tpu.memory_space<vmem>>, vector<1x16xf32>,
        %swap3A_360 = vector.shape_cast %swap3A_359 : vector<1x16xf32> to vector<16xf32>
        %swap3A_361 = vector.shape_cast %mul3A_356 : vector<16xf32> to vector<1x16xf32>
        tpu.vector_store %arg9[%swap3A_357, %swap3A_358], %swap3A_361 {strides = array<i32>} : memref<128x64xf32, #tpu.memory_space<vmem>>, vector<1x16xf32>,
        %mul3A_362 = arith.constant 4 : i32
        %mul3A_363 = arith.muli %scan3A_311, %mul3A_362 : i32
        %add3A_364 = arith.constant 1 : i32
        %add3A_365 = arith.addi %mul3A_363, %add3A_364 : i32
        %get3A_366 = arith.index_cast %add3A_365 : i32 to index
        %get3A_367 = arith.constant 0 : index
        %get3A_368 = tpu.vector_load %arg9[%get3A_366, %get3A_367] {strides = array<i32>} : memref<128x64xf32, #tpu.memory_space<vmem>>, vector<1x16xf32>,
        %get3A_369 = vector.shape_cast %get3A_368 : vector<1x16xf32> to vector<16xf32>
        %mul3A_370 = arith.constant 8.000000e+00 : f32
        %mul3A_371 = vector.broadcast %mul3A_370 : f32 to vector<16xf32>
        %mul3A_372 = arith.mulf %get3A_369, %mul3A_371 : vector<16xf32>
        %swap3A_373 = arith.index_cast %add3A_365 : i32 to index
        %swap3A_374 = arith.constant 0 : index
        %swap3A_375 = tpu.vector_load %arg9[%swap3A_373, %swap3A_374] {strides = array<i32>} : memref<128x64xf32, #tpu.memory_space<vmem>>, vector<1x16xf32>,
        %swap3A_376 = vector.shape_cast %swap3A_375 : vector<1x16xf32> to vector<16xf32>
        %swap3A_377 = vector.shape_cast %mul3A_372 : vector<16xf32> to vector<1x16xf32>
        tpu.vector_store %arg9[%swap3A_373, %swap3A_374], %swap3A_377 {strides = array<i32>} : memref<128x64xf32, #tpu.memory_space<vmem>>, vector<1x16xf32>,
        %get3A_378 = arith.index_cast %add3A_365 : i32 to index
        %get3A_379 = arith.constant 16 : index
        %get3A_380 = tpu.vector_load %arg9[%get3A_378, %get3A_379] {strides = array<i32>} : memref<128x64xf32, #tpu.memory_space<vmem>>, vector<1x16xf32>,
        %get3A_381 = vector.shape_cast %get3A_380 : vector<1x16xf32> to vector<16xf32>
        %mul3A_382 = arith.constant 8.000000e+00 : f32
        %mul3A_383 = vector.broadcast %mul3A_382 : f32 to vector<16xf32>
        %mul3A_384 = arith.mulf %get3A_381, %mul3A_383 : vector<16xf32>
        %swap3A_385 = arith.index_cast %add3A_365 : i32 to index
        %swap3A_386 = arith.constant 16 : index
        %swap3A_387 = tpu.vector_load %arg9[%swap3A_385, %swap3A_386] {strides = array<i32>} : memref<128x64xf32, #tpu.memory_space<vmem>>, vector<1x16xf32>,
        %swap3A_388 = vector.shape_cast %swap3A_387 : vector<1x16xf32> to vector<16xf32>
        %swap3A_389 = vector.shape_cast %mul3A_384 : vector<16xf32> to vector<1x16xf32>
        tpu.vector_store %arg9[%swap3A_385, %swap3A_386], %swap3A_389 {strides = array<i32>} : memref<128x64xf32, #tpu.memory_space<vmem>>, vector<1x16xf32>,
        %get3A_390 = arith.index_cast %add3A_365 : i32 to index
        %get3A_391 = arith.constant 32 : index
        %get3A_392 = tpu.vector_load %arg9[%get3A_390, %get3A_391] {strides = array<i32>} : memref<128x64xf32, #tpu.memory_space<vmem>>, vector<1x16xf32>,
        %get3A_393 = vector.shape_cast %get3A_392 : vector<1x16xf32> to vector<16xf32>
        %mul3A_394 = arith.constant 8.000000e+00 : f32
        %mul3A_395 = vector.broadcast %mul3A_394 : f32 to vector<16xf32>
        %mul3A_396 = arith.mulf %get3A_393, %mul3A_395 : vector<16xf32>
        %swap3A_397 = arith.index_cast %add3A_365 : i32 to index
        %swap3A_398 = arith.constant 32 : index
        %swap3A_399 = tpu.vector_load %arg9[%swap3A_397, %swap3A_398] {strides = array<i32>} : memref<128x64xf32, #tpu.memory_space<vmem>>, vector<1x16xf32>,
        %swap3A_400 = vector.shape_cast %swap3A_399 : vector<1x16xf32> to vector<16xf32>
        %swap3A_401 = vector.shape_cast %mul3A_396 : vector<16xf32> to vector<1x16xf32>
        tpu.vector_store %arg9[%swap3A_397, %swap3A_398], %swap3A_401 {strides = array<i32>} : memref<128x64xf32, #tpu.memory_space<vmem>>, vector<1x16xf32>,
        %get3A_402 = arith.index_cast %add3A_365 : i32 to index
        %get3A_403 = arith.constant 48 : index
        %get3A_404 = tpu.vector_load %arg9[%get3A_402, %get3A_403] {strides = array<i32>} : memref<128x64xf32, #tpu.memory_space<vmem>>, vector<1x16xf32>,
        %get3A_405 = vector.shape_cast %get3A_404 : vector<1x16xf32> to vector<16xf32>
        %mul3A_406 = arith.constant 8.000000e+00 : f32
        %mul3A_407 = vector.broadcast %mul3A_406 : f32 to vector<16xf32>
        %mul3A_408 = arith.mulf %get3A_405, %mul3A_407 : vector<16xf32>
        %swap3A_409 = arith.index_cast %add3A_365 : i32 to index
        %swap3A_410 = arith.constant 48 : index
        %swap3A_411 = tpu.vector_load %arg9[%swap3A_409, %swap3A_410] {strides = array<i32>} : memref<128x64xf32, #tpu.memory_space<vmem>>, vector<1x16xf32>,
        %swap3A_412 = vector.shape_cast %swap3A_411 : vector<1x16xf32> to vector<16xf32>
        %swap3A_413 = vector.shape_cast %mul3A_408 : vector<16xf32> to vector<1x16xf32>
        tpu.vector_store %arg9[%swap3A_409, %swap3A_410], %swap3A_413 {strides = array<i32>} : memref<128x64xf32, #tpu.memory_space<vmem>>, vector<1x16xf32>,
        %mul3A_414 = arith.constant 4 : i32
        %mul3A_415 = arith.muli %scan3A_311, %mul3A_414 : i32
        %add3A_416 = arith.constant 2 : i32
        %add3A_417 = arith.addi %mul3A_415, %add3A_416 : i32
        %get3A_418 = arith.index_cast %add3A_417 : i32 to index
        %get3A_419 = arith.constant 0 : index
        %get3A_420 = tpu.vector_load %arg9[%get3A_418, %get3A_419] {strides = array<i32>} : memref<128x64xf32, #tpu.memory_space<vmem>>, vector<1x16xf32>,
        %get3A_421 = vector.shape_cast %get3A_420 : vector<1x16xf32> to vector<16xf32>
        %mul3A_422 = arith.constant 8.000000e+00 : f32
        %mul3A_423 = vector.broadcast %mul3A_422 : f32 to vector<16xf32>
        %mul3A_424 = arith.mulf %get3A_421, %mul3A_423 : vector<16xf32>
        %swap3A_425 = arith.index_cast %add3A_417 : i32 to index
        %swap3A_426 = arith.constant 0 : index
        %swap3A_427 = tpu.vector_load %arg9[%swap3A_425, %swap3A_426] {strides = array<i32>} : memref<128x64xf32, #tpu.memory_space<vmem>>, vector<1x16xf32>,
        %swap3A_428 = vector.shape_cast %swap3A_427 : vector<1x16xf32> to vector<16xf32>
        %swap3A_429 = vector.shape_cast %mul3A_424 : vector<16xf32> to vector<1x16xf32>
        tpu.vector_store %arg9[%swap3A_425, %swap3A_426], %swap3A_429 {strides = array<i32>} : memref<128x64xf32, #tpu.memory_space<vmem>>, vector<1x16xf32>,
        %get3A_430 = arith.index_cast %add3A_417 : i32 to index
        %get3A_431 = arith.constant 16 : index
        %get3A_432 = tpu.vector_load %arg9[%get3A_430, %get3A_431] {strides = array<i32>} : memref<128x64xf32, #tpu.memory_space<vmem>>, vector<1x16xf32>,
        %get3A_433 = vector.shape_cast %get3A_432 : vector<1x16xf32> to vector<16xf32>
        %mul3A_434 = arith.constant 8.000000e+00 : f32
        %mul3A_435 = vector.broadcast %mul3A_434 : f32 to vector<16xf32>
        %mul3A_436 = arith.mulf %get3A_433, %mul3A_435 : vector<16xf32>
        %swap3A_437 = arith.index_cast %add3A_417 : i32 to index
        %swap3A_438 = arith.constant 16 : index
        %swap3A_439 = tpu.vector_load %arg9[%swap3A_437, %swap3A_438] {strides = array<i32>} : memref<128x64xf32, #tpu.memory_space<vmem>>, vector<1x16xf32>,
        %swap3A_440 = vector.shape_cast %swap3A_439 : vector<1x16xf32> to vector<16xf32>
        %swap3A_441 = vector.shape_cast %mul3A_436 : vector<16xf32> to vector<1x16xf32>
        tpu.vector_store %arg9[%swap3A_437, %swap3A_438], %swap3A_441 {strides = array<i32>} : memref<128x64xf32, #tpu.memory_space<vmem>>, vector<1x16xf32>,
        %get3A_442 = arith.index_cast %add3A_417 : i32 to index
        %get3A_443 = arith.constant 32 : index
        %get3A_444 = tpu.vector_load %arg9[%get3A_442, %get3A_443] {strides = array<i32>} : memref<128x64xf32, #tpu.memory_space<vmem>>, vector<1x16xf32>,
        %get3A_445 = vector.shape_cast %get3A_444 : vector<1x16xf32> to vector<16xf32>
        %mul3A_446 = arith.constant 8.000000e+00 : f32
        %mul3A_447 = vector.broadcast %mul3A_446 : f32 to vector<16xf32>
        %mul3A_448 = arith.mulf %get3A_445, %mul3A_447 : vector<16xf32>
        %swap3A_449 = arith.index_cast %add3A_417 : i32 to index
        %swap3A_450 = arith.constant 32 : index
        %swap3A_451 = tpu.vector_load %arg9[%swap3A_449, %swap3A_450] {strides = array<i32>} : memref<128x64xf32, #tpu.memory_space<vmem>>, vector<1x16xf32>,
        %swap3A_452 = vector.shape_cast %swap3A_451 : vector<1x16xf32> to vector<16xf32>
        %swap3A_453 = vector.shape_cast %mul3A_448 : vector<16xf32> to vector<1x16xf32>
        tpu.vector_store %arg9[%swap3A_449, %swap3A_450], %swap3A_453 {strides = array<i32>} : memref<128x64xf32, #tpu.memory_space<vmem>>, vector<1x16xf32>,
        %get3A_454 = arith.index_cast %add3A_417 : i32 to index
        %get3A_455 = arith.constant 48 : index
        %get3A_456 = tpu.vector_load %arg9[%get3A_454, %get3A_455] {strides = array<i32>} : memref<128x64xf32, #tpu.memory_space<vmem>>, vector<1x16xf32>,
        %get3A_457 = vector.shape_cast %get3A_456 : vector<1x16xf32> to vector<16xf32>
        %mul3A_458 = arith.constant 8.000000e+00 : f32
        %mul3A_459 = vector.broadcast %mul3A_458 : f32 to vector<16xf32>
        %mul3A_460 = arith.mulf %get3A_457, %mul3A_459 : vector<16xf32>
        %swap3A_461 = arith.index_cast %add3A_417 : i32 to index
        %swap3A_462 = arith.constant 48 : index
        %swap3A_463 = tpu.vector_load %arg9[%swap3A_461, %swap3A_462] {strides = array<i32>} : memref<128x64xf32, #tpu.memory_space<vmem>>, vector<1x16xf32>,
        %swap3A_464 = vector.shape_cast %swap3A_463 : vector<1x16xf32> to vector<16xf32>
        %swap3A_465 = vector.shape_cast %mul3A_460 : vector<16xf32> to vector<1x16xf32>
        tpu.vector_store %arg9[%swap3A_461, %swap3A_462], %swap3A_465 {strides = array<i32>} : memref<128x64xf32, #tpu.memory_space<vmem>>, vector<1x16xf32>,
        %mul3A_466 = arith.constant 4 : i32
        %mul3A_467 = arith.muli %scan3A_311, %mul3A_466 : i32
        %add3A_468 = arith.constant 3 : i32
        %add3A_469 = arith.addi %mul3A_467, %add3A_468 : i32
        %get3A_470 = arith.index_cast %add3A_469 : i32 to index
        %get3A_471 = arith.constant 0 : index
        %get3A_472 = tpu.vector_load %arg9[%get3A_470, %get3A_471] {strides = array<i32>} : memref<128x64xf32, #tpu.memory_space<vmem>>, vector<1x16xf32>,
        %get3A_473 = vector.shape_cast %get3A_472 : vector<1x16xf32> to vector<16xf32>
        %mul3A_474 = arith.constant 8.000000e+00 : f32
        %mul3A_475 = vector.broadcast %mul3A_474 : f32 to vector<16xf32>
        %mul3A_476 = arith.mulf %get3A_473, %mul3A_475 : vector<16xf32>
        %swap3A_477 = arith.index_cast %add3A_469 : i32 to index
        %swap3A_478 = arith.constant 0 : index
        %swap3A_479 = tpu.vector_load %arg9[%swap3A_477, %swap3A_478] {strides = array<i32>} : memref<128x64xf32, #tpu.memory_space<vmem>>, vector<1x16xf32>,
        %swap3A_480 = vector.shape_cast %swap3A_479 : vector<1x16xf32> to vector<16xf32>
        %swap3A_481 = vector.shape_cast %mul3A_476 : vector<16xf32> to vector<1x16xf32>
        tpu.vector_store %arg9[%swap3A_477, %swap3A_478], %swap3A_481 {strides = array<i32>} : memref<128x64xf32, #tpu.memory_space<vmem>>, vector<1x16xf32>,
        %get3A_482 = arith.index_cast %add3A_469 : i32 to index
        %get3A_483 = arith.constant 16 : index
        %get3A_484 = tpu.vector_load %arg9[%get3A_482, %get3A_483] {strides = array<i32>} : memref<128x64xf32, #tpu.memory_space<vmem>>, vector<1x16xf32>,
        %get3A_485 = vector.shape_cast %get3A_484 : vector<1x16xf32> to vector<16xf32>
        %mul3A_486 = arith.constant 8.000000e+00 : f32
        %mul3A_487 = vector.broadcast %mul3A_486 : f32 to vector<16xf32>
        %mul3A_488 = arith.mulf %get3A_485, %mul3A_487 : vector<16xf32>
        %swap3A_489 = arith.index_cast %add3A_469 : i32 to index
        %swap3A_490 = arith.constant 16 : index
        %swap3A_491 = tpu.vector_load %arg9[%swap3A_489, %swap3A_490] {strides = array<i32>} : memref<128x64xf32, #tpu.memory_space<vmem>>, vector<1x16xf32>,
        %swap3A_492 = vector.shape_cast %swap3A_491 : vector<1x16xf32> to vector<16xf32>
        %swap3A_493 = vector.shape_cast %mul3A_488 : vector<16xf32> to vector<1x16xf32>
        tpu.vector_store %arg9[%swap3A_489, %swap3A_490], %swap3A_493 {strides = array<i32>} : memref<128x64xf32, #tpu.memory_space<vmem>>, vector<1x16xf32>,
        %get3A_494 = arith.index_cast %add3A_469 : i32 to index
        %get3A_495 = arith.constant 32 : index
        %get3A_496 = tpu.vector_load %arg9[%get3A_494, %get3A_495] {strides = array<i32>} : memref<128x64xf32, #tpu.memory_space<vmem>>, vector<1x16xf32>,
        %get3A_497 = vector.shape_cast %get3A_496 : vector<1x16xf32> to vector<16xf32>
        %mul3A_498 = arith.constant 8.000000e+00 : f32
        %mul3A_499 = vector.broadcast %mul3A_498 : f32 to vector<16xf32>
        %mul3A_500 = arith.mulf %get3A_497, %mul3A_499 : vector<16xf32>
        %swap3A_501 = arith.index_cast %add3A_469 : i32 to index
        %swap3A_502 = arith.constant 32 : index
        %swap3A_503 = tpu.vector_load %arg9[%swap3A_501, %swap3A_502] {strides = array<i32>} : memref<128x64xf32, #tpu.memory_space<vmem>>, vector<1x16xf32>,
        %swap3A_504 = vector.shape_cast %swap3A_503 : vector<1x16xf32> to vector<16xf32>
        %swap3A_505 = vector.shape_cast %mul3A_500 : vector<16xf32> to vector<1x16xf32>
        tpu.vector_store %arg9[%swap3A_501, %swap3A_502], %swap3A_505 {strides = array<i32>} : memref<128x64xf32, #tpu.memory_space<vmem>>, vector<1x16xf32>,
        %get3A_506 = arith.index_cast %add3A_469 : i32 to index
        %get3A_507 = arith.constant 48 : index
        %get3A_508 = tpu.vector_load %arg9[%get3A_506, %get3A_507] {strides = array<i32>} : memref<128x64xf32, #tpu.memory_space<vmem>>, vector<1x16xf32>,
        %get3A_509 = vector.shape_cast %get3A_508 : vector<1x16xf32> to vector<16xf32>
        %mul3A_510 = arith.constant 8.000000e+00 : f32
        %mul3A_511 = vector.broadcast %mul3A_510 : f32 to vector<16xf32>
        %mul3A_512 = arith.mulf %get3A_509, %mul3A_511 : vector<16xf32>
        %swap3A_513 = arith.index_cast %add3A_469 : i32 to index
        %swap3A_514 = arith.constant 48 : index
        %swap3A_515 = tpu.vector_load %arg9[%swap3A_513, %swap3A_514] {strides = array<i32>} : memref<128x64xf32, #tpu.memory_space<vmem>>, vector<1x16xf32>,
        %swap3A_516 = vector.shape_cast %swap3A_515 : vector<1x16xf32> to vector<16xf32>
        %swap3A_517 = vector.shape_cast %mul3A_512 : vector<16xf32> to vector<1x16xf32>
        tpu.vector_store %arg9[%swap3A_513, %swap3A_514], %swap3A_517 {strides = array<i32>} : memref<128x64xf32, #tpu.memory_space<vmem>>, vector<1x16xf32>,
      }
      %scan3A_148 = arith.constant 32 : i32
      %add3A_149 = arith.constant 3 : i32
      %add3A_150 = arith.addi %mul3A_8, %add3A_149 : i32
      %dma_start3A_151 = arith.constant 0 : i32
      %dma_start3A_152 = arith.constant 0 : i32
      %dma_start3A_153 = tpu.memref_slice %arg4[%add3A, %add3A_150, %dma_start3A_151, %dma_start3A_152] : memref<32x200x128x64xf32, #tpu.memory_space<hbm>> -> memref<1x1x128x64xf32, #tpu.memory_space<hbm>>
      %dma_start3A_154 = tpu.memref_squeeze %dma_start3A_153 : memref<1x1x128x64xf32, #tpu.memory_space<hbm>> -> memref<128x64xf32, #tpu.memory_space<hbm>>
      %dma_start3A_155 = arith.constant 0 : i32
      %dma_start3A_156 = arith.constant 0 : i32
      %dma_start3A_157 = tpu.memref_slice %arg4[%add3A, %add3A_150, %dma_start3A_155, %dma_start3A_156] : memref<32x200x128x64xf32, #tpu.memory_space<hbm>> -> memref<1x1x128x64xf32, #tpu.memory_space<hbm>>
      %dma_start3A_158 = tpu.memref_squeeze %dma_start3A_157 : memref<1x1x128x64xf32, #tpu.memory_space<hbm>> -> memref<128x64xf32, #tpu.memory_space<hbm>>
      tpu.enqueue_dma source(%arg9 : memref<128x64xf32, #tpu.memory_space<vmem>>) target(%dma_start3A_158 : memref<128x64xf32, #tpu.memory_space<hbm>>) target_semaphore(%arg25 : memref<!tpu.dma_semaphore, #tpu.memory_space<semaphore_mem>>)
      %dma_wait3A_159 = arith.constant 0 : i32
      %dma_wait3A_160 = tpu.memref_slice %arg5[%add3A_41, %dma_wait3A_159] : memref<200x128xi32, #tpu.memory_space<vmem>> -> memref<1x128xi32, #tpu.memory_space<vmem>>
      %dma_wait3A_161 = tpu.memref_squeeze %dma_wait3A_160 : memref<1x128xi32, #tpu.memory_space<vmem>> -> memref<128xi32, #tpu.memory_space<vmem>>
      %dma_wait3A_162 = arith.constant 0 : i32
      %dma_wait3A_163 = arith.constant 0 : i32
      %dma_wait3A_164 = tpu.memref_slice %arg2[%dma_wait3A_162, %dma_wait3A_163] : memref<1000000x64xf32, #tpu.memory_space<hbm>> -> memref<1000000x64xf32, #tpu.memory_space<hbm>>
      tpu.wait_indirect_dma semaphore(%arg18 : memref<!tpu.dma_semaphore, #tpu.memory_space<semaphore_mem>>) src(%dma_wait3A_164 : memref<1000000x64xf32, #tpu.memory_space<hbm>>) dst(%arg10 : memref<128x64xf32, #tpu.memory_space<vmem>>)
      %scan3A_165 = arith.constant 0 : i32
      %scan3A_166 = arith.constant 0 : i32
      %scan3A_167 = arith.constant 32 : i32
      %scan3A_168 = arith.addi %scan3A_166, %scan3A_167 : i32
      %scan3A_169 = arith.constant 1 : i32
      scf.for %scan3A_311 = %scan3A_166 to %scan3A_168 step %scan3A_169  : i32 {
        %mul3A_312 = arith.constant 4 : i32
        %mul3A_313 = arith.muli %scan3A_311, %mul3A_312 : i32
        %add3A_314 = arith.constant 0 : i32
        %add3A_315 = arith.addi %mul3A_313, %add3A_314 : i32
        %get3A = arith.index_cast %add3A_315 : i32 to index
        %get3A_316 = arith.constant 0 : index
        %get3A_317 = tpu.vector_load %arg10[%get3A, %get3A_316] {strides = array<i32>} : memref<128x64xf32, #tpu.memory_space<vmem>>, vector<1x16xf32>,
        %get3A_318 = vector.shape_cast %get3A_317 : vector<1x16xf32> to vector<16xf32>
        %mul3A_319 = arith.constant 8.000000e+00 : f32
        %mul3A_320 = vector.broadcast %mul3A_319 : f32 to vector<16xf32>
        %mul3A_321 = arith.mulf %get3A_318, %mul3A_320 : vector<16xf32>
        %swap3A = arith.index_cast %add3A_315 : i32 to index
        %swap3A_322 = arith.constant 0 : index
        %swap3A_323 = tpu.vector_load %arg10[%swap3A, %swap3A_322] {strides = array<i32>} : memref<128x64xf32, #tpu.memory_space<vmem>>, vector<1x16xf32>,
        %swap3A_324 = vector.shape_cast %swap3A_323 : vector<1x16xf32> to vector<16xf32>
        %swap3A_325 = vector.shape_cast %mul3A_321 : vector<16xf32> to vector<1x16xf32>
        tpu.vector_store %arg10[%swap3A, %swap3A_322], %swap3A_325 {strides = array<i32>} : memref<128x64xf32, #tpu.memory_space<vmem>>, vector<1x16xf32>,
        %get3A_326 = arith.index_cast %add3A_315 : i32 to index
        %get3A_327 = arith.constant 16 : index
        %get3A_328 = tpu.vector_load %arg10[%get3A_326, %get3A_327] {strides = array<i32>} : memref<128x64xf32, #tpu.memory_space<vmem>>, vector<1x16xf32>,
        %get3A_329 = vector.shape_cast %get3A_328 : vector<1x16xf32> to vector<16xf32>
        %mul3A_330 = arith.constant 8.000000e+00 : f32
        %mul3A_331 = vector.broadcast %mul3A_330 : f32 to vector<16xf32>
        %mul3A_332 = arith.mulf %get3A_329, %mul3A_331 : vector<16xf32>
        %swap3A_333 = arith.index_cast %add3A_315 : i32 to index
        %swap3A_334 = arith.constant 16 : index
        %swap3A_335 = tpu.vector_load %arg10[%swap3A_333, %swap3A_334] {strides = array<i32>} : memref<128x64xf32, #tpu.memory_space<vmem>>, vector<1x16xf32>,
        %swap3A_336 = vector.shape_cast %swap3A_335 : vector<1x16xf32> to vector<16xf32>
        %swap3A_337 = vector.shape_cast %mul3A_332 : vector<16xf32> to vector<1x16xf32>
        tpu.vector_store %arg10[%swap3A_333, %swap3A_334], %swap3A_337 {strides = array<i32>} : memref<128x64xf32, #tpu.memory_space<vmem>>, vector<1x16xf32>,
        %get3A_338 = arith.index_cast %add3A_315 : i32 to index
        %get3A_339 = arith.constant 32 : index
        %get3A_340 = tpu.vector_load %arg10[%get3A_338, %get3A_339] {strides = array<i32>} : memref<128x64xf32, #tpu.memory_space<vmem>>, vector<1x16xf32>,
        %get3A_341 = vector.shape_cast %get3A_340 : vector<1x16xf32> to vector<16xf32>
        %mul3A_342 = arith.constant 8.000000e+00 : f32
        %mul3A_343 = vector.broadcast %mul3A_342 : f32 to vector<16xf32>
        %mul3A_344 = arith.mulf %get3A_341, %mul3A_343 : vector<16xf32>
        %swap3A_345 = arith.index_cast %add3A_315 : i32 to index
        %swap3A_346 = arith.constant 32 : index
        %swap3A_347 = tpu.vector_load %arg10[%swap3A_345, %swap3A_346] {strides = array<i32>} : memref<128x64xf32, #tpu.memory_space<vmem>>, vector<1x16xf32>,
        %swap3A_348 = vector.shape_cast %swap3A_347 : vector<1x16xf32> to vector<16xf32>
        %swap3A_349 = vector.shape_cast %mul3A_344 : vector<16xf32> to vector<1x16xf32>
        tpu.vector_store %arg10[%swap3A_345, %swap3A_346], %swap3A_349 {strides = array<i32>} : memref<128x64xf32, #tpu.memory_space<vmem>>, vector<1x16xf32>,
        %get3A_350 = arith.index_cast %add3A_315 : i32 to index
        %get3A_351 = arith.constant 48 : index
        %get3A_352 = tpu.vector_load %arg10[%get3A_350, %get3A_351] {strides = array<i32>} : memref<128x64xf32, #tpu.memory_space<vmem>>, vector<1x16xf32>,
        %get3A_353 = vector.shape_cast %get3A_352 : vector<1x16xf32> to vector<16xf32>
        %mul3A_354 = arith.constant 8.000000e+00 : f32
        %mul3A_355 = vector.broadcast %mul3A_354 : f32 to vector<16xf32>
        %mul3A_356 = arith.mulf %get3A_353, %mul3A_355 : vector<16xf32>
        %swap3A_357 = arith.index_cast %add3A_315 : i32 to index
        %swap3A_358 = arith.constant 48 : index
        %swap3A_359 = tpu.vector_load %arg10[%swap3A_357, %swap3A_358] {strides = array<i32>} : memref<128x64xf32, #tpu.memory_space<vmem>>, vector<1x16xf32>,
        %swap3A_360 = vector.shape_cast %swap3A_359 : vector<1x16xf32> to vector<16xf32>
        %swap3A_361 = vector.shape_cast %mul3A_356 : vector<16xf32> to vector<1x16xf32>
        tpu.vector_store %arg10[%swap3A_357, %swap3A_358], %swap3A_361 {strides = array<i32>} : memref<128x64xf32, #tpu.memory_space<vmem>>, vector<1x16xf32>,
        %mul3A_362 = arith.constant 4 : i32
        %mul3A_363 = arith.muli %scan3A_311, %mul3A_362 : i32
        %add3A_364 = arith.constant 1 : i32
        %add3A_365 = arith.addi %mul3A_363, %add3A_364 : i32
        %get3A_366 = arith.index_cast %add3A_365 : i32 to index
        %get3A_367 = arith.constant 0 : index
        %get3A_368 = tpu.vector_load %arg10[%get3A_366, %get3A_367] {strides = array<i32>} : memref<128x64xf32, #tpu.memory_space<vmem>>, vector<1x16xf32>,
        %get3A_369 = vector.shape_cast %get3A_368 : vector<1x16xf32> to vector<16xf32>
        %mul3A_370 = arith.constant 8.000000e+00 : f32
        %mul3A_371 = vector.broadcast %mul3A_370 : f32 to vector<16xf32>
        %mul3A_372 = arith.mulf %get3A_369, %mul3A_371 : vector<16xf32>
        %swap3A_373 = arith.index_cast %add3A_365 : i32 to index
        %swap3A_374 = arith.constant 0 : index
        %swap3A_375 = tpu.vector_load %arg10[%swap3A_373, %swap3A_374] {strides = array<i32>} : memref<128x64xf32, #tpu.memory_space<vmem>>, vector<1x16xf32>,
        %swap3A_376 = vector.shape_cast %swap3A_375 : vector<1x16xf32> to vector<16xf32>
        %swap3A_377 = vector.shape_cast %mul3A_372 : vector<16xf32> to vector<1x16xf32>
        tpu.vector_store %arg10[%swap3A_373, %swap3A_374], %swap3A_377 {strides = array<i32>} : memref<128x64xf32, #tpu.memory_space<vmem>>, vector<1x16xf32>,
        %get3A_378 = arith.index_cast %add3A_365 : i32 to index
        %get3A_379 = arith.constant 16 : index
        %get3A_380 = tpu.vector_load %arg10[%get3A_378, %get3A_379] {strides = array<i32>} : memref<128x64xf32, #tpu.memory_space<vmem>>, vector<1x16xf32>,
        %get3A_381 = vector.shape_cast %get3A_380 : vector<1x16xf32> to vector<16xf32>
        %mul3A_382 = arith.constant 8.000000e+00 : f32
        %mul3A_383 = vector.broadcast %mul3A_382 : f32 to vector<16xf32>
        %mul3A_384 = arith.mulf %get3A_381, %mul3A_383 : vector<16xf32>
        %swap3A_385 = arith.index_cast %add3A_365 : i32 to index
        %swap3A_386 = arith.constant 16 : index
        %swap3A_387 = tpu.vector_load %arg10[%swap3A_385, %swap3A_386] {strides = array<i32>} : memref<128x64xf32, #tpu.memory_space<vmem>>, vector<1x16xf32>,
        %swap3A_388 = vector.shape_cast %swap3A_387 : vector<1x16xf32> to vector<16xf32>
        %swap3A_389 = vector.shape_cast %mul3A_384 : vector<16xf32> to vector<1x16xf32>
        tpu.vector_store %arg10[%swap3A_385, %swap3A_386], %swap3A_389 {strides = array<i32>} : memref<128x64xf32, #tpu.memory_space<vmem>>, vector<1x16xf32>,
        %get3A_390 = arith.index_cast %add3A_365 : i32 to index
        %get3A_391 = arith.constant 32 : index
        %get3A_392 = tpu.vector_load %arg10[%get3A_390, %get3A_391] {strides = array<i32>} : memref<128x64xf32, #tpu.memory_space<vmem>>, vector<1x16xf32>,
        %get3A_393 = vector.shape_cast %get3A_392 : vector<1x16xf32> to vector<16xf32>
        %mul3A_394 = arith.constant 8.000000e+00 : f32
        %mul3A_395 = vector.broadcast %mul3A_394 : f32 to vector<16xf32>
        %mul3A_396 = arith.mulf %get3A_393, %mul3A_395 : vector<16xf32>
        %swap3A_397 = arith.index_cast %add3A_365 : i32 to index
        %swap3A_398 = arith.constant 32 : index
        %swap3A_399 = tpu.vector_load %arg10[%swap3A_397, %swap3A_398] {strides = array<i32>} : memref<128x64xf32, #tpu.memory_space<vmem>>, vector<1x16xf32>,
        %swap3A_400 = vector.shape_cast %swap3A_399 : vector<1x16xf32> to vector<16xf32>
        %swap3A_401 = vector.shape_cast %mul3A_396 : vector<16xf32> to vector<1x16xf32>
        tpu.vector_store %arg10[%swap3A_397, %swap3A_398], %swap3A_401 {strides = array<i32>} : memref<128x64xf32, #tpu.memory_space<vmem>>, vector<1x16xf32>,
        %get3A_402 = arith.index_cast %add3A_365 : i32 to index
        %get3A_403 = arith.constant 48 : index
        %get3A_404 = tpu.vector_load %arg10[%get3A_402, %get3A_403] {strides = array<i32>} : memref<128x64xf32, #tpu.memory_space<vmem>>, vector<1x16xf32>,
        %get3A_405 = vector.shape_cast %get3A_404 : vector<1x16xf32> to vector<16xf32>
        %mul3A_406 = arith.constant 8.000000e+00 : f32
        %mul3A_407 = vector.broadcast %mul3A_406 : f32 to vector<16xf32>
        %mul3A_408 = arith.mulf %get3A_405, %mul3A_407 : vector<16xf32>
        %swap3A_409 = arith.index_cast %add3A_365 : i32 to index
        %swap3A_410 = arith.constant 48 : index
        %swap3A_411 = tpu.vector_load %arg10[%swap3A_409, %swap3A_410] {strides = array<i32>} : memref<128x64xf32, #tpu.memory_space<vmem>>, vector<1x16xf32>,
        %swap3A_412 = vector.shape_cast %swap3A_411 : vector<1x16xf32> to vector<16xf32>
        %swap3A_413 = vector.shape_cast %mul3A_408 : vector<16xf32> to vector<1x16xf32>
        tpu.vector_store %arg10[%swap3A_409, %swap3A_410], %swap3A_413 {strides = array<i32>} : memref<128x64xf32, #tpu.memory_space<vmem>>, vector<1x16xf32>,
        %mul3A_414 = arith.constant 4 : i32
        %mul3A_415 = arith.muli %scan3A_311, %mul3A_414 : i32
        %add3A_416 = arith.constant 2 : i32
        %add3A_417 = arith.addi %mul3A_415, %add3A_416 : i32
        %get3A_418 = arith.index_cast %add3A_417 : i32 to index
        %get3A_419 = arith.constant 0 : index
        %get3A_420 = tpu.vector_load %arg10[%get3A_418, %get3A_419] {strides = array<i32>} : memref<128x64xf32, #tpu.memory_space<vmem>>, vector<1x16xf32>,
        %get3A_421 = vector.shape_cast %get3A_420 : vector<1x16xf32> to vector<16xf32>
        %mul3A_422 = arith.constant 8.000000e+00 : f32
        %mul3A_423 = vector.broadcast %mul3A_422 : f32 to vector<16xf32>
        %mul3A_424 = arith.mulf %get3A_421, %mul3A_423 : vector<16xf32>
        %swap3A_425 = arith.index_cast %add3A_417 : i32 to index
        %swap3A_426 = arith.constant 0 : index
        %swap3A_427 = tpu.vector_load %arg10[%swap3A_425, %swap3A_426] {strides = array<i32>} : memref<128x64xf32, #tpu.memory_space<vmem>>, vector<1x16xf32>,
        %swap3A_428 = vector.shape_cast %swap3A_427 : vector<1x16xf32> to vector<16xf32>
        %swap3A_429 = vector.shape_cast %mul3A_424 : vector<16xf32> to vector<1x16xf32>
        tpu.vector_store %arg10[%swap3A_425, %swap3A_426], %swap3A_429 {strides = array<i32>} : memref<128x64xf32, #tpu.memory_space<vmem>>, vector<1x16xf32>,
        %get3A_430 = arith.index_cast %add3A_417 : i32 to index
        %get3A_431 = arith.constant 16 : index
        %get3A_432 = tpu.vector_load %arg10[%get3A_430, %get3A_431] {strides = array<i32>} : memref<128x64xf32, #tpu.memory_space<vmem>>, vector<1x16xf32>,
        %get3A_433 = vector.shape_cast %get3A_432 : vector<1x16xf32> to vector<16xf32>
        %mul3A_434 = arith.constant 8.000000e+00 : f32
        %mul3A_435 = vector.broadcast %mul3A_434 : f32 to vector<16xf32>
        %mul3A_436 = arith.mulf %get3A_433, %mul3A_435 : vector<16xf32>
        %swap3A_437 = arith.index_cast %add3A_417 : i32 to index
        %swap3A_438 = arith.constant 16 : index
        %swap3A_439 = tpu.vector_load %arg10[%swap3A_437, %swap3A_438] {strides = array<i32>} : memref<128x64xf32, #tpu.memory_space<vmem>>, vector<1x16xf32>,
        %swap3A_440 = vector.shape_cast %swap3A_439 : vector<1x16xf32> to vector<16xf32>
        %swap3A_441 = vector.shape_cast %mul3A_436 : vector<16xf32> to vector<1x16xf32>
        tpu.vector_store %arg10[%swap3A_437, %swap3A_438], %swap3A_441 {strides = array<i32>} : memref<128x64xf32, #tpu.memory_space<vmem>>, vector<1x16xf32>,
        %get3A_442 = arith.index_cast %add3A_417 : i32 to index
        %get3A_443 = arith.constant 32 : index
        %get3A_444 = tpu.vector_load %arg10[%get3A_442, %get3A_443] {strides = array<i32>} : memref<128x64xf32, #tpu.memory_space<vmem>>, vector<1x16xf32>,
        %get3A_445 = vector.shape_cast %get3A_444 : vector<1x16xf32> to vector<16xf32>
        %mul3A_446 = arith.constant 8.000000e+00 : f32
        %mul3A_447 = vector.broadcast %mul3A_446 : f32 to vector<16xf32>
        %mul3A_448 = arith.mulf %get3A_445, %mul3A_447 : vector<16xf32>
        %swap3A_449 = arith.index_cast %add3A_417 : i32 to index
        %swap3A_450 = arith.constant 32 : index
        %swap3A_451 = tpu.vector_load %arg10[%swap3A_449, %swap3A_450] {strides = array<i32>} : memref<128x64xf32, #tpu.memory_space<vmem>>, vector<1x16xf32>,
        %swap3A_452 = vector.shape_cast %swap3A_451 : vector<1x16xf32> to vector<16xf32>
        %swap3A_453 = vector.shape_cast %mul3A_448 : vector<16xf32> to vector<1x16xf32>
        tpu.vector_store %arg10[%swap3A_449, %swap3A_450], %swap3A_453 {strides = array<i32>} : memref<128x64xf32, #tpu.memory_space<vmem>>, vector<1x16xf32>,
        %get3A_454 = arith.index_cast %add3A_417 : i32 to index
        %get3A_455 = arith.constant 48 : index
        %get3A_456 = tpu.vector_load %arg10[%get3A_454, %get3A_455] {strides = array<i32>} : memref<128x64xf32, #tpu.memory_space<vmem>>, vector<1x16xf32>,
        %get3A_457 = vector.shape_cast %get3A_456 : vector<1x16xf32> to vector<16xf32>
        %mul3A_458 = arith.constant 8.000000e+00 : f32
        %mul3A_459 = vector.broadcast %mul3A_458 : f32 to vector<16xf32>
        %mul3A_460 = arith.mulf %get3A_457, %mul3A_459 : vector<16xf32>
        %swap3A_461 = arith.index_cast %add3A_417 : i32 to index
        %swap3A_462 = arith.constant 48 : index
        %swap3A_463 = tpu.vector_load %arg10[%swap3A_461, %swap3A_462] {strides = array<i32>} : memref<128x64xf32, #tpu.memory_space<vmem>>, vector<1x16xf32>,
        %swap3A_464 = vector.shape_cast %swap3A_463 : vector<1x16xf32> to vector<16xf32>
        %swap3A_465 = vector.shape_cast %mul3A_460 : vector<16xf32> to vector<1x16xf32>
        tpu.vector_store %arg10[%swap3A_461, %swap3A_462], %swap3A_465 {strides = array<i32>} : memref<128x64xf32, #tpu.memory_space<vmem>>, vector<1x16xf32>,
        %mul3A_466 = arith.constant 4 : i32
        %mul3A_467 = arith.muli %scan3A_311, %mul3A_466 : i32
        %add3A_468 = arith.constant 3 : i32
        %add3A_469 = arith.addi %mul3A_467, %add3A_468 : i32
        %get3A_470 = arith.index_cast %add3A_469 : i32 to index
        %get3A_471 = arith.constant 0 : index
        %get3A_472 = tpu.vector_load %arg10[%get3A_470, %get3A_471] {strides = array<i32>} : memref<128x64xf32, #tpu.memory_space<vmem>>, vector<1x16xf32>,
        %get3A_473 = vector.shape_cast %get3A_472 : vector<1x16xf32> to vector<16xf32>
        %mul3A_474 = arith.constant 8.000000e+00 : f32
        %mul3A_475 = vector.broadcast %mul3A_474 : f32 to vector<16xf32>
        %mul3A_476 = arith.mulf %get3A_473, %mul3A_475 : vector<16xf32>
        %swap3A_477 = arith.index_cast %add3A_469 : i32 to index
        %swap3A_478 = arith.constant 0 : index
        %swap3A_479 = tpu.vector_load %arg10[%swap3A_477, %swap3A_478] {strides = array<i32>} : memref<128x64xf32, #tpu.memory_space<vmem>>, vector<1x16xf32>,
        %swap3A_480 = vector.shape_cast %swap3A_479 : vector<1x16xf32> to vector<16xf32>
        %swap3A_481 = vector.shape_cast %mul3A_476 : vector<16xf32> to vector<1x16xf32>
        tpu.vector_store %arg10[%swap3A_477, %swap3A_478], %swap3A_481 {strides = array<i32>} : memref<128x64xf32, #tpu.memory_space<vmem>>, vector<1x16xf32>,
        %get3A_482 = arith.index_cast %add3A_469 : i32 to index
        %get3A_483 = arith.constant 16 : index
        %get3A_484 = tpu.vector_load %arg10[%get3A_482, %get3A_483] {strides = array<i32>} : memref<128x64xf32, #tpu.memory_space<vmem>>, vector<1x16xf32>,
        %get3A_485 = vector.shape_cast %get3A_484 : vector<1x16xf32> to vector<16xf32>
        %mul3A_486 = arith.constant 8.000000e+00 : f32
        %mul3A_487 = vector.broadcast %mul3A_486 : f32 to vector<16xf32>
        %mul3A_488 = arith.mulf %get3A_485, %mul3A_487 : vector<16xf32>
        %swap3A_489 = arith.index_cast %add3A_469 : i32 to index
        %swap3A_490 = arith.constant 16 : index
        %swap3A_491 = tpu.vector_load %arg10[%swap3A_489, %swap3A_490] {strides = array<i32>} : memref<128x64xf32, #tpu.memory_space<vmem>>, vector<1x16xf32>,
        %swap3A_492 = vector.shape_cast %swap3A_491 : vector<1x16xf32> to vector<16xf32>
        %swap3A_493 = vector.shape_cast %mul3A_488 : vector<16xf32> to vector<1x16xf32>
        tpu.vector_store %arg10[%swap3A_489, %swap3A_490], %swap3A_493 {strides = array<i32>} : memref<128x64xf32, #tpu.memory_space<vmem>>, vector<1x16xf32>,
        %get3A_494 = arith.index_cast %add3A_469 : i32 to index
        %get3A_495 = arith.constant 32 : index
        %get3A_496 = tpu.vector_load %arg10[%get3A_494, %get3A_495] {strides = array<i32>} : memref<128x64xf32, #tpu.memory_space<vmem>>, vector<1x16xf32>,
        %get3A_497 = vector.shape_cast %get3A_496 : vector<1x16xf32> to vector<16xf32>
        %mul3A_498 = arith.constant 8.000000e+00 : f32
        %mul3A_499 = vector.broadcast %mul3A_498 : f32 to vector<16xf32>
        %mul3A_500 = arith.mulf %get3A_497, %mul3A_499 : vector<16xf32>
        %swap3A_501 = arith.index_cast %add3A_469 : i32 to index
        %swap3A_502 = arith.constant 32 : index
        %swap3A_503 = tpu.vector_load %arg10[%swap3A_501, %swap3A_502] {strides = array<i32>} : memref<128x64xf32, #tpu.memory_space<vmem>>, vector<1x16xf32>,
        %swap3A_504 = vector.shape_cast %swap3A_503 : vector<1x16xf32> to vector<16xf32>
        %swap3A_505 = vector.shape_cast %mul3A_500 : vector<16xf32> to vector<1x16xf32>
        tpu.vector_store %arg10[%swap3A_501, %swap3A_502], %swap3A_505 {strides = array<i32>} : memref<128x64xf32, #tpu.memory_space<vmem>>, vector<1x16xf32>,
        %get3A_506 = arith.index_cast %add3A_469 : i32 to index
        %get3A_507 = arith.constant 48 : index
        %get3A_508 = tpu.vector_load %arg10[%get3A_506, %get3A_507] {strides = array<i32>} : memref<128x64xf32, #tpu.memory_space<vmem>>, vector<1x16xf32>,
        %get3A_509 = vector.shape_cast %get3A_508 : vector<1x16xf32> to vector<16xf32>
        %mul3A_510 = arith.constant 8.000000e+00 : f32
        %mul3A_511 = vector.broadcast %mul3A_510 : f32 to vector<16xf32>
        %mul3A_512 = arith.mulf %get3A_509, %mul3A_511 : vector<16xf32>
        %swap3A_513 = arith.index_cast %add3A_469 : i32 to index
        %swap3A_514 = arith.constant 48 : index
        %swap3A_515 = tpu.vector_load %arg10[%swap3A_513, %swap3A_514] {strides = array<i32>} : memref<128x64xf32, #tpu.memory_space<vmem>>, vector<1x16xf32>,
        %swap3A_516 = vector.shape_cast %swap3A_515 : vector<1x16xf32> to vector<16xf32>
        %swap3A_517 = vector.shape_cast %mul3A_512 : vector<16xf32> to vector<1x16xf32>
        tpu.vector_store %arg10[%swap3A_513, %swap3A_514], %swap3A_517 {strides = array<i32>} : memref<128x64xf32, #tpu.memory_space<vmem>>, vector<1x16xf32>,
      }
      %scan3A_170 = arith.constant 32 : i32
      %add3A_171 = arith.constant 4 : i32
      %add3A_172 = arith.addi %mul3A_8, %add3A_171 : i32
      %dma_start3A_173 = arith.constant 0 : i32
      %dma_start3A_174 = arith.constant 0 : i32
      %dma_start3A_175 = tpu.memref_slice %arg4[%add3A, %add3A_172, %dma_start3A_173, %dma_start3A_174] : memref<32x200x128x64xf32, #tpu.memory_space<hbm>> -> memref<1x1x128x64xf32, #tpu.memory_space<hbm>>
      %dma_start3A_176 = tpu.memref_squeeze %dma_start3A_175 : memref<1x1x128x64xf32, #tpu.memory_space<hbm>> -> memref<128x64xf32, #tpu.memory_space<hbm>>
      %dma_start3A_177 = arith.constant 0 : i32
      %dma_start3A_178 = arith.constant 0 : i32
      %dma_start3A_179 = tpu.memref_slice %arg4[%add3A, %add3A_172, %dma_start3A_177, %dma_start3A_178] : memref<32x200x128x64xf32, #tpu.memory_space<hbm>> -> memref<1x1x128x64xf32, #tpu.memory_space<hbm>>
      %dma_start3A_180 = tpu.memref_squeeze %dma_start3A_179 : memref<1x1x128x64xf32, #tpu.memory_space<hbm>> -> memref<128x64xf32, #tpu.memory_space<hbm>>
      tpu.enqueue_dma source(%arg10 : memref<128x64xf32, #tpu.memory_space<vmem>>) target(%dma_start3A_180 : memref<128x64xf32, #tpu.memory_space<hbm>>) target_semaphore(%arg26 : memref<!tpu.dma_semaphore, #tpu.memory_space<semaphore_mem>>)
      %dma_wait3A_181 = arith.constant 0 : i32
      %dma_wait3A_182 = tpu.memref_slice %arg5[%add3A_49, %dma_wait3A_181] : memref<200x128xi32, #tpu.memory_space<vmem>> -> memref<1x128xi32, #tpu.memory_space<vmem>>
      %dma_wait3A_183 = tpu.memref_squeeze %dma_wait3A_182 : memref<1x128xi32, #tpu.memory_space<vmem>> -> memref<128xi32, #tpu.memory_space<vmem>>
      %dma_wait3A_184 = arith.constant 0 : i32
      %dma_wait3A_185 = arith.constant 0 : i32
      %dma_wait3A_186 = tpu.memref_slice %arg2[%dma_wait3A_184, %dma_wait3A_185] : memref<1000000x64xf32, #tpu.memory_space<hbm>> -> memref<1000000x64xf32, #tpu.memory_space<hbm>>
      tpu.wait_indirect_dma semaphore(%arg19 : memref<!tpu.dma_semaphore, #tpu.memory_space<semaphore_mem>>) src(%dma_wait3A_186 : memref<1000000x64xf32, #tpu.memory_space<hbm>>) dst(%arg11 : memref<128x64xf32, #tpu.memory_space<vmem>>)
      %scan3A_187 = arith.constant 0 : i32
      %scan3A_188 = arith.constant 0 : i32
      %scan3A_189 = arith.constant 32 : i32
      %scan3A_190 = arith.addi %scan3A_188, %scan3A_189 : i32
      %scan3A_191 = arith.constant 1 : i32
      scf.for %scan3A_311 = %scan3A_188 to %scan3A_190 step %scan3A_191  : i32 {
        %mul3A_312 = arith.constant 4 : i32
        %mul3A_313 = arith.muli %scan3A_311, %mul3A_312 : i32
        %add3A_314 = arith.constant 0 : i32
        %add3A_315 = arith.addi %mul3A_313, %add3A_314 : i32
        %get3A = arith.index_cast %add3A_315 : i32 to index
        %get3A_316 = arith.constant 0 : index
        %get3A_317 = tpu.vector_load %arg11[%get3A, %get3A_316] {strides = array<i32>} : memref<128x64xf32, #tpu.memory_space<vmem>>, vector<1x16xf32>,
        %get3A_318 = vector.shape_cast %get3A_317 : vector<1x16xf32> to vector<16xf32>
        %mul3A_319 = arith.constant 8.000000e+00 : f32
        %mul3A_320 = vector.broadcast %mul3A_319 : f32 to vector<16xf32>
        %mul3A_321 = arith.mulf %get3A_318, %mul3A_320 : vector<16xf32>
        %swap3A = arith.index_cast %add3A_315 : i32 to index
        %swap3A_322 = arith.constant 0 : index
        %swap3A_323 = tpu.vector_load %arg11[%swap3A, %swap3A_322] {strides = array<i32>} : memref<128x64xf32, #tpu.memory_space<vmem>>, vector<1x16xf32>,
        %swap3A_324 = vector.shape_cast %swap3A_323 : vector<1x16xf32> to vector<16xf32>
        %swap3A_325 = vector.shape_cast %mul3A_321 : vector<16xf32> to vector<1x16xf32>
        tpu.vector_store %arg11[%swap3A, %swap3A_322], %swap3A_325 {strides = array<i32>} : memref<128x64xf32, #tpu.memory_space<vmem>>, vector<1x16xf32>,
        %get3A_326 = arith.index_cast %add3A_315 : i32 to index
        %get3A_327 = arith.constant 16 : index
        %get3A_328 = tpu.vector_load %arg11[%get3A_326, %get3A_327] {strides = array<i32>} : memref<128x64xf32, #tpu.memory_space<vmem>>, vector<1x16xf32>,
        %get3A_329 = vector.shape_cast %get3A_328 : vector<1x16xf32> to vector<16xf32>
        %mul3A_330 = arith.constant 8.000000e+00 : f32
        %mul3A_331 = vector.broadcast %mul3A_330 : f32 to vector<16xf32>
        %mul3A_332 = arith.mulf %get3A_329, %mul3A_331 : vector<16xf32>
        %swap3A_333 = arith.index_cast %add3A_315 : i32 to index
        %swap3A_334 = arith.constant 16 : index
        %swap3A_335 = tpu.vector_load %arg11[%swap3A_333, %swap3A_334] {strides = array<i32>} : memref<128x64xf32, #tpu.memory_space<vmem>>, vector<1x16xf32>,
        %swap3A_336 = vector.shape_cast %swap3A_335 : vector<1x16xf32> to vector<16xf32>
        %swap3A_337 = vector.shape_cast %mul3A_332 : vector<16xf32> to vector<1x16xf32>
        tpu.vector_store %arg11[%swap3A_333, %swap3A_334], %swap3A_337 {strides = array<i32>} : memref<128x64xf32, #tpu.memory_space<vmem>>, vector<1x16xf32>,
        %get3A_338 = arith.index_cast %add3A_315 : i32 to index
        %get3A_339 = arith.constant 32 : index
        %get3A_340 = tpu.vector_load %arg11[%get3A_338, %get3A_339] {strides = array<i32>} : memref<128x64xf32, #tpu.memory_space<vmem>>, vector<1x16xf32>,
        %get3A_341 = vector.shape_cast %get3A_340 : vector<1x16xf32> to vector<16xf32>
        %mul3A_342 = arith.constant 8.000000e+00 : f32
        %mul3A_343 = vector.broadcast %mul3A_342 : f32 to vector<16xf32>
        %mul3A_344 = arith.mulf %get3A_341, %mul3A_343 : vector<16xf32>
        %swap3A_345 = arith.index_cast %add3A_315 : i32 to index
        %swap3A_346 = arith.constant 32 : index
        %swap3A_347 = tpu.vector_load %arg11[%swap3A_345, %swap3A_346] {strides = array<i32>} : memref<128x64xf32, #tpu.memory_space<vmem>>, vector<1x16xf32>,
        %swap3A_348 = vector.shape_cast %swap3A_347 : vector<1x16xf32> to vector<16xf32>
        %swap3A_349 = vector.shape_cast %mul3A_344 : vector<16xf32> to vector<1x16xf32>
        tpu.vector_store %arg11[%swap3A_345, %swap3A_346], %swap3A_349 {strides = array<i32>} : memref<128x64xf32, #tpu.memory_space<vmem>>, vector<1x16xf32>,
        %get3A_350 = arith.index_cast %add3A_315 : i32 to index
        %get3A_351 = arith.constant 48 : index
        %get3A_352 = tpu.vector_load %arg11[%get3A_350, %get3A_351] {strides = array<i32>} : memref<128x64xf32, #tpu.memory_space<vmem>>, vector<1x16xf32>,
        %get3A_353 = vector.shape_cast %get3A_352 : vector<1x16xf32> to vector<16xf32>
        %mul3A_354 = arith.constant 8.000000e+00 : f32
        %mul3A_355 = vector.broadcast %mul3A_354 : f32 to vector<16xf32>
        %mul3A_356 = arith.mulf %get3A_353, %mul3A_355 : vector<16xf32>
        %swap3A_357 = arith.index_cast %add3A_315 : i32 to index
        %swap3A_358 = arith.constant 48 : index
        %swap3A_359 = tpu.vector_load %arg11[%swap3A_357, %swap3A_358] {strides = array<i32>} : memref<128x64xf32, #tpu.memory_space<vmem>>, vector<1x16xf32>,
        %swap3A_360 = vector.shape_cast %swap3A_359 : vector<1x16xf32> to vector<16xf32>
        %swap3A_361 = vector.shape_cast %mul3A_356 : vector<16xf32> to vector<1x16xf32>
        tpu.vector_store %arg11[%swap3A_357, %swap3A_358], %swap3A_361 {strides = array<i32>} : memref<128x64xf32, #tpu.memory_space<vmem>>, vector<1x16xf32>,
        %mul3A_362 = arith.constant 4 : i32
        %mul3A_363 = arith.muli %scan3A_311, %mul3A_362 : i32
        %add3A_364 = arith.constant 1 : i32
        %add3A_365 = arith.addi %mul3A_363, %add3A_364 : i32
        %get3A_366 = arith.index_cast %add3A_365 : i32 to index
        %get3A_367 = arith.constant 0 : index
        %get3A_368 = tpu.vector_load %arg11[%get3A_366, %get3A_367] {strides = array<i32>} : memref<128x64xf32, #tpu.memory_space<vmem>>, vector<1x16xf32>,
        %get3A_369 = vector.shape_cast %get3A_368 : vector<1x16xf32> to vector<16xf32>
        %mul3A_370 = arith.constant 8.000000e+00 : f32
        %mul3A_371 = vector.broadcast %mul3A_370 : f32 to vector<16xf32>
        %mul3A_372 = arith.mulf %get3A_369, %mul3A_371 : vector<16xf32>
        %swap3A_373 = arith.index_cast %add3A_365 : i32 to index
        %swap3A_374 = arith.constant 0 : index
        %swap3A_375 = tpu.vector_load %arg11[%swap3A_373, %swap3A_374] {strides = array<i32>} : memref<128x64xf32, #tpu.memory_space<vmem>>, vector<1x16xf32>,
        %swap3A_376 = vector.shape_cast %swap3A_375 : vector<1x16xf32> to vector<16xf32>
        %swap3A_377 = vector.shape_cast %mul3A_372 : vector<16xf32> to vector<1x16xf32>
        tpu.vector_store %arg11[%swap3A_373, %swap3A_374], %swap3A_377 {strides = array<i32>} : memref<128x64xf32, #tpu.memory_space<vmem>>, vector<1x16xf32>,
        %get3A_378 = arith.index_cast %add3A_365 : i32 to index
        %get3A_379 = arith.constant 16 : index
        %get3A_380 = tpu.vector_load %arg11[%get3A_378, %get3A_379] {strides = array<i32>} : memref<128x64xf32, #tpu.memory_space<vmem>>, vector<1x16xf32>,
        %get3A_381 = vector.shape_cast %get3A_380 : vector<1x16xf32> to vector<16xf32>
        %mul3A_382 = arith.constant 8.000000e+00 : f32
        %mul3A_383 = vector.broadcast %mul3A_382 : f32 to vector<16xf32>
        %mul3A_384 = arith.mulf %get3A_381, %mul3A_383 : vector<16xf32>
        %swap3A_385 = arith.index_cast %add3A_365 : i32 to index
        %swap3A_386 = arith.constant 16 : index
        %swap3A_387 = tpu.vector_load %arg11[%swap3A_385, %swap3A_386] {strides = array<i32>} : memref<128x64xf32, #tpu.memory_space<vmem>>, vector<1x16xf32>,
        %swap3A_388 = vector.shape_cast %swap3A_387 : vector<1x16xf32> to vector<16xf32>
        %swap3A_389 = vector.shape_cast %mul3A_384 : vector<16xf32> to vector<1x16xf32>
        tpu.vector_store %arg11[%swap3A_385, %swap3A_386], %swap3A_389 {strides = array<i32>} : memref<128x64xf32, #tpu.memory_space<vmem>>, vector<1x16xf32>,
        %get3A_390 = arith.index_cast %add3A_365 : i32 to index
        %get3A_391 = arith.constant 32 : index
        %get3A_392 = tpu.vector_load %arg11[%get3A_390, %get3A_391] {strides = array<i32>} : memref<128x64xf32, #tpu.memory_space<vmem>>, vector<1x16xf32>,
        %get3A_393 = vector.shape_cast %get3A_392 : vector<1x16xf32> to vector<16xf32>
        %mul3A_394 = arith.constant 8.000000e+00 : f32
        %mul3A_395 = vector.broadcast %mul3A_394 : f32 to vector<16xf32>
        %mul3A_396 = arith.mulf %get3A_393, %mul3A_395 : vector<16xf32>
        %swap3A_397 = arith.index_cast %add3A_365 : i32 to index
        %swap3A_398 = arith.constant 32 : index
        %swap3A_399 = tpu.vector_load %arg11[%swap3A_397, %swap3A_398] {strides = array<i32>} : memref<128x64xf32, #tpu.memory_space<vmem>>, vector<1x16xf32>,
        %swap3A_400 = vector.shape_cast %swap3A_399 : vector<1x16xf32> to vector<16xf32>
        %swap3A_401 = vector.shape_cast %mul3A_396 : vector<16xf32> to vector<1x16xf32>
        tpu.vector_store %arg11[%swap3A_397, %swap3A_398], %swap3A_401 {strides = array<i32>} : memref<128x64xf32, #tpu.memory_space<vmem>>, vector<1x16xf32>,
        %get3A_402 = arith.index_cast %add3A_365 : i32 to index
        %get3A_403 = arith.constant 48 : index
        %get3A_404 = tpu.vector_load %arg11[%get3A_402, %get3A_403] {strides = array<i32>} : memref<128x64xf32, #tpu.memory_space<vmem>>, vector<1x16xf32>,
        %get3A_405 = vector.shape_cast %get3A_404 : vector<1x16xf32> to vector<16xf32>
        %mul3A_406 = arith.constant 8.000000e+00 : f32
        %mul3A_407 = vector.broadcast %mul3A_406 : f32 to vector<16xf32>
        %mul3A_408 = arith.mulf %get3A_405, %mul3A_407 : vector<16xf32>
        %swap3A_409 = arith.index_cast %add3A_365 : i32 to index
        %swap3A_410 = arith.constant 48 : index
        %swap3A_411 = tpu.vector_load %arg11[%swap3A_409, %swap3A_410] {strides = array<i32>} : memref<128x64xf32, #tpu.memory_space<vmem>>, vector<1x16xf32>,
        %swap3A_412 = vector.shape_cast %swap3A_411 : vector<1x16xf32> to vector<16xf32>
        %swap3A_413 = vector.shape_cast %mul3A_408 : vector<16xf32> to vector<1x16xf32>
        tpu.vector_store %arg11[%swap3A_409, %swap3A_410], %swap3A_413 {strides = array<i32>} : memref<128x64xf32, #tpu.memory_space<vmem>>, vector<1x16xf32>,
        %mul3A_414 = arith.constant 4 : i32
        %mul3A_415 = arith.muli %scan3A_311, %mul3A_414 : i32
        %add3A_416 = arith.constant 2 : i32
        %add3A_417 = arith.addi %mul3A_415, %add3A_416 : i32
        %get3A_418 = arith.index_cast %add3A_417 : i32 to index
        %get3A_419 = arith.constant 0 : index
        %get3A_420 = tpu.vector_load %arg11[%get3A_418, %get3A_419] {strides = array<i32>} : memref<128x64xf32, #tpu.memory_space<vmem>>, vector<1x16xf32>,
        %get3A_421 = vector.shape_cast %get3A_420 : vector<1x16xf32> to vector<16xf32>
        %mul3A_422 = arith.constant 8.000000e+00 : f32
        %mul3A_423 = vector.broadcast %mul3A_422 : f32 to vector<16xf32>
        %mul3A_424 = arith.mulf %get3A_421, %mul3A_423 : vector<16xf32>
        %swap3A_425 = arith.index_cast %add3A_417 : i32 to index
        %swap3A_426 = arith.constant 0 : index
        %swap3A_427 = tpu.vector_load %arg11[%swap3A_425, %swap3A_426] {strides = array<i32>} : memref<128x64xf32, #tpu.memory_space<vmem>>, vector<1x16xf32>,
        %swap3A_428 = vector.shape_cast %swap3A_427 : vector<1x16xf32> to vector<16xf32>
        %swap3A_429 = vector.shape_cast %mul3A_424 : vector<16xf32> to vector<1x16xf32>
        tpu.vector_store %arg11[%swap3A_425, %swap3A_426], %swap3A_429 {strides = array<i32>} : memref<128x64xf32, #tpu.memory_space<vmem>>, vector<1x16xf32>,
        %get3A_430 = arith.index_cast %add3A_417 : i32 to index
        %get3A_431 = arith.constant 16 : index
        %get3A_432 = tpu.vector_load %arg11[%get3A_430, %get3A_431] {strides = array<i32>} : memref<128x64xf32, #tpu.memory_space<vmem>>, vector<1x16xf32>,
        %get3A_433 = vector.shape_cast %get3A_432 : vector<1x16xf32> to vector<16xf32>
        %mul3A_434 = arith.constant 8.000000e+00 : f32
        %mul3A_435 = vector.broadcast %mul3A_434 : f32 to vector<16xf32>
        %mul3A_436 = arith.mulf %get3A_433, %mul3A_435 : vector<16xf32>
        %swap3A_437 = arith.index_cast %add3A_417 : i32 to index
        %swap3A_438 = arith.constant 16 : index
        %swap3A_439 = tpu.vector_load %arg11[%swap3A_437, %swap3A_438] {strides = array<i32>} : memref<128x64xf32, #tpu.memory_space<vmem>>, vector<1x16xf32>,
        %swap3A_440 = vector.shape_cast %swap3A_439 : vector<1x16xf32> to vector<16xf32>
        %swap3A_441 = vector.shape_cast %mul3A_436 : vector<16xf32> to vector<1x16xf32>
        tpu.vector_store %arg11[%swap3A_437, %swap3A_438], %swap3A_441 {strides = array<i32>} : memref<128x64xf32, #tpu.memory_space<vmem>>, vector<1x16xf32>,
        %get3A_442 = arith.index_cast %add3A_417 : i32 to index
        %get3A_443 = arith.constant 32 : index
        %get3A_444 = tpu.vector_load %arg11[%get3A_442, %get3A_443] {strides = array<i32>} : memref<128x64xf32, #tpu.memory_space<vmem>>, vector<1x16xf32>,
        %get3A_445 = vector.shape_cast %get3A_444 : vector<1x16xf32> to vector<16xf32>
        %mul3A_446 = arith.constant 8.000000e+00 : f32
        %mul3A_447 = vector.broadcast %mul3A_446 : f32 to vector<16xf32>
        %mul3A_448 = arith.mulf %get3A_445, %mul3A_447 : vector<16xf32>
        %swap3A_449 = arith.index_cast %add3A_417 : i32 to index
        %swap3A_450 = arith.constant 32 : index
        %swap3A_451 = tpu.vector_load %arg11[%swap3A_449, %swap3A_450] {strides = array<i32>} : memref<128x64xf32, #tpu.memory_space<vmem>>, vector<1x16xf32>,
        %swap3A_452 = vector.shape_cast %swap3A_451 : vector<1x16xf32> to vector<16xf32>
        %swap3A_453 = vector.shape_cast %mul3A_448 : vector<16xf32> to vector<1x16xf32>
        tpu.vector_store %arg11[%swap3A_449, %swap3A_450], %swap3A_453 {strides = array<i32>} : memref<128x64xf32, #tpu.memory_space<vmem>>, vector<1x16xf32>,
        %get3A_454 = arith.index_cast %add3A_417 : i32 to index
        %get3A_455 = arith.constant 48 : index
        %get3A_456 = tpu.vector_load %arg11[%get3A_454, %get3A_455] {strides = array<i32>} : memref<128x64xf32, #tpu.memory_space<vmem>>, vector<1x16xf32>,
        %get3A_457 = vector.shape_cast %get3A_456 : vector<1x16xf32> to vector<16xf32>
        %mul3A_458 = arith.constant 8.000000e+00 : f32
        %mul3A_459 = vector.broadcast %mul3A_458 : f32 to vector<16xf32>
        %mul3A_460 = arith.mulf %get3A_457, %mul3A_459 : vector<16xf32>
        %swap3A_461 = arith.index_cast %add3A_417 : i32 to index
        %swap3A_462 = arith.constant 48 : index
        %swap3A_463 = tpu.vector_load %arg11[%swap3A_461, %swap3A_462] {strides = array<i32>} : memref<128x64xf32, #tpu.memory_space<vmem>>, vector<1x16xf32>,
        %swap3A_464 = vector.shape_cast %swap3A_463 : vector<1x16xf32> to vector<16xf32>
        %swap3A_465 = vector.shape_cast %mul3A_460 : vector<16xf32> to vector<1x16xf32>
        tpu.vector_store %arg11[%swap3A_461, %swap3A_462], %swap3A_465 {strides = array<i32>} : memref<128x64xf32, #tpu.memory_space<vmem>>, vector<1x16xf32>,
        %mul3A_466 = arith.constant 4 : i32
        %mul3A_467 = arith.muli %scan3A_311, %mul3A_466 : i32
        %add3A_468 = arith.constant 3 : i32
        %add3A_469 = arith.addi %mul3A_467, %add3A_468 : i32
        %get3A_470 = arith.index_cast %add3A_469 : i32 to index
        %get3A_471 = arith.constant 0 : index
        %get3A_472 = tpu.vector_load %arg11[%get3A_470, %get3A_471] {strides = array<i32>} : memref<128x64xf32, #tpu.memory_space<vmem>>, vector<1x16xf32>,
        %get3A_473 = vector.shape_cast %get3A_472 : vector<1x16xf32> to vector<16xf32>
        %mul3A_474 = arith.constant 8.000000e+00 : f32
        %mul3A_475 = vector.broadcast %mul3A_474 : f32 to vector<16xf32>
        %mul3A_476 = arith.mulf %get3A_473, %mul3A_475 : vector<16xf32>
        %swap3A_477 = arith.index_cast %add3A_469 : i32 to index
        %swap3A_478 = arith.constant 0 : index
        %swap3A_479 = tpu.vector_load %arg11[%swap3A_477, %swap3A_478] {strides = array<i32>} : memref<128x64xf32, #tpu.memory_space<vmem>>, vector<1x16xf32>,
        %swap3A_480 = vector.shape_cast %swap3A_479 : vector<1x16xf32> to vector<16xf32>
        %swap3A_481 = vector.shape_cast %mul3A_476 : vector<16xf32> to vector<1x16xf32>
        tpu.vector_store %arg11[%swap3A_477, %swap3A_478], %swap3A_481 {strides = array<i32>} : memref<128x64xf32, #tpu.memory_space<vmem>>, vector<1x16xf32>,
        %get3A_482 = arith.index_cast %add3A_469 : i32 to index
        %get3A_483 = arith.constant 16 : index
        %get3A_484 = tpu.vector_load %arg11[%get3A_482, %get3A_483] {strides = array<i32>} : memref<128x64xf32, #tpu.memory_space<vmem>>, vector<1x16xf32>,
        %get3A_485 = vector.shape_cast %get3A_484 : vector<1x16xf32> to vector<16xf32>
        %mul3A_486 = arith.constant 8.000000e+00 : f32
        %mul3A_487 = vector.broadcast %mul3A_486 : f32 to vector<16xf32>
        %mul3A_488 = arith.mulf %get3A_485, %mul3A_487 : vector<16xf32>
        %swap3A_489 = arith.index_cast %add3A_469 : i32 to index
        %swap3A_490 = arith.constant 16 : index
        %swap3A_491 = tpu.vector_load %arg11[%swap3A_489, %swap3A_490] {strides = array<i32>} : memref<128x64xf32, #tpu.memory_space<vmem>>, vector<1x16xf32>,
        %swap3A_492 = vector.shape_cast %swap3A_491 : vector<1x16xf32> to vector<16xf32>
        %swap3A_493 = vector.shape_cast %mul3A_488 : vector<16xf32> to vector<1x16xf32>
        tpu.vector_store %arg11[%swap3A_489, %swap3A_490], %swap3A_493 {strides = array<i32>} : memref<128x64xf32, #tpu.memory_space<vmem>>, vector<1x16xf32>,
        %get3A_494 = arith.index_cast %add3A_469 : i32 to index
        %get3A_495 = arith.constant 32 : index
        %get3A_496 = tpu.vector_load %arg11[%get3A_494, %get3A_495] {strides = array<i32>} : memref<128x64xf32, #tpu.memory_space<vmem>>, vector<1x16xf32>,
        %get3A_497 = vector.shape_cast %get3A_496 : vector<1x16xf32> to vector<16xf32>
        %mul3A_498 = arith.constant 8.000000e+00 : f32
        %mul3A_499 = vector.broadcast %mul3A_498 : f32 to vector<16xf32>
        %mul3A_500 = arith.mulf %get3A_497, %mul3A_499 : vector<16xf32>
        %swap3A_501 = arith.index_cast %add3A_469 : i32 to index
        %swap3A_502 = arith.constant 32 : index
        %swap3A_503 = tpu.vector_load %arg11[%swap3A_501, %swap3A_502] {strides = array<i32>} : memref<128x64xf32, #tpu.memory_space<vmem>>, vector<1x16xf32>,
        %swap3A_504 = vector.shape_cast %swap3A_503 : vector<1x16xf32> to vector<16xf32>
        %swap3A_505 = vector.shape_cast %mul3A_500 : vector<16xf32> to vector<1x16xf32>
        tpu.vector_store %arg11[%swap3A_501, %swap3A_502], %swap3A_505 {strides = array<i32>} : memref<128x64xf32, #tpu.memory_space<vmem>>, vector<1x16xf32>,
        %get3A_506 = arith.index_cast %add3A_469 : i32 to index
        %get3A_507 = arith.constant 48 : index
        %get3A_508 = tpu.vector_load %arg11[%get3A_506, %get3A_507] {strides = array<i32>} : memref<128x64xf32, #tpu.memory_space<vmem>>, vector<1x16xf32>,
        %get3A_509 = vector.shape_cast %get3A_508 : vector<1x16xf32> to vector<16xf32>
        %mul3A_510 = arith.constant 8.000000e+00 : f32
        %mul3A_511 = vector.broadcast %mul3A_510 : f32 to vector<16xf32>
        %mul3A_512 = arith.mulf %get3A_509, %mul3A_511 : vector<16xf32>
        %swap3A_513 = arith.index_cast %add3A_469 : i32 to index
        %swap3A_514 = arith.constant 48 : index
        %swap3A_515 = tpu.vector_load %arg11[%swap3A_513, %swap3A_514] {strides = array<i32>} : memref<128x64xf32, #tpu.memory_space<vmem>>, vector<1x16xf32>,
        %swap3A_516 = vector.shape_cast %swap3A_515 : vector<1x16xf32> to vector<16xf32>
        %swap3A_517 = vector.shape_cast %mul3A_512 : vector<16xf32> to vector<1x16xf32>
        tpu.vector_store %arg11[%swap3A_513, %swap3A_514], %swap3A_517 {strides = array<i32>} : memref<128x64xf32, #tpu.memory_space<vmem>>, vector<1x16xf32>,
      }
      %scan3A_192 = arith.constant 32 : i32
      %add3A_193 = arith.constant 5 : i32
      %add3A_194 = arith.addi %mul3A_8, %add3A_193 : i32
      %dma_start3A_195 = arith.constant 0 : i32
      %dma_start3A_196 = arith.constant 0 : i32
      %dma_start3A_197 = tpu.memref_slice %arg4[%add3A, %add3A_194, %dma_start3A_195, %dma_start3A_196] : memref<32x200x128x64xf32, #tpu.memory_space<hbm>> -> memref<1x1x128x64xf32, #tpu.memory_space<hbm>>
      %dma_start3A_198 = tpu.memref_squeeze %dma_start3A_197 : memref<1x1x128x64xf32, #tpu.memory_space<hbm>> -> memref<128x64xf32, #tpu.memory_space<hbm>>
      %dma_start3A_199 = arith.constant 0 : i32
      %dma_start3A_200 = arith.constant 0 : i32
      %dma_start3A_201 = tpu.memref_slice %arg4[%add3A, %add3A_194, %dma_start3A_199, %dma_start3A_200] : memref<32x200x128x64xf32, #tpu.memory_space<hbm>> -> memref<1x1x128x64xf32, #tpu.memory_space<hbm>>
      %dma_start3A_202 = tpu.memref_squeeze %dma_start3A_201 : memref<1x1x128x64xf32, #tpu.memory_space<hbm>> -> memref<128x64xf32, #tpu.memory_space<hbm>>
      tpu.enqueue_dma source(%arg11 : memref<128x64xf32, #tpu.memory_space<vmem>>) target(%dma_start3A_202 : memref<128x64xf32, #tpu.memory_space<hbm>>) target_semaphore(%arg27 : memref<!tpu.dma_semaphore, #tpu.memory_space<semaphore_mem>>)
      %dma_wait3A_203 = arith.constant 0 : i32
      %dma_wait3A_204 = tpu.memref_slice %arg5[%add3A_57, %dma_wait3A_203] : memref<200x128xi32, #tpu.memory_space<vmem>> -> memref<1x128xi32, #tpu.memory_space<vmem>>
      %dma_wait3A_205 = tpu.memref_squeeze %dma_wait3A_204 : memref<1x128xi32, #tpu.memory_space<vmem>> -> memref<128xi32, #tpu.memory_space<vmem>>
      %dma_wait3A_206 = arith.constant 0 : i32
      %dma_wait3A_207 = arith.constant 0 : i32
      %dma_wait3A_208 = tpu.memref_slice %arg2[%dma_wait3A_206, %dma_wait3A_207] : memref<1000000x64xf32, #tpu.memory_space<hbm>> -> memref<1000000x64xf32, #tpu.memory_space<hbm>>
      tpu.wait_indirect_dma semaphore(%arg20 : memref<!tpu.dma_semaphore, #tpu.memory_space<semaphore_mem>>) src(%dma_wait3A_208 : memref<1000000x64xf32, #tpu.memory_space<hbm>>) dst(%arg12 : memref<128x64xf32, #tpu.memory_space<vmem>>)
      %scan3A_209 = arith.constant 0 : i32
      %scan3A_210 = arith.constant 0 : i32
      %scan3A_211 = arith.constant 32 : i32
      %scan3A_212 = arith.addi %scan3A_210, %scan3A_211 : i32
      %scan3A_213 = arith.constant 1 : i32
      scf.for %scan3A_311 = %scan3A_210 to %scan3A_212 step %scan3A_213  : i32 {
        %mul3A_312 = arith.constant 4 : i32
        %mul3A_313 = arith.muli %scan3A_311, %mul3A_312 : i32
        %add3A_314 = arith.constant 0 : i32
        %add3A_315 = arith.addi %mul3A_313, %add3A_314 : i32
        %get3A = arith.index_cast %add3A_315 : i32 to index
        %get3A_316 = arith.constant 0 : index
        %get3A_317 = tpu.vector_load %arg12[%get3A, %get3A_316] {strides = array<i32>} : memref<128x64xf32, #tpu.memory_space<vmem>>, vector<1x16xf32>,
        %get3A_318 = vector.shape_cast %get3A_317 : vector<1x16xf32> to vector<16xf32>
        %mul3A_319 = arith.constant 8.000000e+00 : f32
        %mul3A_320 = vector.broadcast %mul3A_319 : f32 to vector<16xf32>
        %mul3A_321 = arith.mulf %get3A_318, %mul3A_320 : vector<16xf32>
        %swap3A = arith.index_cast %add3A_315 : i32 to index
        %swap3A_322 = arith.constant 0 : index
        %swap3A_323 = tpu.vector_load %arg12[%swap3A, %swap3A_322] {strides = array<i32>} : memref<128x64xf32, #tpu.memory_space<vmem>>, vector<1x16xf32>,
        %swap3A_324 = vector.shape_cast %swap3A_323 : vector<1x16xf32> to vector<16xf32>
        %swap3A_325 = vector.shape_cast %mul3A_321 : vector<16xf32> to vector<1x16xf32>
        tpu.vector_store %arg12[%swap3A, %swap3A_322], %swap3A_325 {strides = array<i32>} : memref<128x64xf32, #tpu.memory_space<vmem>>, vector<1x16xf32>,
        %get3A_326 = arith.index_cast %add3A_315 : i32 to index
        %get3A_327 = arith.constant 16 : index
        %get3A_328 = tpu.vector_load %arg12[%get3A_326, %get3A_327] {strides = array<i32>} : memref<128x64xf32, #tpu.memory_space<vmem>>, vector<1x16xf32>,
        %get3A_329 = vector.shape_cast %get3A_328 : vector<1x16xf32> to vector<16xf32>
        %mul3A_330 = arith.constant 8.000000e+00 : f32
        %mul3A_331 = vector.broadcast %mul3A_330 : f32 to vector<16xf32>
        %mul3A_332 = arith.mulf %get3A_329, %mul3A_331 : vector<16xf32>
        %swap3A_333 = arith.index_cast %add3A_315 : i32 to index
        %swap3A_334 = arith.constant 16 : index
        %swap3A_335 = tpu.vector_load %arg12[%swap3A_333, %swap3A_334] {strides = array<i32>} : memref<128x64xf32, #tpu.memory_space<vmem>>, vector<1x16xf32>,
        %swap3A_336 = vector.shape_cast %swap3A_335 : vector<1x16xf32> to vector<16xf32>
        %swap3A_337 = vector.shape_cast %mul3A_332 : vector<16xf32> to vector<1x16xf32>
        tpu.vector_store %arg12[%swap3A_333, %swap3A_334], %swap3A_337 {strides = array<i32>} : memref<128x64xf32, #tpu.memory_space<vmem>>, vector<1x16xf32>,
        %get3A_338 = arith.index_cast %add3A_315 : i32 to index
        %get3A_339 = arith.constant 32 : index
        %get3A_340 = tpu.vector_load %arg12[%get3A_338, %get3A_339] {strides = array<i32>} : memref<128x64xf32, #tpu.memory_space<vmem>>, vector<1x16xf32>,
        %get3A_341 = vector.shape_cast %get3A_340 : vector<1x16xf32> to vector<16xf32>
        %mul3A_342 = arith.constant 8.000000e+00 : f32
        %mul3A_343 = vector.broadcast %mul3A_342 : f32 to vector<16xf32>
        %mul3A_344 = arith.mulf %get3A_341, %mul3A_343 : vector<16xf32>
        %swap3A_345 = arith.index_cast %add3A_315 : i32 to index
        %swap3A_346 = arith.constant 32 : index
        %swap3A_347 = tpu.vector_load %arg12[%swap3A_345, %swap3A_346] {strides = array<i32>} : memref<128x64xf32, #tpu.memory_space<vmem>>, vector<1x16xf32>,
        %swap3A_348 = vector.shape_cast %swap3A_347 : vector<1x16xf32> to vector<16xf32>
        %swap3A_349 = vector.shape_cast %mul3A_344 : vector<16xf32> to vector<1x16xf32>
        tpu.vector_store %arg12[%swap3A_345, %swap3A_346], %swap3A_349 {strides = array<i32>} : memref<128x64xf32, #tpu.memory_space<vmem>>, vector<1x16xf32>,
        %get3A_350 = arith.index_cast %add3A_315 : i32 to index
        %get3A_351 = arith.constant 48 : index
        %get3A_352 = tpu.vector_load %arg12[%get3A_350, %get3A_351] {strides = array<i32>} : memref<128x64xf32, #tpu.memory_space<vmem>>, vector<1x16xf32>,
        %get3A_353 = vector.shape_cast %get3A_352 : vector<1x16xf32> to vector<16xf32>
        %mul3A_354 = arith.constant 8.000000e+00 : f32
        %mul3A_355 = vector.broadcast %mul3A_354 : f32 to vector<16xf32>
        %mul3A_356 = arith.mulf %get3A_353, %mul3A_355 : vector<16xf32>
        %swap3A_357 = arith.index_cast %add3A_315 : i32 to index
        %swap3A_358 = arith.constant 48 : index
        %swap3A_359 = tpu.vector_load %arg12[%swap3A_357, %swap3A_358] {strides = array<i32>} : memref<128x64xf32, #tpu.memory_space<vmem>>, vector<1x16xf32>,
        %swap3A_360 = vector.shape_cast %swap3A_359 : vector<1x16xf32> to vector<16xf32>
        %swap3A_361 = vector.shape_cast %mul3A_356 : vector<16xf32> to vector<1x16xf32>
        tpu.vector_store %arg12[%swap3A_357, %swap3A_358], %swap3A_361 {strides = array<i32>} : memref<128x64xf32, #tpu.memory_space<vmem>>, vector<1x16xf32>,
        %mul3A_362 = arith.constant 4 : i32
        %mul3A_363 = arith.muli %scan3A_311, %mul3A_362 : i32
        %add3A_364 = arith.constant 1 : i32
        %add3A_365 = arith.addi %mul3A_363, %add3A_364 : i32
        %get3A_366 = arith.index_cast %add3A_365 : i32 to index
        %get3A_367 = arith.constant 0 : index
        %get3A_368 = tpu.vector_load %arg12[%get3A_366, %get3A_367] {strides = array<i32>} : memref<128x64xf32, #tpu.memory_space<vmem>>, vector<1x16xf32>,
        %get3A_369 = vector.shape_cast %get3A_368 : vector<1x16xf32> to vector<16xf32>
        %mul3A_370 = arith.constant 8.000000e+00 : f32
        %mul3A_371 = vector.broadcast %mul3A_370 : f32 to vector<16xf32>
        %mul3A_372 = arith.mulf %get3A_369, %mul3A_371 : vector<16xf32>
        %swap3A_373 = arith.index_cast %add3A_365 : i32 to index
        %swap3A_374 = arith.constant 0 : index
        %swap3A_375 = tpu.vector_load %arg12[%swap3A_373, %swap3A_374] {strides = array<i32>} : memref<128x64xf32, #tpu.memory_space<vmem>>, vector<1x16xf32>,
        %swap3A_376 = vector.shape_cast %swap3A_375 : vector<1x16xf32> to vector<16xf32>
        %swap3A_377 = vector.shape_cast %mul3A_372 : vector<16xf32> to vector<1x16xf32>
        tpu.vector_store %arg12[%swap3A_373, %swap3A_374], %swap3A_377 {strides = array<i32>} : memref<128x64xf32, #tpu.memory_space<vmem>>, vector<1x16xf32>,
        %get3A_378 = arith.index_cast %add3A_365 : i32 to index
        %get3A_379 = arith.constant 16 : index
        %get3A_380 = tpu.vector_load %arg12[%get3A_378, %get3A_379] {strides = array<i32>} : memref<128x64xf32, #tpu.memory_space<vmem>>, vector<1x16xf32>,
        %get3A_381 = vector.shape_cast %get3A_380 : vector<1x16xf32> to vector<16xf32>
        %mul3A_382 = arith.constant 8.000000e+00 : f32
        %mul3A_383 = vector.broadcast %mul3A_382 : f32 to vector<16xf32>
        %mul3A_384 = arith.mulf %get3A_381, %mul3A_383 : vector<16xf32>
        %swap3A_385 = arith.index_cast %add3A_365 : i32 to index
        %swap3A_386 = arith.constant 16 : index
        %swap3A_387 = tpu.vector_load %arg12[%swap3A_385, %swap3A_386] {strides = array<i32>} : memref<128x64xf32, #tpu.memory_space<vmem>>, vector<1x16xf32>,
        %swap3A_388 = vector.shape_cast %swap3A_387 : vector<1x16xf32> to vector<16xf32>
        %swap3A_389 = vector.shape_cast %mul3A_384 : vector<16xf32> to vector<1x16xf32>
        tpu.vector_store %arg12[%swap3A_385, %swap3A_386], %swap3A_389 {strides = array<i32>} : memref<128x64xf32, #tpu.memory_space<vmem>>, vector<1x16xf32>,
        %get3A_390 = arith.index_cast %add3A_365 : i32 to index
        %get3A_391 = arith.constant 32 : index
        %get3A_392 = tpu.vector_load %arg12[%get3A_390, %get3A_391] {strides = array<i32>} : memref<128x64xf32, #tpu.memory_space<vmem>>, vector<1x16xf32>,
        %get3A_393 = vector.shape_cast %get3A_392 : vector<1x16xf32> to vector<16xf32>
        %mul3A_394 = arith.constant 8.000000e+00 : f32
        %mul3A_395 = vector.broadcast %mul3A_394 : f32 to vector<16xf32>
        %mul3A_396 = arith.mulf %get3A_393, %mul3A_395 : vector<16xf32>
        %swap3A_397 = arith.index_cast %add3A_365 : i32 to index
        %swap3A_398 = arith.constant 32 : index
        %swap3A_399 = tpu.vector_load %arg12[%swap3A_397, %swap3A_398] {strides = array<i32>} : memref<128x64xf32, #tpu.memory_space<vmem>>, vector<1x16xf32>,
        %swap3A_400 = vector.shape_cast %swap3A_399 : vector<1x16xf32> to vector<16xf32>
        %swap3A_401 = vector.shape_cast %mul3A_396 : vector<16xf32> to vector<1x16xf32>
        tpu.vector_store %arg12[%swap3A_397, %swap3A_398], %swap3A_401 {strides = array<i32>} : memref<128x64xf32, #tpu.memory_space<vmem>>, vector<1x16xf32>,
        %get3A_402 = arith.index_cast %add3A_365 : i32 to index
        %get3A_403 = arith.constant 48 : index
        %get3A_404 = tpu.vector_load %arg12[%get3A_402, %get3A_403] {strides = array<i32>} : memref<128x64xf32, #tpu.memory_space<vmem>>, vector<1x16xf32>,
        %get3A_405 = vector.shape_cast %get3A_404 : vector<1x16xf32> to vector<16xf32>
        %mul3A_406 = arith.constant 8.000000e+00 : f32
        %mul3A_407 = vector.broadcast %mul3A_406 : f32 to vector<16xf32>
        %mul3A_408 = arith.mulf %get3A_405, %mul3A_407 : vector<16xf32>
        %swap3A_409 = arith.index_cast %add3A_365 : i32 to index
        %swap3A_410 = arith.constant 48 : index
        %swap3A_411 = tpu.vector_load %arg12[%swap3A_409, %swap3A_410] {strides = array<i32>} : memref<128x64xf32, #tpu.memory_space<vmem>>, vector<1x16xf32>,
        %swap3A_412 = vector.shape_cast %swap3A_411 : vector<1x16xf32> to vector<16xf32>
        %swap3A_413 = vector.shape_cast %mul3A_408 : vector<16xf32> to vector<1x16xf32>
        tpu.vector_store %arg12[%swap3A_409, %swap3A_410], %swap3A_413 {strides = array<i32>} : memref<128x64xf32, #tpu.memory_space<vmem>>, vector<1x16xf32>,
        %mul3A_414 = arith.constant 4 : i32
        %mul3A_415 = arith.muli %scan3A_311, %mul3A_414 : i32
        %add3A_416 = arith.constant 2 : i32
        %add3A_417 = arith.addi %mul3A_415, %add3A_416 : i32
        %get3A_418 = arith.index_cast %add3A_417 : i32 to index
        %get3A_419 = arith.constant 0 : index
        %get3A_420 = tpu.vector_load %arg12[%get3A_418, %get3A_419] {strides = array<i32>} : memref<128x64xf32, #tpu.memory_space<vmem>>, vector<1x16xf32>,
        %get3A_421 = vector.shape_cast %get3A_420 : vector<1x16xf32> to vector<16xf32>
        %mul3A_422 = arith.constant 8.000000e+00 : f32
        %mul3A_423 = vector.broadcast %mul3A_422 : f32 to vector<16xf32>
        %mul3A_424 = arith.mulf %get3A_421, %mul3A_423 : vector<16xf32>
        %swap3A_425 = arith.index_cast %add3A_417 : i32 to index
        %swap3A_426 = arith.constant 0 : index
        %swap3A_427 = tpu.vector_load %arg12[%swap3A_425, %swap3A_426] {strides = array<i32>} : memref<128x64xf32, #tpu.memory_space<vmem>>, vector<1x16xf32>,
        %swap3A_428 = vector.shape_cast %swap3A_427 : vector<1x16xf32> to vector<16xf32>
        %swap3A_429 = vector.shape_cast %mul3A_424 : vector<16xf32> to vector<1x16xf32>
        tpu.vector_store %arg12[%swap3A_425, %swap3A_426], %swap3A_429 {strides = array<i32>} : memref<128x64xf32, #tpu.memory_space<vmem>>, vector<1x16xf32>,
        %get3A_430 = arith.index_cast %add3A_417 : i32 to index
        %get3A_431 = arith.constant 16 : index
        %get3A_432 = tpu.vector_load %arg12[%get3A_430, %get3A_431] {strides = array<i32>} : memref<128x64xf32, #tpu.memory_space<vmem>>, vector<1x16xf32>,
        %get3A_433 = vector.shape_cast %get3A_432 : vector<1x16xf32> to vector<16xf32>
        %mul3A_434 = arith.constant 8.000000e+00 : f32
        %mul3A_435 = vector.broadcast %mul3A_434 : f32 to vector<16xf32>
        %mul3A_436 = arith.mulf %get3A_433, %mul3A_435 : vector<16xf32>
        %swap3A_437 = arith.index_cast %add3A_417 : i32 to index
        %swap3A_438 = arith.constant 16 : index
        %swap3A_439 = tpu.vector_load %arg12[%swap3A_437, %swap3A_438] {strides = array<i32>} : memref<128x64xf32, #tpu.memory_space<vmem>>, vector<1x16xf32>,
        %swap3A_440 = vector.shape_cast %swap3A_439 : vector<1x16xf32> to vector<16xf32>
        %swap3A_441 = vector.shape_cast %mul3A_436 : vector<16xf32> to vector<1x16xf32>
        tpu.vector_store %arg12[%swap3A_437, %swap3A_438], %swap3A_441 {strides = array<i32>} : memref<128x64xf32, #tpu.memory_space<vmem>>, vector<1x16xf32>,
        %get3A_442 = arith.index_cast %add3A_417 : i32 to index
        %get3A_443 = arith.constant 32 : index
        %get3A_444 = tpu.vector_load %arg12[%get3A_442, %get3A_443] {strides = array<i32>} : memref<128x64xf32, #tpu.memory_space<vmem>>, vector<1x16xf32>,
        %get3A_445 = vector.shape_cast %get3A_444 : vector<1x16xf32> to vector<16xf32>
        %mul3A_446 = arith.constant 8.000000e+00 : f32
        %mul3A_447 = vector.broadcast %mul3A_446 : f32 to vector<16xf32>
        %mul3A_448 = arith.mulf %get3A_445, %mul3A_447 : vector<16xf32>
        %swap3A_449 = arith.index_cast %add3A_417 : i32 to index
        %swap3A_450 = arith.constant 32 : index
        %swap3A_451 = tpu.vector_load %arg12[%swap3A_449, %swap3A_450] {strides = array<i32>} : memref<128x64xf32, #tpu.memory_space<vmem>>, vector<1x16xf32>,
        %swap3A_452 = vector.shape_cast %swap3A_451 : vector<1x16xf32> to vector<16xf32>
        %swap3A_453 = vector.shape_cast %mul3A_448 : vector<16xf32> to vector<1x16xf32>
        tpu.vector_store %arg12[%swap3A_449, %swap3A_450], %swap3A_453 {strides = array<i32>} : memref<128x64xf32, #tpu.memory_space<vmem>>, vector<1x16xf32>,
        %get3A_454 = arith.index_cast %add3A_417 : i32 to index
        %get3A_455 = arith.constant 48 : index
        %get3A_456 = tpu.vector_load %arg12[%get3A_454, %get3A_455] {strides = array<i32>} : memref<128x64xf32, #tpu.memory_space<vmem>>, vector<1x16xf32>,
        %get3A_457 = vector.shape_cast %get3A_456 : vector<1x16xf32> to vector<16xf32>
        %mul3A_458 = arith.constant 8.000000e+00 : f32
        %mul3A_459 = vector.broadcast %mul3A_458 : f32 to vector<16xf32>
        %mul3A_460 = arith.mulf %get3A_457, %mul3A_459 : vector<16xf32>
        %swap3A_461 = arith.index_cast %add3A_417 : i32 to index
        %swap3A_462 = arith.constant 48 : index
        %swap3A_463 = tpu.vector_load %arg12[%swap3A_461, %swap3A_462] {strides = array<i32>} : memref<128x64xf32, #tpu.memory_space<vmem>>, vector<1x16xf32>,
        %swap3A_464 = vector.shape_cast %swap3A_463 : vector<1x16xf32> to vector<16xf32>
        %swap3A_465 = vector.shape_cast %mul3A_460 : vector<16xf32> to vector<1x16xf32>
        tpu.vector_store %arg12[%swap3A_461, %swap3A_462], %swap3A_465 {strides = array<i32>} : memref<128x64xf32, #tpu.memory_space<vmem>>, vector<1x16xf32>,
        %mul3A_466 = arith.constant 4 : i32
        %mul3A_467 = arith.muli %scan3A_311, %mul3A_466 : i32
        %add3A_468 = arith.constant 3 : i32
        %add3A_469 = arith.addi %mul3A_467, %add3A_468 : i32
        %get3A_470 = arith.index_cast %add3A_469 : i32 to index
        %get3A_471 = arith.constant 0 : index
        %get3A_472 = tpu.vector_load %arg12[%get3A_470, %get3A_471] {strides = array<i32>} : memref<128x64xf32, #tpu.memory_space<vmem>>, vector<1x16xf32>,
        %get3A_473 = vector.shape_cast %get3A_472 : vector<1x16xf32> to vector<16xf32>
        %mul3A_474 = arith.constant 8.000000e+00 : f32
        %mul3A_475 = vector.broadcast %mul3A_474 : f32 to vector<16xf32>
        %mul3A_476 = arith.mulf %get3A_473, %mul3A_475 : vector<16xf32>
        %swap3A_477 = arith.index_cast %add3A_469 : i32 to index
        %swap3A_478 = arith.constant 0 : index
        %swap3A_479 = tpu.vector_load %arg12[%swap3A_477, %swap3A_478] {strides = array<i32>} : memref<128x64xf32, #tpu.memory_space<vmem>>, vector<1x16xf32>,
        %swap3A_480 = vector.shape_cast %swap3A_479 : vector<1x16xf32> to vector<16xf32>
        %swap3A_481 = vector.shape_cast %mul3A_476 : vector<16xf32> to vector<1x16xf32>
        tpu.vector_store %arg12[%swap3A_477, %swap3A_478], %swap3A_481 {strides = array<i32>} : memref<128x64xf32, #tpu.memory_space<vmem>>, vector<1x16xf32>,
        %get3A_482 = arith.index_cast %add3A_469 : i32 to index
        %get3A_483 = arith.constant 16 : index
        %get3A_484 = tpu.vector_load %arg12[%get3A_482, %get3A_483] {strides = array<i32>} : memref<128x64xf32, #tpu.memory_space<vmem>>, vector<1x16xf32>,
        %get3A_485 = vector.shape_cast %get3A_484 : vector<1x16xf32> to vector<16xf32>
        %mul3A_486 = arith.constant 8.000000e+00 : f32
        %mul3A_487 = vector.broadcast %mul3A_486 : f32 to vector<16xf32>
        %mul3A_488 = arith.mulf %get3A_485, %mul3A_487 : vector<16xf32>
        %swap3A_489 = arith.index_cast %add3A_469 : i32 to index
        %swap3A_490 = arith.constant 16 : index
        %swap3A_491 = tpu.vector_load %arg12[%swap3A_489, %swap3A_490] {strides = array<i32>} : memref<128x64xf32, #tpu.memory_space<vmem>>, vector<1x16xf32>,
        %swap3A_492 = vector.shape_cast %swap3A_491 : vector<1x16xf32> to vector<16xf32>
        %swap3A_493 = vector.shape_cast %mul3A_488 : vector<16xf32> to vector<1x16xf32>
        tpu.vector_store %arg12[%swap3A_489, %swap3A_490], %swap3A_493 {strides = array<i32>} : memref<128x64xf32, #tpu.memory_space<vmem>>, vector<1x16xf32>,
        %get3A_494 = arith.index_cast %add3A_469 : i32 to index
        %get3A_495 = arith.constant 32 : index
        %get3A_496 = tpu.vector_load %arg12[%get3A_494, %get3A_495] {strides = array<i32>} : memref<128x64xf32, #tpu.memory_space<vmem>>, vector<1x16xf32>,
        %get3A_497 = vector.shape_cast %get3A_496 : vector<1x16xf32> to vector<16xf32>
        %mul3A_498 = arith.constant 8.000000e+00 : f32
        %mul3A_499 = vector.broadcast %mul3A_498 : f32 to vector<16xf32>
        %mul3A_500 = arith.mulf %get3A_497, %mul3A_499 : vector<16xf32>
        %swap3A_501 = arith.index_cast %add3A_469 : i32 to index
        %swap3A_502 = arith.constant 32 : index
        %swap3A_503 = tpu.vector_load %arg12[%swap3A_501, %swap3A_502] {strides = array<i32>} : memref<128x64xf32, #tpu.memory_space<vmem>>, vector<1x16xf32>,
        %swap3A_504 = vector.shape_cast %swap3A_503 : vector<1x16xf32> to vector<16xf32>
        %swap3A_505 = vector.shape_cast %mul3A_500 : vector<16xf32> to vector<1x16xf32>
        tpu.vector_store %arg12[%swap3A_501, %swap3A_502], %swap3A_505 {strides = array<i32>} : memref<128x64xf32, #tpu.memory_space<vmem>>, vector<1x16xf32>,
        %get3A_506 = arith.index_cast %add3A_469 : i32 to index
        %get3A_507 = arith.constant 48 : index
        %get3A_508 = tpu.vector_load %arg12[%get3A_506, %get3A_507] {strides = array<i32>} : memref<128x64xf32, #tpu.memory_space<vmem>>, vector<1x16xf32>,
        %get3A_509 = vector.shape_cast %get3A_508 : vector<1x16xf32> to vector<16xf32>
        %mul3A_510 = arith.constant 8.000000e+00 : f32
        %mul3A_511 = vector.broadcast %mul3A_510 : f32 to vector<16xf32>
        %mul3A_512 = arith.mulf %get3A_509, %mul3A_511 : vector<16xf32>
        %swap3A_513 = arith.index_cast %add3A_469 : i32 to index
        %swap3A_514 = arith.constant 48 : index
        %swap3A_515 = tpu.vector_load %arg12[%swap3A_513, %swap3A_514] {strides = array<i32>} : memref<128x64xf32, #tpu.memory_space<vmem>>, vector<1x16xf32>,
        %swap3A_516 = vector.shape_cast %swap3A_515 : vector<1x16xf32> to vector<16xf32>
        %swap3A_517 = vector.shape_cast %mul3A_512 : vector<16xf32> to vector<1x16xf32>
        tpu.vector_store %arg12[%swap3A_513, %swap3A_514], %swap3A_517 {strides = array<i32>} : memref<128x64xf32, #tpu.memory_space<vmem>>, vector<1x16xf32>,
      }
      %scan3A_214 = arith.constant 32 : i32
      %add3A_215 = arith.constant 6 : i32
      %add3A_216 = arith.addi %mul3A_8, %add3A_215 : i32
      %dma_start3A_217 = arith.constant 0 : i32
      %dma_start3A_218 = arith.constant 0 : i32
      %dma_start3A_219 = tpu.memref_slice %arg4[%add3A, %add3A_216, %dma_start3A_217, %dma_start3A_218] : memref<32x200x128x64xf32, #tpu.memory_space<hbm>> -> memref<1x1x128x64xf32, #tpu.memory_space<hbm>>
      %dma_start3A_220 = tpu.memref_squeeze %dma_start3A_219 : memref<1x1x128x64xf32, #tpu.memory_space<hbm>> -> memref<128x64xf32, #tpu.memory_space<hbm>>
      %dma_start3A_221 = arith.constant 0 : i32
      %dma_start3A_222 = arith.constant 0 : i32
      %dma_start3A_223 = tpu.memref_slice %arg4[%add3A, %add3A_216, %dma_start3A_221, %dma_start3A_222] : memref<32x200x128x64xf32, #tpu.memory_space<hbm>> -> memref<1x1x128x64xf32, #tpu.memory_space<hbm>>
      %dma_start3A_224 = tpu.memref_squeeze %dma_start3A_223 : memref<1x1x128x64xf32, #tpu.memory_space<hbm>> -> memref<128x64xf32, #tpu.memory_space<hbm>>
      tpu.enqueue_dma source(%arg12 : memref<128x64xf32, #tpu.memory_space<vmem>>) target(%dma_start3A_224 : memref<128x64xf32, #tpu.memory_space<hbm>>) target_semaphore(%arg28 : memref<!tpu.dma_semaphore, #tpu.memory_space<semaphore_mem>>)
      %dma_wait3A_225 = arith.constant 0 : i32
      %dma_wait3A_226 = tpu.memref_slice %arg5[%add3A_65, %dma_wait3A_225] : memref<200x128xi32, #tpu.memory_space<vmem>> -> memref<1x128xi32, #tpu.memory_space<vmem>>
      %dma_wait3A_227 = tpu.memref_squeeze %dma_wait3A_226 : memref<1x128xi32, #tpu.memory_space<vmem>> -> memref<128xi32, #tpu.memory_space<vmem>>
      %dma_wait3A_228 = arith.constant 0 : i32
      %dma_wait3A_229 = arith.constant 0 : i32
      %dma_wait3A_230 = tpu.memref_slice %arg2[%dma_wait3A_228, %dma_wait3A_229] : memref<1000000x64xf32, #tpu.memory_space<hbm>> -> memref<1000000x64xf32, #tpu.memory_space<hbm>>
      tpu.wait_indirect_dma semaphore(%arg21 : memref<!tpu.dma_semaphore, #tpu.memory_space<semaphore_mem>>) src(%dma_wait3A_230 : memref<1000000x64xf32, #tpu.memory_space<hbm>>) dst(%arg13 : memref<128x64xf32, #tpu.memory_space<vmem>>)
      %scan3A_231 = arith.constant 0 : i32
      %scan3A_232 = arith.constant 0 : i32
      %scan3A_233 = arith.constant 32 : i32
      %scan3A_234 = arith.addi %scan3A_232, %scan3A_233 : i32
      %scan3A_235 = arith.constant 1 : i32
      scf.for %scan3A_311 = %scan3A_232 to %scan3A_234 step %scan3A_235  : i32 {
        %mul3A_312 = arith.constant 4 : i32
        %mul3A_313 = arith.muli %scan3A_311, %mul3A_312 : i32
        %add3A_314 = arith.constant 0 : i32
        %add3A_315 = arith.addi %mul3A_313, %add3A_314 : i32
        %get3A = arith.index_cast %add3A_315 : i32 to index
        %get3A_316 = arith.constant 0 : index
        %get3A_317 = tpu.vector_load %arg13[%get3A, %get3A_316] {strides = array<i32>} : memref<128x64xf32, #tpu.memory_space<vmem>>, vector<1x16xf32>,
        %get3A_318 = vector.shape_cast %get3A_317 : vector<1x16xf32> to vector<16xf32>
        %mul3A_319 = arith.constant 8.000000e+00 : f32
        %mul3A_320 = vector.broadcast %mul3A_319 : f32 to vector<16xf32>
        %mul3A_321 = arith.mulf %get3A_318, %mul3A_320 : vector<16xf32>
        %swap3A = arith.index_cast %add3A_315 : i32 to index
        %swap3A_322 = arith.constant 0 : index
        %swap3A_323 = tpu.vector_load %arg13[%swap3A, %swap3A_322] {strides = array<i32>} : memref<128x64xf32, #tpu.memory_space<vmem>>, vector<1x16xf32>,
        %swap3A_324 = vector.shape_cast %swap3A_323 : vector<1x16xf32> to vector<16xf32>
        %swap3A_325 = vector.shape_cast %mul3A_321 : vector<16xf32> to vector<1x16xf32>
        tpu.vector_store %arg13[%swap3A, %swap3A_322], %swap3A_325 {strides = array<i32>} : memref<128x64xf32, #tpu.memory_space<vmem>>, vector<1x16xf32>,
        %get3A_326 = arith.index_cast %add3A_315 : i32 to index
        %get3A_327 = arith.constant 16 : index
        %get3A_328 = tpu.vector_load %arg13[%get3A_326, %get3A_327] {strides = array<i32>} : memref<128x64xf32, #tpu.memory_space<vmem>>, vector<1x16xf32>,
        %get3A_329 = vector.shape_cast %get3A_328 : vector<1x16xf32> to vector<16xf32>
        %mul3A_330 = arith.constant 8.000000e+00 : f32
        %mul3A_331 = vector.broadcast %mul3A_330 : f32 to vector<16xf32>
        %mul3A_332 = arith.mulf %get3A_329, %mul3A_331 : vector<16xf32>
        %swap3A_333 = arith.index_cast %add3A_315 : i32 to index
        %swap3A_334 = arith.constant 16 : index
        %swap3A_335 = tpu.vector_load %arg13[%swap3A_333, %swap3A_334] {strides = array<i32>} : memref<128x64xf32, #tpu.memory_space<vmem>>, vector<1x16xf32>,
        %swap3A_336 = vector.shape_cast %swap3A_335 : vector<1x16xf32> to vector<16xf32>
        %swap3A_337 = vector.shape_cast %mul3A_332 : vector<16xf32> to vector<1x16xf32>
        tpu.vector_store %arg13[%swap3A_333, %swap3A_334], %swap3A_337 {strides = array<i32>} : memref<128x64xf32, #tpu.memory_space<vmem>>, vector<1x16xf32>,
        %get3A_338 = arith.index_cast %add3A_315 : i32 to index
        %get3A_339 = arith.constant 32 : index
        %get3A_340 = tpu.vector_load %arg13[%get3A_338, %get3A_339] {strides = array<i32>} : memref<128x64xf32, #tpu.memory_space<vmem>>, vector<1x16xf32>,
        %get3A_341 = vector.shape_cast %get3A_340 : vector<1x16xf32> to vector<16xf32>
        %mul3A_342 = arith.constant 8.000000e+00 : f32
        %mul3A_343 = vector.broadcast %mul3A_342 : f32 to vector<16xf32>
        %mul3A_344 = arith.mulf %get3A_341, %mul3A_343 : vector<16xf32>
        %swap3A_345 = arith.index_cast %add3A_315 : i32 to index
        %swap3A_346 = arith.constant 32 : index
        %swap3A_347 = tpu.vector_load %arg13[%swap3A_345, %swap3A_346] {strides = array<i32>} : memref<128x64xf32, #tpu.memory_space<vmem>>, vector<1x16xf32>,
        %swap3A_348 = vector.shape_cast %swap3A_347 : vector<1x16xf32> to vector<16xf32>
        %swap3A_349 = vector.shape_cast %mul3A_344 : vector<16xf32> to vector<1x16xf32>
        tpu.vector_store %arg13[%swap3A_345, %swap3A_346], %swap3A_349 {strides = array<i32>} : memref<128x64xf32, #tpu.memory_space<vmem>>, vector<1x16xf32>,
        %get3A_350 = arith.index_cast %add3A_315 : i32 to index
        %get3A_351 = arith.constant 48 : index
        %get3A_352 = tpu.vector_load %arg13[%get3A_350, %get3A_351] {strides = array<i32>} : memref<128x64xf32, #tpu.memory_space<vmem>>, vector<1x16xf32>,
        %get3A_353 = vector.shape_cast %get3A_352 : vector<1x16xf32> to vector<16xf32>
        %mul3A_354 = arith.constant 8.000000e+00 : f32
        %mul3A_355 = vector.broadcast %mul3A_354 : f32 to vector<16xf32>
        %mul3A_356 = arith.mulf %get3A_353, %mul3A_355 : vector<16xf32>
        %swap3A_357 = arith.index_cast %add3A_315 : i32 to index
        %swap3A_358 = arith.constant 48 : index
        %swap3A_359 = tpu.vector_load %arg13[%swap3A_357, %swap3A_358] {strides = array<i32>} : memref<128x64xf32, #tpu.memory_space<vmem>>, vector<1x16xf32>,
        %swap3A_360 = vector.shape_cast %swap3A_359 : vector<1x16xf32> to vector<16xf32>
        %swap3A_361 = vector.shape_cast %mul3A_356 : vector<16xf32> to vector<1x16xf32>
        tpu.vector_store %arg13[%swap3A_357, %swap3A_358], %swap3A_361 {strides = array<i32>} : memref<128x64xf32, #tpu.memory_space<vmem>>, vector<1x16xf32>,
        %mul3A_362 = arith.constant 4 : i32
        %mul3A_363 = arith.muli %scan3A_311, %mul3A_362 : i32
        %add3A_364 = arith.constant 1 : i32
        %add3A_365 = arith.addi %mul3A_363, %add3A_364 : i32
        %get3A_366 = arith.index_cast %add3A_365 : i32 to index
        %get3A_367 = arith.constant 0 : index
        %get3A_368 = tpu.vector_load %arg13[%get3A_366, %get3A_367] {strides = array<i32>} : memref<128x64xf32, #tpu.memory_space<vmem>>, vector<1x16xf32>,
        %get3A_369 = vector.shape_cast %get3A_368 : vector<1x16xf32> to vector<16xf32>
        %mul3A_370 = arith.constant 8.000000e+00 : f32
        %mul3A_371 = vector.broadcast %mul3A_370 : f32 to vector<16xf32>
        %mul3A_372 = arith.mulf %get3A_369, %mul3A_371 : vector<16xf32>
        %swap3A_373 = arith.index_cast %add3A_365 : i32 to index
        %swap3A_374 = arith.constant 0 : index
        %swap3A_375 = tpu.vector_load %arg13[%swap3A_373, %swap3A_374] {strides = array<i32>} : memref<128x64xf32, #tpu.memory_space<vmem>>, vector<1x16xf32>,
        %swap3A_376 = vector.shape_cast %swap3A_375 : vector<1x16xf32> to vector<16xf32>
        %swap3A_377 = vector.shape_cast %mul3A_372 : vector<16xf32> to vector<1x16xf32>
        tpu.vector_store %arg13[%swap3A_373, %swap3A_374], %swap3A_377 {strides = array<i32>} : memref<128x64xf32, #tpu.memory_space<vmem>>, vector<1x16xf32>,
        %get3A_378 = arith.index_cast %add3A_365 : i32 to index
        %get3A_379 = arith.constant 16 : index
        %get3A_380 = tpu.vector_load %arg13[%get3A_378, %get3A_379] {strides = array<i32>} : memref<128x64xf32, #tpu.memory_space<vmem>>, vector<1x16xf32>,
        %get3A_381 = vector.shape_cast %get3A_380 : vector<1x16xf32> to vector<16xf32>
        %mul3A_382 = arith.constant 8.000000e+00 : f32
        %mul3A_383 = vector.broadcast %mul3A_382 : f32 to vector<16xf32>
        %mul3A_384 = arith.mulf %get3A_381, %mul3A_383 : vector<16xf32>
        %swap3A_385 = arith.index_cast %add3A_365 : i32 to index
        %swap3A_386 = arith.constant 16 : index
        %swap3A_387 = tpu.vector_load %arg13[%swap3A_385, %swap3A_386] {strides = array<i32>} : memref<128x64xf32, #tpu.memory_space<vmem>>, vector<1x16xf32>,
        %swap3A_388 = vector.shape_cast %swap3A_387 : vector<1x16xf32> to vector<16xf32>
        %swap3A_389 = vector.shape_cast %mul3A_384 : vector<16xf32> to vector<1x16xf32>
        tpu.vector_store %arg13[%swap3A_385, %swap3A_386], %swap3A_389 {strides = array<i32>} : memref<128x64xf32, #tpu.memory_space<vmem>>, vector<1x16xf32>,
        %get3A_390 = arith.index_cast %add3A_365 : i32 to index
        %get3A_391 = arith.constant 32 : index
        %get3A_392 = tpu.vector_load %arg13[%get3A_390, %get3A_391] {strides = array<i32>} : memref<128x64xf32, #tpu.memory_space<vmem>>, vector<1x16xf32>,
        %get3A_393 = vector.shape_cast %get3A_392 : vector<1x16xf32> to vector<16xf32>
        %mul3A_394 = arith.constant 8.000000e+00 : f32
        %mul3A_395 = vector.broadcast %mul3A_394 : f32 to vector<16xf32>
        %mul3A_396 = arith.mulf %get3A_393, %mul3A_395 : vector<16xf32>
        %swap3A_397 = arith.index_cast %add3A_365 : i32 to index
        %swap3A_398 = arith.constant 32 : index
        %swap3A_399 = tpu.vector_load %arg13[%swap3A_397, %swap3A_398] {strides = array<i32>} : memref<128x64xf32, #tpu.memory_space<vmem>>, vector<1x16xf32>,
        %swap3A_400 = vector.shape_cast %swap3A_399 : vector<1x16xf32> to vector<16xf32>
        %swap3A_401 = vector.shape_cast %mul3A_396 : vector<16xf32> to vector<1x16xf32>
        tpu.vector_store %arg13[%swap3A_397, %swap3A_398], %swap3A_401 {strides = array<i32>} : memref<128x64xf32, #tpu.memory_space<vmem>>, vector<1x16xf32>,
        %get3A_402 = arith.index_cast %add3A_365 : i32 to index
        %get3A_403 = arith.constant 48 : index
        %get3A_404 = tpu.vector_load %arg13[%get3A_402, %get3A_403] {strides = array<i32>} : memref<128x64xf32, #tpu.memory_space<vmem>>, vector<1x16xf32>,
        %get3A_405 = vector.shape_cast %get3A_404 : vector<1x16xf32> to vector<16xf32>
        %mul3A_406 = arith.constant 8.000000e+00 : f32
        %mul3A_407 = vector.broadcast %mul3A_406 : f32 to vector<16xf32>
        %mul3A_408 = arith.mulf %get3A_405, %mul3A_407 : vector<16xf32>
        %swap3A_409 = arith.index_cast %add3A_365 : i32 to index
        %swap3A_410 = arith.constant 48 : index
        %swap3A_411 = tpu.vector_load %arg13[%swap3A_409, %swap3A_410] {strides = array<i32>} : memref<128x64xf32, #tpu.memory_space<vmem>>, vector<1x16xf32>,
        %swap3A_412 = vector.shape_cast %swap3A_411 : vector<1x16xf32> to vector<16xf32>
        %swap3A_413 = vector.shape_cast %mul3A_408 : vector<16xf32> to vector<1x16xf32>
        tpu.vector_store %arg13[%swap3A_409, %swap3A_410], %swap3A_413 {strides = array<i32>} : memref<128x64xf32, #tpu.memory_space<vmem>>, vector<1x16xf32>,
        %mul3A_414 = arith.constant 4 : i32
        %mul3A_415 = arith.muli %scan3A_311, %mul3A_414 : i32
        %add3A_416 = arith.constant 2 : i32
        %add3A_417 = arith.addi %mul3A_415, %add3A_416 : i32
        %get3A_418 = arith.index_cast %add3A_417 : i32 to index
        %get3A_419 = arith.constant 0 : index
        %get3A_420 = tpu.vector_load %arg13[%get3A_418, %get3A_419] {strides = array<i32>} : memref<128x64xf32, #tpu.memory_space<vmem>>, vector<1x16xf32>,
        %get3A_421 = vector.shape_cast %get3A_420 : vector<1x16xf32> to vector<16xf32>
        %mul3A_422 = arith.constant 8.000000e+00 : f32
        %mul3A_423 = vector.broadcast %mul3A_422 : f32 to vector<16xf32>
        %mul3A_424 = arith.mulf %get3A_421, %mul3A_423 : vector<16xf32>
        %swap3A_425 = arith.index_cast %add3A_417 : i32 to index
        %swap3A_426 = arith.constant 0 : index
        %swap3A_427 = tpu.vector_load %arg13[%swap3A_425, %swap3A_426] {strides = array<i32>} : memref<128x64xf32, #tpu.memory_space<vmem>>, vector<1x16xf32>,
        %swap3A_428 = vector.shape_cast %swap3A_427 : vector<1x16xf32> to vector<16xf32>
        %swap3A_429 = vector.shape_cast %mul3A_424 : vector<16xf32> to vector<1x16xf32>
        tpu.vector_store %arg13[%swap3A_425, %swap3A_426], %swap3A_429 {strides = array<i32>} : memref<128x64xf32, #tpu.memory_space<vmem>>, vector<1x16xf32>,
        %get3A_430 = arith.index_cast %add3A_417 : i32 to index
        %get3A_431 = arith.constant 16 : index
        %get3A_432 = tpu.vector_load %arg13[%get3A_430, %get3A_431] {strides = array<i32>} : memref<128x64xf32, #tpu.memory_space<vmem>>, vector<1x16xf32>,
        %get3A_433 = vector.shape_cast %get3A_432 : vector<1x16xf32> to vector<16xf32>
        %mul3A_434 = arith.constant 8.000000e+00 : f32
        %mul3A_435 = vector.broadcast %mul3A_434 : f32 to vector<16xf32>
        %mul3A_436 = arith.mulf %get3A_433, %mul3A_435 : vector<16xf32>
        %swap3A_437 = arith.index_cast %add3A_417 : i32 to index
        %swap3A_438 = arith.constant 16 : index
        %swap3A_439 = tpu.vector_load %arg13[%swap3A_437, %swap3A_438] {strides = array<i32>} : memref<128x64xf32, #tpu.memory_space<vmem>>, vector<1x16xf32>,
        %swap3A_440 = vector.shape_cast %swap3A_439 : vector<1x16xf32> to vector<16xf32>
        %swap3A_441 = vector.shape_cast %mul3A_436 : vector<16xf32> to vector<1x16xf32>
        tpu.vector_store %arg13[%swap3A_437, %swap3A_438], %swap3A_441 {strides = array<i32>} : memref<128x64xf32, #tpu.memory_space<vmem>>, vector<1x16xf32>,
        %get3A_442 = arith.index_cast %add3A_417 : i32 to index
        %get3A_443 = arith.constant 32 : index
        %get3A_444 = tpu.vector_load %arg13[%get3A_442, %get3A_443] {strides = array<i32>} : memref<128x64xf32, #tpu.memory_space<vmem>>, vector<1x16xf32>,
        %get3A_445 = vector.shape_cast %get3A_444 : vector<1x16xf32> to vector<16xf32>
        %mul3A_446 = arith.constant 8.000000e+00 : f32
        %mul3A_447 = vector.broadcast %mul3A_446 : f32 to vector<16xf32>
        %mul3A_448 = arith.mulf %get3A_445, %mul3A_447 : vector<16xf32>
        %swap3A_449 = arith.index_cast %add3A_417 : i32 to index
        %swap3A_450 = arith.constant 32 : index
        %swap3A_451 = tpu.vector_load %arg13[%swap3A_449, %swap3A_450] {strides = array<i32>} : memref<128x64xf32, #tpu.memory_space<vmem>>, vector<1x16xf32>,
        %swap3A_452 = vector.shape_cast %swap3A_451 : vector<1x16xf32> to vector<16xf32>
        %swap3A_453 = vector.shape_cast %mul3A_448 : vector<16xf32> to vector<1x16xf32>
        tpu.vector_store %arg13[%swap3A_449, %swap3A_450], %swap3A_453 {strides = array<i32>} : memref<128x64xf32, #tpu.memory_space<vmem>>, vector<1x16xf32>,
        %get3A_454 = arith.index_cast %add3A_417 : i32 to index
        %get3A_455 = arith.constant 48 : index
        %get3A_456 = tpu.vector_load %arg13[%get3A_454, %get3A_455] {strides = array<i32>} : memref<128x64xf32, #tpu.memory_space<vmem>>, vector<1x16xf32>,
        %get3A_457 = vector.shape_cast %get3A_456 : vector<1x16xf32> to vector<16xf32>
        %mul3A_458 = arith.constant 8.000000e+00 : f32
        %mul3A_459 = vector.broadcast %mul3A_458 : f32 to vector<16xf32>
        %mul3A_460 = arith.mulf %get3A_457, %mul3A_459 : vector<16xf32>
        %swap3A_461 = arith.index_cast %add3A_417 : i32 to index
        %swap3A_462 = arith.constant 48 : index
        %swap3A_463 = tpu.vector_load %arg13[%swap3A_461, %swap3A_462] {strides = array<i32>} : memref<128x64xf32, #tpu.memory_space<vmem>>, vector<1x16xf32>,
        %swap3A_464 = vector.shape_cast %swap3A_463 : vector<1x16xf32> to vector<16xf32>
        %swap3A_465 = vector.shape_cast %mul3A_460 : vector<16xf32> to vector<1x16xf32>
        tpu.vector_store %arg13[%swap3A_461, %swap3A_462], %swap3A_465 {strides = array<i32>} : memref<128x64xf32, #tpu.memory_space<vmem>>, vector<1x16xf32>,
        %mul3A_466 = arith.constant 4 : i32
        %mul3A_467 = arith.muli %scan3A_311, %mul3A_466 : i32
        %add3A_468 = arith.constant 3 : i32
        %add3A_469 = arith.addi %mul3A_467, %add3A_468 : i32
        %get3A_470 = arith.index_cast %add3A_469 : i32 to index
        %get3A_471 = arith.constant 0 : index
        %get3A_472 = tpu.vector_load %arg13[%get3A_470, %get3A_471] {strides = array<i32>} : memref<128x64xf32, #tpu.memory_space<vmem>>, vector<1x16xf32>,
        %get3A_473 = vector.shape_cast %get3A_472 : vector<1x16xf32> to vector<16xf32>
        %mul3A_474 = arith.constant 8.000000e+00 : f32
        %mul3A_475 = vector.broadcast %mul3A_474 : f32 to vector<16xf32>
        %mul3A_476 = arith.mulf %get3A_473, %mul3A_475 : vector<16xf32>
        %swap3A_477 = arith.index_cast %add3A_469 : i32 to index
        %swap3A_478 = arith.constant 0 : index
        %swap3A_479 = tpu.vector_load %arg13[%swap3A_477, %swap3A_478] {strides = array<i32>} : memref<128x64xf32, #tpu.memory_space<vmem>>, vector<1x16xf32>,
        %swap3A_480 = vector.shape_cast %swap3A_479 : vector<1x16xf32> to vector<16xf32>
        %swap3A_481 = vector.shape_cast %mul3A_476 : vector<16xf32> to vector<1x16xf32>
        tpu.vector_store %arg13[%swap3A_477, %swap3A_478], %swap3A_481 {strides = array<i32>} : memref<128x64xf32, #tpu.memory_space<vmem>>, vector<1x16xf32>,
        %get3A_482 = arith.index_cast %add3A_469 : i32 to index
        %get3A_483 = arith.constant 16 : index
        %get3A_484 = tpu.vector_load %arg13[%get3A_482, %get3A_483] {strides = array<i32>} : memref<128x64xf32, #tpu.memory_space<vmem>>, vector<1x16xf32>,
        %get3A_485 = vector.shape_cast %get3A_484 : vector<1x16xf32> to vector<16xf32>
        %mul3A_486 = arith.constant 8.000000e+00 : f32
        %mul3A_487 = vector.broadcast %mul3A_486 : f32 to vector<16xf32>
        %mul3A_488 = arith.mulf %get3A_485, %mul3A_487 : vector<16xf32>
        %swap3A_489 = arith.index_cast %add3A_469 : i32 to index
        %swap3A_490 = arith.constant 16 : index
        %swap3A_491 = tpu.vector_load %arg13[%swap3A_489, %swap3A_490] {strides = array<i32>} : memref<128x64xf32, #tpu.memory_space<vmem>>, vector<1x16xf32>,
        %swap3A_492 = vector.shape_cast %swap3A_491 : vector<1x16xf32> to vector<16xf32>
        %swap3A_493 = vector.shape_cast %mul3A_488 : vector<16xf32> to vector<1x16xf32>
        tpu.vector_store %arg13[%swap3A_489, %swap3A_490], %swap3A_493 {strides = array<i32>} : memref<128x64xf32, #tpu.memory_space<vmem>>, vector<1x16xf32>,
        %get3A_494 = arith.index_cast %add3A_469 : i32 to index
        %get3A_495 = arith.constant 32 : index
        %get3A_496 = tpu.vector_load %arg13[%get3A_494, %get3A_495] {strides = array<i32>} : memref<128x64xf32, #tpu.memory_space<vmem>>, vector<1x16xf32>,
        %get3A_497 = vector.shape_cast %get3A_496 : vector<1x16xf32> to vector<16xf32>
        %mul3A_498 = arith.constant 8.000000e+00 : f32
        %mul3A_499 = vector.broadcast %mul3A_498 : f32 to vector<16xf32>
        %mul3A_500 = arith.mulf %get3A_497, %mul3A_499 : vector<16xf32>
        %swap3A_501 = arith.index_cast %add3A_469 : i32 to index
        %swap3A_502 = arith.constant 32 : index
        %swap3A_503 = tpu.vector_load %arg13[%swap3A_501, %swap3A_502] {strides = array<i32>} : memref<128x64xf32, #tpu.memory_space<vmem>>, vector<1x16xf32>,
        %swap3A_504 = vector.shape_cast %swap3A_503 : vector<1x16xf32> to vector<16xf32>
        %swap3A_505 = vector.shape_cast %mul3A_500 : vector<16xf32> to vector<1x16xf32>
        tpu.vector_store %arg13[%swap3A_501, %swap3A_502], %swap3A_505 {strides = array<i32>} : memref<128x64xf32, #tpu.memory_space<vmem>>, vector<1x16xf32>,
        %get3A_506 = arith.index_cast %add3A_469 : i32 to index
        %get3A_507 = arith.constant 48 : index
        %get3A_508 = tpu.vector_load %arg13[%get3A_506, %get3A_507] {strides = array<i32>} : memref<128x64xf32, #tpu.memory_space<vmem>>, vector<1x16xf32>,
        %get3A_509 = vector.shape_cast %get3A_508 : vector<1x16xf32> to vector<16xf32>
        %mul3A_510 = arith.constant 8.000000e+00 : f32
        %mul3A_511 = vector.broadcast %mul3A_510 : f32 to vector<16xf32>
        %mul3A_512 = arith.mulf %get3A_509, %mul3A_511 : vector<16xf32>
        %swap3A_513 = arith.index_cast %add3A_469 : i32 to index
        %swap3A_514 = arith.constant 48 : index
        %swap3A_515 = tpu.vector_load %arg13[%swap3A_513, %swap3A_514] {strides = array<i32>} : memref<128x64xf32, #tpu.memory_space<vmem>>, vector<1x16xf32>,
        %swap3A_516 = vector.shape_cast %swap3A_515 : vector<1x16xf32> to vector<16xf32>
        %swap3A_517 = vector.shape_cast %mul3A_512 : vector<16xf32> to vector<1x16xf32>
        tpu.vector_store %arg13[%swap3A_513, %swap3A_514], %swap3A_517 {strides = array<i32>} : memref<128x64xf32, #tpu.memory_space<vmem>>, vector<1x16xf32>,
      }
      %scan3A_236 = arith.constant 32 : i32
      %add3A_237 = arith.constant 7 : i32
      %add3A_238 = arith.addi %mul3A_8, %add3A_237 : i32
      %dma_start3A_239 = arith.constant 0 : i32
      %dma_start3A_240 = arith.constant 0 : i32
      %dma_start3A_241 = tpu.memref_slice %arg4[%add3A, %add3A_238, %dma_start3A_239, %dma_start3A_240] : memref<32x200x128x64xf32, #tpu.memory_space<hbm>> -> memref<1x1x128x64xf32, #tpu.memory_space<hbm>>
      %dma_start3A_242 = tpu.memref_squeeze %dma_start3A_241 : memref<1x1x128x64xf32, #tpu.memory_space<hbm>> -> memref<128x64xf32, #tpu.memory_space<hbm>>
      %dma_start3A_243 = arith.constant 0 : i32
      %dma_start3A_244 = arith.constant 0 : i32
      %dma_start3A_245 = tpu.memref_slice %arg4[%add3A, %add3A_238, %dma_start3A_243, %dma_start3A_244] : memref<32x200x128x64xf32, #tpu.memory_space<hbm>> -> memref<1x1x128x64xf32, #tpu.memory_space<hbm>>
      %dma_start3A_246 = tpu.memref_squeeze %dma_start3A_245 : memref<1x1x128x64xf32, #tpu.memory_space<hbm>> -> memref<128x64xf32, #tpu.memory_space<hbm>>
      tpu.enqueue_dma source(%arg13 : memref<128x64xf32, #tpu.memory_space<vmem>>) target(%dma_start3A_246 : memref<128x64xf32, #tpu.memory_space<hbm>>) target_semaphore(%arg29 : memref<!tpu.dma_semaphore, #tpu.memory_space<semaphore_mem>>)
      %dma_wait3A_247 = arith.constant 0 : i32
      %dma_wait3A_248 = arith.constant 0 : i32
      %dma_wait3A_249 = tpu.memref_slice %arg4[%add3A, %add3A_84, %dma_wait3A_247, %dma_wait3A_248] : memref<32x200x128x64xf32, #tpu.memory_space<hbm>> -> memref<1x1x128x64xf32, #tpu.memory_space<hbm>>
      %dma_wait3A_250 = tpu.memref_squeeze %dma_wait3A_249 : memref<1x1x128x64xf32, #tpu.memory_space<hbm>> -> memref<128x64xf32, #tpu.memory_space<hbm>>
      %dma_wait3A_251 = arith.constant 0 : i32
      %dma_wait3A_252 = arith.constant 0 : i32
      %dma_wait3A_253 = tpu.memref_slice %arg4[%add3A, %add3A_84, %dma_wait3A_251, %dma_wait3A_252] : memref<32x200x128x64xf32, #tpu.memory_space<hbm>> -> memref<1x1x128x64xf32, #tpu.memory_space<hbm>>
      %dma_wait3A_254 = tpu.memref_squeeze %dma_wait3A_253 : memref<1x1x128x64xf32, #tpu.memory_space<hbm>> -> memref<128x64xf32, #tpu.memory_space<hbm>>
      tpu.wait_dma2 semaphore(%arg22 : memref<!tpu.dma_semaphore, #tpu.memory_space<semaphore_mem>>) src(%arg6 : memref<128x64xf32, #tpu.memory_space<vmem>>) dst(%dma_wait3A_254 : memref<128x64xf32, #tpu.memory_space<hbm>>)
      %dma_wait3A_255 = arith.constant 0 : i32
      %dma_wait3A_256 = arith.constant 0 : i32
      %dma_wait3A_257 = tpu.memref_slice %arg4[%add3A, %add3A_106, %dma_wait3A_255, %dma_wait3A_256] : memref<32x200x128x64xf32, #tpu.memory_space<hbm>> -> memref<1x1x128x64xf32, #tpu.memory_space<hbm>>
      %dma_wait3A_258 = tpu.memref_squeeze %dma_wait3A_257 : memref<1x1x128x64xf32, #tpu.memory_space<hbm>> -> memref<128x64xf32, #tpu.memory_space<hbm>>
      %dma_wait3A_259 = arith.constant 0 : i32
      %dma_wait3A_260 = arith.constant 0 : i32
      %dma_wait3A_261 = tpu.memref_slice %arg4[%add3A, %add3A_106, %dma_wait3A_259, %dma_wait3A_260] : memref<32x200x128x64xf32, #tpu.memory_space<hbm>> -> memref<1x1x128x64xf32, #tpu.memory_space<hbm>>
      %dma_wait3A_262 = tpu.memref_squeeze %dma_wait3A_261 : memref<1x1x128x64xf32, #tpu.memory_space<hbm>> -> memref<128x64xf32, #tpu.memory_space<hbm>>
      tpu.wait_dma2 semaphore(%arg23 : memref<!tpu.dma_semaphore, #tpu.memory_space<semaphore_mem>>) src(%arg7 : memref<128x64xf32, #tpu.memory_space<vmem>>) dst(%dma_wait3A_262 : memref<128x64xf32, #tpu.memory_space<hbm>>)
      %dma_wait3A_263 = arith.constant 0 : i32
      %dma_wait3A_264 = arith.constant 0 : i32
      %dma_wait3A_265 = tpu.memref_slice %arg4[%add3A, %add3A_128, %dma_wait3A_263, %dma_wait3A_264] : memref<32x200x128x64xf32, #tpu.memory_space<hbm>> -> memref<1x1x128x64xf32, #tpu.memory_space<hbm>>
      %dma_wait3A_266 = tpu.memref_squeeze %dma_wait3A_265 : memref<1x1x128x64xf32, #tpu.memory_space<hbm>> -> memref<128x64xf32, #tpu.memory_space<hbm>>
      %dma_wait3A_267 = arith.constant 0 : i32
      %dma_wait3A_268 = arith.constant 0 : i32
      %dma_wait3A_269 = tpu.memref_slice %arg4[%add3A, %add3A_128, %dma_wait3A_267, %dma_wait3A_268] : memref<32x200x128x64xf32, #tpu.memory_space<hbm>> -> memref<1x1x128x64xf32, #tpu.memory_space<hbm>>
      %dma_wait3A_270 = tpu.memref_squeeze %dma_wait3A_269 : memref<1x1x128x64xf32, #tpu.memory_space<hbm>> -> memref<128x64xf32, #tpu.memory_space<hbm>>
      tpu.wait_dma2 semaphore(%arg24 : memref<!tpu.dma_semaphore, #tpu.memory_space<semaphore_mem>>) src(%arg8 : memref<128x64xf32, #tpu.memory_space<vmem>>) dst(%dma_wait3A_270 : memref<128x64xf32, #tpu.memory_space<hbm>>)
      %dma_wait3A_271 = arith.constant 0 : i32
      %dma_wait3A_272 = arith.constant 0 : i32
      %dma_wait3A_273 = tpu.memref_slice %arg4[%add3A, %add3A_150, %dma_wait3A_271, %dma_wait3A_272] : memref<32x200x128x64xf32, #tpu.memory_space<hbm>> -> memref<1x1x128x64xf32, #tpu.memory_space<hbm>>
      %dma_wait3A_274 = tpu.memref_squeeze %dma_wait3A_273 : memref<1x1x128x64xf32, #tpu.memory_space<hbm>> -> memref<128x64xf32, #tpu.memory_space<hbm>>
      %dma_wait3A_275 = arith.constant 0 : i32
      %dma_wait3A_276 = arith.constant 0 : i32
      %dma_wait3A_277 = tpu.memref_slice %arg4[%add3A, %add3A_150, %dma_wait3A_275, %dma_wait3A_276] : memref<32x200x128x64xf32, #tpu.memory_space<hbm>> -> memref<1x1x128x64xf32, #tpu.memory_space<hbm>>
      %dma_wait3A_278 = tpu.memref_squeeze %dma_wait3A_277 : memref<1x1x128x64xf32, #tpu.memory_space<hbm>> -> memref<128x64xf32, #tpu.memory_space<hbm>>
      tpu.wait_dma2 semaphore(%arg25 : memref<!tpu.dma_semaphore, #tpu.memory_space<semaphore_mem>>) src(%arg9 : memref<128x64xf32, #tpu.memory_space<vmem>>) dst(%dma_wait3A_278 : memref<128x64xf32, #tpu.memory_space<hbm>>)
      %dma_wait3A_279 = arith.constant 0 : i32
      %dma_wait3A_280 = arith.constant 0 : i32
      %dma_wait3A_281 = tpu.memref_slice %arg4[%add3A, %add3A_172, %dma_wait3A_279, %dma_wait3A_280] : memref<32x200x128x64xf32, #tpu.memory_space<hbm>> -> memref<1x1x128x64xf32, #tpu.memory_space<hbm>>
      %dma_wait3A_282 = tpu.memref_squeeze %dma_wait3A_281 : memref<1x1x128x64xf32, #tpu.memory_space<hbm>> -> memref<128x64xf32, #tpu.memory_space<hbm>>
      %dma_wait3A_283 = arith.constant 0 : i32
      %dma_wait3A_284 = arith.constant 0 : i32
      %dma_wait3A_285 = tpu.memref_slice %arg4[%add3A, %add3A_172, %dma_wait3A_283, %dma_wait3A_284] : memref<32x200x128x64xf32, #tpu.memory_space<hbm>> -> memref<1x1x128x64xf32, #tpu.memory_space<hbm>>
      %dma_wait3A_286 = tpu.memref_squeeze %dma_wait3A_285 : memref<1x1x128x64xf32, #tpu.memory_space<hbm>> -> memref<128x64xf32, #tpu.memory_space<hbm>>
      tpu.wait_dma2 semaphore(%arg26 : memref<!tpu.dma_semaphore, #tpu.memory_space<semaphore_mem>>) src(%arg10 : memref<128x64xf32, #tpu.memory_space<vmem>>) dst(%dma_wait3A_286 : memref<128x64xf32, #tpu.memory_space<hbm>>)
      %dma_wait3A_287 = arith.constant 0 : i32
      %dma_wait3A_288 = arith.constant 0 : i32
      %dma_wait3A_289 = tpu.memref_slice %arg4[%add3A, %add3A_194, %dma_wait3A_287, %dma_wait3A_288] : memref<32x200x128x64xf32, #tpu.memory_space<hbm>> -> memref<1x1x128x64xf32, #tpu.memory_space<hbm>>
      %dma_wait3A_290 = tpu.memref_squeeze %dma_wait3A_289 : memref<1x1x128x64xf32, #tpu.memory_space<hbm>> -> memref<128x64xf32, #tpu.memory_space<hbm>>
      %dma_wait3A_291 = arith.constant 0 : i32
      %dma_wait3A_292 = arith.constant 0 : i32
      %dma_wait3A_293 = tpu.memref_slice %arg4[%add3A, %add3A_194, %dma_wait3A_291, %dma_wait3A_292] : memref<32x200x128x64xf32, #tpu.memory_space<hbm>> -> memref<1x1x128x64xf32, #tpu.memory_space<hbm>>
      %dma_wait3A_294 = tpu.memref_squeeze %dma_wait3A_293 : memref<1x1x128x64xf32, #tpu.memory_space<hbm>> -> memref<128x64xf32, #tpu.memory_space<hbm>>
      tpu.wait_dma2 semaphore(%arg27 : memref<!tpu.dma_semaphore, #tpu.memory_space<semaphore_mem>>) src(%arg11 : memref<128x64xf32, #tpu.memory_space<vmem>>) dst(%dma_wait3A_294 : memref<128x64xf32, #tpu.memory_space<hbm>>)
      %dma_wait3A_295 = arith.constant 0 : i32
      %dma_wait3A_296 = arith.constant 0 : i32
      %dma_wait3A_297 = tpu.memref_slice %arg4[%add3A, %add3A_216, %dma_wait3A_295, %dma_wait3A_296] : memref<32x200x128x64xf32, #tpu.memory_space<hbm>> -> memref<1x1x128x64xf32, #tpu.memory_space<hbm>>
      %dma_wait3A_298 = tpu.memref_squeeze %dma_wait3A_297 : memref<1x1x128x64xf32, #tpu.memory_space<hbm>> -> memref<128x64xf32, #tpu.memory_space<hbm>>
      %dma_wait3A_299 = arith.constant 0 : i32
      %dma_wait3A_300 = arith.constant 0 : i32
      %dma_wait3A_301 = tpu.memref_slice %arg4[%add3A, %add3A_216, %dma_wait3A_299, %dma_wait3A_300] : memref<32x200x128x64xf32, #tpu.memory_space<hbm>> -> memref<1x1x128x64xf32, #tpu.memory_space<hbm>>
      %dma_wait3A_302 = tpu.memref_squeeze %dma_wait3A_301 : memref<1x1x128x64xf32, #tpu.memory_space<hbm>> -> memref<128x64xf32, #tpu.memory_space<hbm>>
      tpu.wait_dma2 semaphore(%arg28 : memref<!tpu.dma_semaphore, #tpu.memory_space<semaphore_mem>>) src(%arg12 : memref<128x64xf32, #tpu.memory_space<vmem>>) dst(%dma_wait3A_302 : memref<128x64xf32, #tpu.memory_space<hbm>>)
      %dma_wait3A_303 = arith.constant 0 : i32
      %dma_wait3A_304 = arith.constant 0 : i32
      %dma_wait3A_305 = tpu.memref_slice %arg4[%add3A, %add3A_238, %dma_wait3A_303, %dma_wait3A_304] : memref<32x200x128x64xf32, #tpu.memory_space<hbm>> -> memref<1x1x128x64xf32, #tpu.memory_space<hbm>>
      %dma_wait3A_306 = tpu.memref_squeeze %dma_wait3A_305 : memref<1x1x128x64xf32, #tpu.memory_space<hbm>> -> memref<128x64xf32, #tpu.memory_space<hbm>>
      %dma_wait3A_307 = arith.constant 0 : i32
      %dma_wait3A_308 = arith.constant 0 : i32
      %dma_wait3A_309 = tpu.memref_slice %arg4[%add3A, %add3A_238, %dma_wait3A_307, %dma_wait3A_308] : memref<32x200x128x64xf32, #tpu.memory_space<hbm>> -> memref<1x1x128x64xf32, #tpu.memory_space<hbm>>
      %dma_wait3A_310 = tpu.memref_squeeze %dma_wait3A_309 : memref<1x1x128x64xf32, #tpu.memory_space<hbm>> -> memref<128x64xf32, #tpu.memory_space<hbm>>
      tpu.wait_dma2 semaphore(%arg29 : memref<!tpu.dma_semaphore, #tpu.memory_space<semaphore_mem>>) src(%arg13 : memref<128x64xf32, #tpu.memory_space<vmem>>) dst(%dma_wait3A_310 : memref<128x64xf32, #tpu.memory_space<hbm>>)
    }
    %scan3A_5 = arith.constant 25 : i32
    return
  }
}

</mosaic_0001>

<sc_bundles>
// kernel: kernel.3.cloned.1.call-start
scs
__scs_entry_jumppad:
0x0: {  	(pc) =	sbr.rel $0x88, $3  }
0x1: {  	(tag) =	ssettag $0x0;
	lr =	simm.s32 $0x1  }
0x2: {  	[smem:$0x3F9F] =	sst lr;
	_ =	strace $0xD0000000  }
0x3: {  	_ = 	snop  }
0x4: {  	_ = 	snop  }
0x5: {  	_ = 	snop  }
0x6: {  	_ = 	snop  }
0x7: {  	_ = 	snop  }
__scs_overlays_trampoline_lowered:
0x8: {  	[smem:$0x3FAE] =	sst s0  }
0x9: {  	[smem:$0x3FAF] =	sst s1  }
0xa: {  	[smem:$0x3FB0] =	sst s2  }
0xb: {  	[smem:$0x3FB1] =	sst s3  }
0xc: {  	[smem:$0x3FB2] =	sst s4  }
0xd: {  	[smem:$0x3FB3] =	sst s5  }
0xe: {  	[smem:$0x3FB4] =	sst s6  }
0xf: {  	[smem:$0x3FB5] =	sst s7  }
0x10: {  	[smem:$0x3FB6] =	sst s8  }
0x11: {  	[smem:$0x3FB7] =	sst s9;
	s0 =	simm.s32 @!p0 $0x0  }
0x12: {  	s1 =	sld [smem:$0x3F9D];
	s0 =	simm.s32 @p0 $0x1  }
0x13: {  	[smem:$0x3FB8] =	sst s0;
	s0 =	simm.s32 @!p1 $0x0  }
0x14: {  	s2 =	sld [smem:$0x3F9C];
	s0 =	simm.s32 @p1 $0x1  }
0x15: {  	[smem:$0x3FB9] =	sst s0;
	s0 =	simm.s32 @!p2 $0x0  }
0x16: {  	s3 =	sld [smem:$0x3FDB];
	s0 =	simm.s32 @p2 $0x1  }
0x17: {  	s4 =	simm.s32 $0x1BF5;
	[smem:$0x3FBB] =	sst s0  }
0x18: {  	s0 =	sld [smem:$0x3F9E];
	_ =	swait.ge [sflag:s4], $0x0  }
0x19: {  	s7 =	sld [smem:$0x3F9F]  }
0x1a: {  	s8 =	sadd.s32 $0xFFFFE003, lr  }
0x1b: {  	s9 =	sadd.s32 $0xFFFFFEF7, lr;
	s5 =	simm.s32 $0xFFFFFFFF;
	p2 =	slt.u32 s8, $0xFFFFF086  }
0x1c: {  	p1 =	slt.u32 s9, $0xF7A;
	s5 =	simm.s32 @!p2 $0x0  }
0x1d: {  	s5 =	simm.s32 @p1 $0x1;
	p0 =	seq.s32 s7, s2  }
0x1e: {  	s7 =	smul.u32 @!p0 $0xF7A, s2;
	p2 =	seq.s32 @!p0 s5, $0x0  }
0x1f: {  	s9 =	smul.u32 $0xF7A, s1;
	s8 =	simm.s32 @!p0 $0x1BF5;
	p2 =	por !p2, p0  }
0x20: {  	[sflag:s8] =	ssyncset.s32 @!p0 $0xFFFFF086;
	s6 =	sadd.s32 @!p0 s3, s7;
	s7 =	simm.s32 @!p0 $0x108  }
0x21: {  	s3 =	sadd.s32 s3, s9;
	s6 =	sadd.s32 @!p0 $0x88, s6;
	s7 =	simm.s32 @p2 $0x1082  }
0x22: {  	[simem:s7], [sflag:s8] =	dma.local @!p0 [hbm:s6], $0xF7A  }
0x23: {  	s9 =	sor.u32 $0xD0000000, s2;
	s6 =	simm.s32 $0x108;
	_ =	swait.ge @!p0 [sflag:s8], $0x0  }
0x24: {  	s3 =	sadd.s32 $0x88, s3;
	s6 =	simm.s32 @!p1 $0x1082;
	[sflag:s4] =	ssyncset.s32 $0xFFFFF086  }
0x25: {  	[simem:s6], [sflag:s4] =	dma.local [hbm:s3], $0xF7A  }
0x26: {  	[smem:$0x3F9F] =	sst s1;
	(tag) =	ssettag s2;
	_ =	strace s9  }
0x27: {  	s1 =	sld [smem:$0x3FAF]  }
0x28: {  	s2 =	sld [smem:$0x3FB0]  }
0x29: {  	s4 =	sld [smem:$0x3FB2]  }
0x2a: {  	p0 =	seq.s32 s5, $0x0;
	s5 =	sld [smem:$0x3FB3]  }
0x2b: {  	s6 =	sld [smem:$0x3FB4]  }
0x2c: {  	s7 =	sld [smem:$0x3FB5]  }
0x2d: {  	s3 =	simm.s32 $0x108;
	s8 =	sld [smem:$0x3FB6]  }
0x2e: {  	s3 =	simm.s32 @!p0 $0x1082;
	s9 =	sld [smem:$0x3FB7]  }
0x2f: {  	lr =	sadd.s32 s0, s3;
	s0 =	sld [smem:$0x3FAE]  }
0x30: {  	s3 =	sld [smem:$0x3FB1]  }
0x31: {  	[smem:$0x3FBA] =	sst s10  }
0x32: {  	s10 =	sld [smem:$0x3FB8];
	_ =	sdelay $0x3  }
0x33: {  	p0 =	seq.s32 s10, $0x1;
	s10 =	sld [smem:$0x3FBA];
	_ =	sdelay $0x3  }
0x34: {  	[smem:$0x3FBA] =	sst s10  }
0x35: {  	s10 =	sld [smem:$0x3FB9];
	_ =	sdelay $0x3  }
0x36: {  	p1 =	seq.s32 s10, $0x1;
	s10 =	sld [smem:$0x3FBA];
	_ =	sdelay $0x3  }
0x37: {  	[smem:$0x3FBA] =	sst s10  }
0x38: {  	s10 =	sld [smem:$0x3FBB]  }
0x39: {  	_ = 	snop;
	(pc) =	sbr.ind lr, $3  }
0x3a: {  	_ = 	snop  }
0x3b: {  	_ = 	snop  }
0x3c: {  	p2 =	seq.s32 s10, $0x1;
	s10 =	sld [smem:$0x3FBA]  }
0x3d: {  	_ =	shalt  }
0x3e: {  	_ =	shalt  }
0x3f: {  	_ =	shalt  }
0x40: {  	_ =	shalt  }
0x41: {  	_ =	shalt  }
0x42: {  	_ =	shalt  }
0x43: {  	_ =	shalt  }
0x44: {  	_ =	shalt  }
0x45: {  	_ =	shalt  }
0x46: {  	_ =	shalt  }
0x47: {  	_ =	shalt  }
0x48: {  	_ =	shalt  }
0x49: {  	_ =	shalt  }
0x4a: {  	_ =	shalt  }
0x4b: {  	_ =	shalt  }
0x4c: {  	_ =	shalt  }
0x4d: {  	_ =	shalt  }
0x4e: {  	_ =	shalt  }
0x4f: {  	_ =	shalt  }
0x50: {  	_ =	shalt  }
0x51: {  	_ =	shalt  }
0x52: {  	_ =	shalt  }
0x53: {  	_ =	shalt  }
0x54: {  	_ =	shalt  }
0x55: {  	_ =	shalt  }
0x56: {  	_ =	shalt  }
0x57: {  	_ =	shalt  }
0x58: {  	_ =	shalt  }
0x59: {  	_ =	shalt  }
0x5a: {  	_ =	shalt  }
0x5b: {  	_ =	shalt  }
0x5c: {  	_ =	shalt  }
0x5d: {  	_ =	shalt  }
0x5e: {  	_ =	shalt  }
0x5f: {  	_ =	shalt  }
0x60: {  	_ =	shalt  }
0x61: {  	_ =	shalt  }
0x62: {  	_ =	shalt  }
0x63: {  	_ =	shalt  }
0x64: {  	_ =	shalt  }
0x65: {  	_ =	shalt  }
0x66: {  	_ =	shalt  }
0x67: {  	_ =	shalt  }
0x68: {  	_ =	shalt  }
0x69: {  	_ =	shalt  }
0x6a: {  	_ =	shalt  }
0x6b: {  	_ =	shalt  }
0x6c: {  	_ =	shalt  }
0x6d: {  	_ =	shalt  }
0x6e: {  	_ =	shalt  }
0x6f: {  	_ =	shalt  }
0x70: {  	_ =	shalt  }
0x71: {  	_ =	shalt  }
0x72: {  	_ =	shalt  }
0x73: {  	_ =	shalt  }
0x74: {  	_ =	shalt  }
0x75: {  	_ =	shalt  }
0x76: {  	_ =	shalt  }
0x77: {  	_ =	shalt  }
0x78: {  	_ =	shalt  }
0x79: {  	_ =	shalt  }
0x7a: {  	_ =	shalt  }
0x7b: {  	_ =	shalt  }
0x7c: {  	_ =	shalt  }
0x7d: {  	_ =	shalt  }
0x7e: {  	_ =	shalt  }
0x7f: {  	_ =	shalt  }
0x80: {  	_ =	shalt  }
0x81: {  	_ =	shalt  }
0x82: {  	_ =	shalt  }
0x83: {  	_ =	shalt  }
0x84: {  	_ =	shalt  }
0x85: {  	_ =	shalt  }
0x86: {  	_ =	shalt  }
0x87: {  	_ =	shalt  }
.Lfunc_end0:
.L_simem_size_0:
called_computation.1_lowered:
.L_overlay_start_0:
0x88: {  	s2 =	sld [smem:$0x3FD9]  }
0x89: {  	s3 =	sld [smem:$0x3FFE];
	_ =	sdelay $0x1  }
0x8a: {  	s1 =	srdreg.scid  }
0x8b: {  	s0 =	sand.u32 $0x1, s1  }
0x8c: {  	s17 =	sshll.u32 s0, $0xA;
	s2 =	sadd.s32 s3, s2  }
0x8d: {  	s2 =	sadd.s32 s2, s17  }
0x8e: {  	[smem:$0x3FC6] =	sst s2  }
0x8f: {  	_ = 	snop  }
0x90: {  	s2 =	sld [smem:$0x3FD0];
	(tm) =	ssettm $0x1  }
0x91: {  	s18 =	sld [smem:$0x3FFB];
	_ =	sdelay $0x3  }
0x92: {  	_ =	strace s18  }
0x93: {  	s3 =	sld [smem:$0x3FFC];
	_ =	sdelay $0x3  }
0x94: {  	_ =	strace s3  }
0x95: {  	s3 =	sld [smem:$0x3FFD];
	_ =	sdelay $0x3  }
0x96: {  	_ =	strace s3  }
0x97: {  	_ =	strace $0x8FFFFFFF  }
0x98: {  	s19 =	sld [smem:$0x3FDB];
	_ =	sdelay $0x1  }
0x99: {  	s4 =	simm.s32 $_scs_section_size  }
0x9a: {  	s5 =	simm.s32 $_size__tile_overlayer_lowered;
	s6 =	simm.s32 $_tile_overlayer_lowered  }
0x9b: {  	s22 =	simm.s32 $0x1BFF;
	s21 =	sshll.u32 s6, $0x1;
	s3 =	sadd.s32 s4, s19  }
0x9c: {  	s7 =	simm.s32 $0x0;
	s20 =	sshll.u32 s5, $0x1;
	s5 =	sadd.s32 s21, s3  }
0x9d: {  	[timem:s7], [sflag:s22] =	dma.local [hbm:s5], s20  }
0x9e: {  	_ =	swait.ge [sflag:s22], s20  }
0x9f: {  	s4 =	ssub.s32 $0x0, s20;
	[sflag:s22] =	ssyncset.done $0x0  }
0xa0: {  	[sflag:s22] =	ssyncadd.s32 s4;
	_ =	sdelay $0x1  }
0xa1: {  	s23 =	simm.s32 $0x1B8B  }
0xa2: {  	_ =	swait.ge [sflag:s23], $0x1  }
0xa3: {  	[sflag:s23] =	ssyncset.done $0x0  }
0xa4: {  	s25 =	simm.s32 $0x1B8E;
	s24 =	sld [smem:$0x3FFE];
	[sflag:s23] =	ssyncadd.s32 $0xFFFFFFFF  }
0xa5: {  	s26 =	simm.s32 $execute0_lowered;
	[smem:$0x3FD2] =	sst s25  }
0xa6: {  	s5 =	sshll.u32 s26, $0x1;
	_ =	strace $0x80000046;
	[dreg:$0x1] =	wrdreg $0xFFFFFFFF  }
0xa7: {  	s28 =	simm.s32 $_size_execute0_lowered;
	s3 =	sadd.s32 s3, s5;
	[dreg:$0x0] =	wrdreg $0x0  }
0xa8: {  	s5 =	sshll.u32 s28, $0x1;
	[dreg:$0x2] =	wrdreg s3  }
0xa9: {  	[dreg:$0x3] =	wrdreg s5  }
0xaa: {  	[dreg:$0x4] =	wrdreg $0xC0  }
0xab: {  	_ =	task [dreg:s7], $0x5FFFF  }
0xac: {  	[dreg:$0x1] =	wrdreg $0xFFFFFFFF  }
0xad: {  	[dreg:$0x0] =	wrdreg $0x60  }
0xae: {  	[dreg:$0x2] =	wrdreg s24  }
0xaf: {  	[dreg:$0x3] =	wrdreg s2  }
0xb0: {  	[dreg:$0x4] =	wrdreg $0x9  }
0xb1: {  	_ =	task.clear_ibuf [dreg:s7], $0x5FFFF;
	_ =	strace $0x90000046  }
0xb2: {  	s29 =	simm.s32 $0x9;
	_ =	strace $0x80000048  }
0xb3: {  	_ =	swait.ge [sflag:s29], $0x1  }
0xb4: {  	[sflag:s29] =	ssyncadd.s32 $0xFFFFFFFF  }
0xb5: {  	_ =	strace $0x90000048  }
0xb6: {  	_ =	sfence  }
0xb7: {  	s30 =	sld [smem:$0x0];
	_ =	sdelay $0x2  }
0xb8: {  	s31 =	sshll.u32 s1, $0xD;
	s1 =	sshrl.u32 s1, $0x2  }
0xb9: {  	s3 =	sand.u32 $0x4000, s31;
	s1 =	sadd.s32 s1, s30  }
0xba: {  	s0 =	sor.u32 s3, s0;
	s1 =	sshll.u32 s1, $0x11  }
0xbb: {  	s0 =	sor.u32 s1, s0  }
0xbc: {  	s0 =	sadd.s32 $0x8F2B, s0  }
0xbd: {  	[sflag:s0] =	ssyncadd.remote.s32 $0x1  }
0xbe: {  	_ =	sfence.sel $0xFFFF  }
0xbf: {  	[dreg:$0x0] =	wrdreg $0xFFFFFFFF;
	(pc) =	sbr.abs _section_cstart, $3  }
0xc0: {  	[dreg:$0x1] =	wrdreg $0xFFFFFFFF  }
0xc1: {  	_ =	task.clear_ibuf [dreg:s7], $0x2FFFF;
	_ =	strace $0x9FFFFFFF  }
0xc2: {  	(tm) =	ssettm $0x7FFFFFFF  }
0xc3: {  	_ =	shalt  }
tec
execute0_lowered:
.L_overlay_start_1:
0x0: {  	(tag) =	ssettag $0x1  }
0x1: {  	s1 =	rddreg [dreg:$0x0]  }
0x2: {  	s0 =	srdreg.scid;
	s2 =	rddreg [dreg:$0x1]  }
0x3: {  	s4 =	stileid.u32;
	s5 =	simm.s32 $0x0;
	s9 =	simm.s32 $0x80  }
0x4: {  	s17 =	simm.s32 $0x8400;
	s16 =	simm.s32 $0xA400;
	s15 =	simm.s32 $0xC400  }
0x5: {  	s19 =	simm.s32 $0x2;
	s20 =	simm.s32 $0x3;
	s21 =	simm.s32 $0x4  }
0x6: {  	s22 =	simm.s32 $0x5;
	s23 =	simm.s32 $0x6;
	s24 =	simm.s32 $0x7  }
0x7: {  	s25 =	simm.s32 $0x8;
	s28 =	simm.s32 $0xA;
	s29 =	simm.s32 $0xB  }
0x8: {  	s30 =	simm.s32 $0xC;
	s31 =	simm.s32 $0xD;
	s0 =	sand.u32 $0x1, s0  }
0x9: {  	s7 =	simm.s32 $0x0;
	s18 =	simm.s32 $0x14400;
	s3 =	sshll.u32 s0, $0x4  }
0xa: {  	[smem:$0x7FF] =	sst s5;
	s0 =	ssub.s32 $0x2, s0;
	s3 =	sor.u32 s4, s3  }
0xb: {  	s5 =	simm.s32 $0x10;
	s6 =	sshrl.u32 s0, $0x1;
	s26 =	smul.u32 $0xC80, s3  }
0xc: {  	_ =	strace $0x80000047;
	s4 =	sadd.s32 $0xF42E00, s1;
	s0 =	ssub.s32 s0, s6  }
0xd: {  	s6 =	smul.u32 $0x190000, s3;
	s0 =	smax.u32 s0, $0x1;
	s1 =	sadd.s32 s26, s1  }
0xe: {  	[dreg:$0x4] =	wrdreg s0;
	s26 =	simm.s32 $0x9;
	s1 =	sadd.s32 $0xA00, s1  }
0xf: {  	s0 =	simm.s32 $0xE;
	[dreg:$0x3] =	wrdreg s1;
	s1 =	simm.s32 $0xF  }
.LBB2_1:
0x10: {  	[dreg:$0x5] =	wrdreg s7  }
0x11: {  	s3 =	simm.s32 $0x0;
	s13 =	rddreg [dreg:$0x3];
	s14 =	simm.s32 $0x11  }
0x12: {  	[tilespmem:s3], [sflag:$0x11] =	stream.linear.gather [hbm4b:s13+s3], $0x6400, $0x38;
	[tilespmem:$0x16400] =	vst v63  }
0x13: {  	_ =	swait.ge [sflag:s14], $0x6400  }
0x14: {  	[sflag:s14] =	ssyncset.done $0x0  }
0x15: {  	s8 =	simm.s32 $0x0;
	[sflag:s14] =	ssyncadd.s32 $0xFFFF9C00  }
.LBB2_2:
0x16: {  	s3 =	sshll.u32 s8, $0xA;
	s7 =	sshll.u32 s8, $0x3  }
0x17: {  	s10 =	simm.s32 $0x6400;
	s3 =	sand.u32 $0x3FFFFC00, s3;
	s14 =	sor.u32 $0x1, s7  }
0x18: {  	[tilespmem:s10], [sflag:$0x1] =	stream.indirect.gather [hbm4b:s4+s9], $0x40, s3, s9, $0xb8;
	[tilespmem:$0x16400] =	vst v63  }
0x19: {  	s13 =	sshll.u32 s14, $0x7  }
0x1a: {  	s3 =	sand.u32 $0x3FFFFC80, s13;
	s13 =	sor.u32 $0x2, s7  }
0x1b: {  	[tilespmem:s17], [sflag:$0x2] =	stream.indirect.gather [hbm4b:s4+s9], $0x40, s3, s9, $0xb8;
	[tilespmem:$0x16400] =	vst v63  }
0x1c: {  	s12 =	sor.u32 $0x3, s7;
	s10 =	sshll.u32 s13, $0x7  }
0x1d: {  	s11 =	sshll.u32 s12, $0x7;
	s3 =	sand.u32 $0x3FFFFD00, s10  }
0x1e: {  	[tilespmem:s16], [sflag:$0x3] =	stream.indirect.gather [hbm4b:s4+s9], $0x40, s3, s9, $0xb8;
	[tilespmem:$0x16400] =	vst v63  }
0x1f: {  	s3 =	sand.u32 $0x3FFFFD80, s11;
	s11 =	sor.u32 $0x4, s7  }
0x20: {  	s10 =	sor.u32 $0x5, s7;
	s16 =	sshll.u32 s11, $0x7  }
0x21: {  	[tilespmem:s15], [sflag:$0x4] =	stream.indirect.gather [hbm4b:s4+s9], $0x40, s3, s9, $0xb8;
	[tilespmem:$0x16400] =	vst v63  }
0x22: {  	s17 =	simm.s32 $0xE400;
	s3 =	sand.u32 $0x3FFFFE00, s16;
	s15 =	sshll.u32 s10, $0x7  }
0x23: {  	[tilespmem:s17], [sflag:$0x5] =	stream.indirect.gather [hbm4b:s4+s9], $0x40, s3, s9, $0xb8;
	[tilespmem:$0x16400] =	vst v63  }
0x24: {  	s16 =	simm.s32 $0x10400;
	s3 =	sand.u32 $0x3FFFFE80, s15  }
0x25: {  	[tilespmem:s16], [sflag:$0x6] =	stream.indirect.gather [hbm4b:s4+s9], $0x40, s3, s9, $0xb8;
	[tilespmem:$0x16400] =	vst v63  }
0x26: {  	s3 =	sor.u32 $0x6, s7  }
0x27: {  	s7 =	sshll.u32 s3, $0x7  }
0x28: {  	s17 =	simm.s32 $0x12400;
	s7 =	sand.u32 $0x3FFFFF00, s7  }
0x29: {  	[tilespmem:s17], [sflag:$0x7] =	stream.indirect.gather [hbm4b:s4+s9], $0x40, s7, s9, $0xb8;
	[tilespmem:$0x16400] =	vst v63  }
0x2a: {  	s7 =	sshllo.u32 s8, $0x3  }
0x2b: {  	s16 =	sshll.u32 s7, $0x7  }
0x2c: {  	s17 =	simm.s32 $0x1;
	s15 =	sand.u32 $0x3FFFFF80, s16  }
0x2d: {  	[tilespmem:s18], [sflag:$0x8] =	stream.indirect.gather [hbm4b:s4+s9], $0x40, s15, s9, $0xb8;
	[tilespmem:$0x16400] =	vst v63  }
0x2e: {  	_ =	swait.ge [sflag:s17], $0x2000  }
0x2f: {  	[sflag:s17] =	ssyncset.done $0x0  }
0x30: {  	s15 =	simm.s32 $0x0;
	[sflag:s17] =	ssyncadd.s32 $0xFFFFE000  }
0x31: {  	v0 =	vld [tilespmem:s15+$0x6400]  }
0x32: {  	v1 =	vld [tilespmem:s15+$0x6410]  }
0x33: {  	v2 =	vld [tilespmem:s15+$0x6420]  }
0x34: {  	v3 =	vld [tilespmem:s15+$0x6430]  }
0x35: {  	v4 =	vld [tilespmem:s15+$0x6440]  }
0x36: {  	v5 =	vld [tilespmem:s15+$0x6450];
	v0 =	vmul.f32 $8.000000000e+00, v0  }
0x37: {  	v6 =	vld [tilespmem:s15+$0x6460];
	v1 =	vmul.f32 $8.000000000e+00, v1  }
0x38: {  	v7 =	vld [tilespmem:s15+$0x6470];
	[tilespmem:s15+$0x6400] =	vst v0;
	v0 =	vmul.f32 $8.000000000e+00, v2  }
0x39: {  	v8 =	vld [tilespmem:s15+$0x6480];
	[tilespmem:s15+$0x6410] =	vst v1;
	v1 =	vmul.f32 $8.000000000e+00, v3  }
0x3a: {  	v9 =	vld [tilespmem:s15+$0x6490];
	[tilespmem:s15+$0x6420] =	vst v0;
	v0 =	vmul.f32 $8.000000000e+00, v4  }
0x3b: {  	v2 =	vmul.f32 $8.000000000e+00, v5;
	[tilespmem:s15+$0x6430] =	vst v1;
	v1 =	vld [tilespmem:s15+$0x64A0]  }
0x3c: {  	v3 =	vmul.f32 $8.000000000e+00, v6;
	[tilespmem:s15+$0x6440] =	vst v0;
	v0 =	vld [tilespmem:s15+$0x64B0]  }
0x3d: {  	[tilespmem:s15+$0x6450] =	vst v2;
	v2 =	vld [tilespmem:s15+$0x64C0];
	v4 =	vmul.f32 $8.000000000e+00, v7  }
0x3e: {  	v6 =	vmul.f32 $8.000000000e+00, v8;
	[tilespmem:s15+$0x6460] =	vst v3;
	v3 =	vld [tilespmem:s15+$0x64D0]  }
0x3f: {  	s16 =	simm.s32 $0x400;
	v5 =	vmul.f32 $8.000000000e+00, v9;
	[tilespmem:s15+$0x6470] =	vst v4;
	v4 =	vld [tilespmem:s15+$0x64E0]  }
.LBB2_3:
0x40: {  	s17 =	sshra.s32 s16, $0x2;
	p0 =	sne.s32 s16, $0x7C00;
	[tilespmem:s15+$0x6480] =	vst v6;
	v1 =	vmul.f32 $8.000000000e+00, v1;
	v6 =	vld [tilespmem:s15+$0x64F0]  }
0x41: {  	v7 =	vld [tilespmem:s17+$0x6400];
	[tilespmem:s15+$0x6490] =	vst v5;
	v0 =	vmul.f32 $8.000000000e+00, v0  }
0x42: {  	v5 =	vld [tilespmem:s17+$0x6410];
	[tilespmem:s15+$0x64A0] =	vst v1;
	v1 =	vmul.f32 $8.000000000e+00, v2  }
0x43: {  	v2 =	vld [tilespmem:s17+$0x6420];
	[tilespmem:s15+$0x64B0] =	vst v0;
	v0 =	vmul.f32 $8.000000000e+00, v3  }
0x44: {  	v3 =	vld [tilespmem:s17+$0x6430];
	[tilespmem:s15+$0x64C0] =	vst v1;
	v1 =	vmul.f32 $8.000000000e+00, v4  }
0x45: {  	v4 =	vld [tilespmem:s17+$0x6440];
	[tilespmem:s15+$0x64D0] =	vst v0;
	v0 =	vmul.f32 $8.000000000e+00, v6  }
0x46: {  	v6 =	vmul.f32 $8.000000000e+00, v7;
	v7 =	vld [tilespmem:s17+$0x6450];
	[tilespmem:s15+$0x64E0] =	vst v1  }
0x47: {  	v1 =	vmul.f32 $8.000000000e+00, v5;
	v5 =	vld [tilespmem:s17+$0x6460];
	[tilespmem:s15+$0x64F0] =	vst v0;
	s15 =	smov.u32 s17  }
0x48: {  	[tilespmem:s15+$0x6400] =	vst v6;
	v0 =	vmul.f32 $8.000000000e+00, v2;
	v2 =	vld [tilespmem:s15+$0x6470]  }
0x49: {  	[tilespmem:s15+$0x6410] =	vst v1;
	v1 =	vmul.f32 $8.000000000e+00, v3;
	v3 =	vld [tilespmem:s15+$0x6480]  }
0x4a: {  	[tilespmem:s15+$0x6420] =	vst v0;
	v0 =	vmul.f32 $8.000000000e+00, v4;
	v4 =	vld [tilespmem:s15+$0x6490]  }
.Ltmp0:
0x4b: {  	[tilespmem:s15+$0x6430] =	vst v1;
	v6 =	vmul.f32 $8.000000000e+00, v7;
	v1 =	vld [tilespmem:s15+$0x64A0];
	(pc) =	sbr.rel @p0 .LBB2_3-.Ltmp0, $4  }
0x4c: {  	[tilespmem:s15+$0x6440] =	vst v0;
	v5 =	vmul.f32 $8.000000000e+00, v5;
	v0 =	vld [tilespmem:s15+$0x64B0]  }
0x4d: {  	[tilespmem:s15+$0x6450] =	vst v6;
	v7 =	vmul.f32 $8.000000000e+00, v2;
	v2 =	vld [tilespmem:s15+$0x64C0]  }
0x4e: {  	[tilespmem:s15+$0x6460] =	vst v5;
	v6 =	vmul.f32 $8.000000000e+00, v3;
	v3 =	vld [tilespmem:s15+$0x64D0]  }
0x4f: {  	s16 =	sadd.s32 $0x400, s16;
	[tilespmem:s15+$0x6470] =	vst v7;
	v5 =	vmul.f32 $8.000000000e+00, v4;
	v4 =	vld [tilespmem:s15+$0x64E0]  }
0x50: {  	[tilespmem:s15+$0x6480] =	vst v6;
	v1 =	vmul.f32 $8.000000000e+00, v1;
	v6 =	vld [tilespmem:s15+$0x64F0]  }
0x51: {  	[tilespmem:s15+$0x6490] =	vst v5;
	v0 =	vmul.f32 $8.000000000e+00, v0  }
0x52: {  	[tilespmem:s15+$0x64A0] =	vst v1;
	v1 =	vmul.f32 $8.000000000e+00, v2  }
0x53: {  	[tilespmem:s15+$0x64B0] =	vst v0;
	v0 =	vmul.f32 $8.000000000e+00, v3  }
0x54: {  	s16 =	sshll.u32 s8, $0x10;
	[tilespmem:s15+$0x64C0] =	vst v1;
	v1 =	vmul.f32 $8.000000000e+00, v4  }
0x55: {  	s16 =	sadd.s32 s6, s16;
	[tilespmem:s15+$0x64D0] =	vst v0;
	v0 =	vmul.f32 $8.000000000e+00, v6  }
0x56: {  	s16 =	sshrl.u32 s16, $0x3;
	[tilespmem:s15+$0x64E0] =	vst v1  }
0x57: {  	s17 =	simm.s32 $0x6400;
	[tilespmem:s15+$0x64F0] =	vst v0;
	s15 =	sadd.s32 s2, s16;
	s16 =	simm.s32 $0x0  }
0x58: {  	[hbm4b:s15+s16] =	stream.linear.scatter [tilespmem:s17], [sflag:$0x9], $0x2000, $0x38;
	[tilespmem:$0x16400] =	vst v63  }
0x59: {  	_ =	swait.ge [sflag:s19], $0x2000  }
0x5a: {  	[sflag:s19] =	ssyncset.done $0x0  }
0x5b: {  	s15 =	simm.s32 $0x0;
	[sflag:s19] =	ssyncadd.s32 $0xFFFFE000  }
0x5c: {  	v0 =	vld [tilespmem:s15+$0x8400]  }
0x5d: {  	v1 =	vld [tilespmem:s15+$0x8410]  }
0x5e: {  	v2 =	vld [tilespmem:s15+$0x8420]  }
0x5f: {  	v3 =	vld [tilespmem:s15+$0x8430]  }
0x60: {  	v4 =	vld [tilespmem:s15+$0x8440]  }
0x61: {  	v5 =	vld [tilespmem:s15+$0x8450];
	v0 =	vmul.f32 $8.000000000e+00, v0  }
0x62: {  	v6 =	vld [tilespmem:s15+$0x8460];
	v1 =	vmul.f32 $8.000000000e+00, v1  }
0x63: {  	v7 =	vld [tilespmem:s15+$0x8470];
	[tilespmem:s15+$0x8400] =	vst v0;
	v0 =	vmul.f32 $8.000000000e+00, v2  }
0x64: {  	v8 =	vld [tilespmem:s15+$0x8480];
	[tilespmem:s15+$0x8410] =	vst v1;
	v1 =	vmul.f32 $8.000000000e+00, v3  }
0x65: {  	v9 =	vld [tilespmem:s15+$0x8490];
	[tilespmem:s15+$0x8420] =	vst v0;
	v0 =	vmul.f32 $8.000000000e+00, v4  }
0x66: {  	v2 =	vmul.f32 $8.000000000e+00, v5;
	[tilespmem:s15+$0x8430] =	vst v1;
	v1 =	vld [tilespmem:s15+$0x84A0]  }
0x67: {  	v3 =	vmul.f32 $8.000000000e+00, v6;
	[tilespmem:s15+$0x8440] =	vst v0;
	v0 =	vld [tilespmem:s15+$0x84B0]  }
0x68: {  	[tilespmem:s15+$0x8450] =	vst v2;
	v2 =	vld [tilespmem:s15+$0x84C0];
	v4 =	vmul.f32 $8.000000000e+00, v7  }
0x69: {  	v6 =	vmul.f32 $8.000000000e+00, v8;
	[tilespmem:s15+$0x8460] =	vst v3;
	v3 =	vld [tilespmem:s15+$0x84D0]  }
0x6a: {  	s16 =	simm.s32 $0x400;
	v5 =	vmul.f32 $8.000000000e+00, v9;
	[tilespmem:s15+$0x8470] =	vst v4;
	v4 =	vld [tilespmem:s15+$0x84E0]  }
.LBB2_5:
0x6b: {  	s17 =	sshra.s32 s16, $0x2;
	p0 =	sne.s32 s16, $0x7C00;
	[tilespmem:s15+$0x8480] =	vst v6;
	v1 =	vmul.f32 $8.000000000e+00, v1;
	v6 =	vld [tilespmem:s15+$0x84F0]  }
0x6c: {  	v7 =	vld [tilespmem:s17+$0x8400];
	[tilespmem:s15+$0x8490] =	vst v5;
	v0 =	vmul.f32 $8.000000000e+00, v0  }
0x6d: {  	v5 =	vld [tilespmem:s17+$0x8410];
	[tilespmem:s15+$0x84A0] =	vst v1;
	v1 =	vmul.f32 $8.000000000e+00, v2  }
0x6e: {  	v2 =	vld [tilespmem:s17+$0x8420];
	[tilespmem:s15+$0x84B0] =	vst v0;
	v0 =	vmul.f32 $8.000000000e+00, v3  }
0x6f: {  	v3 =	vld [tilespmem:s17+$0x8430];
	[tilespmem:s15+$0x84C0] =	vst v1;
	v1 =	vmul.f32 $8.000000000e+00, v4  }
0x70: {  	v4 =	vld [tilespmem:s17+$0x8440];
	[tilespmem:s15+$0x84D0] =	vst v0;
	v0 =	vmul.f32 $8.000000000e+00, v6  }
0x71: {  	v6 =	vmul.f32 $8.000000000e+00, v7;
	v7 =	vld [tilespmem:s17+$0x8450];
	[tilespmem:s15+$0x84E0] =	vst v1  }
0x72: {  	v1 =	vmul.f32 $8.000000000e+00, v5;
	v5 =	vld [tilespmem:s17+$0x8460];
	[tilespmem:s15+$0x84F0] =	vst v0;
	s15 =	smov.u32 s17  }
0x73: {  	[tilespmem:s15+$0x8400] =	vst v6;
	v0 =	vmul.f32 $8.000000000e+00, v2;
	v2 =	vld [tilespmem:s15+$0x8470]  }
0x74: {  	[tilespmem:s15+$0x8410] =	vst v1;
	v1 =	vmul.f32 $8.000000000e+00, v3;
	v3 =	vld [tilespmem:s15+$0x8480]  }
0x75: {  	[tilespmem:s15+$0x8420] =	vst v0;
	v0 =	vmul.f32 $8.000000000e+00, v4;
	v4 =	vld [tilespmem:s15+$0x8490]  }
.Ltmp1:
0x76: {  	[tilespmem:s15+$0x8430] =	vst v1;
	v6 =	vmul.f32 $8.000000000e+00, v7;
	v1 =	vld [tilespmem:s15+$0x84A0];
	(pc) =	sbr.rel @p0 .LBB2_5-.Ltmp1, $4  }
0x77: {  	[tilespmem:s15+$0x8440] =	vst v0;
	v5 =	vmul.f32 $8.000000000e+00, v5;
	v0 =	vld [tilespmem:s15+$0x84B0]  }
0x78: {  	[tilespmem:s15+$0x8450] =	vst v6;
	v7 =	vmul.f32 $8.000000000e+00, v2;
	v2 =	vld [tilespmem:s15+$0x84C0]  }
0x79: {  	[tilespmem:s15+$0x8460] =	vst v5;
	v6 =	vmul.f32 $8.000000000e+00, v3;
	v3 =	vld [tilespmem:s15+$0x84D0]  }
0x7a: {  	s16 =	sadd.s32 $0x400, s16;
	[tilespmem:s15+$0x8470] =	vst v7;
	v5 =	vmul.f32 $8.000000000e+00, v4;
	v4 =	vld [tilespmem:s15+$0x84E0]  }
0x7b: {  	[tilespmem:s15+$0x8480] =	vst v6;
	v1 =	vmul.f32 $8.000000000e+00, v1;
	v6 =	vld [tilespmem:s15+$0x84F0]  }
0x7c: {  	[tilespmem:s15+$0x8490] =	vst v5;
	v0 =	vmul.f32 $8.000000000e+00, v0  }
0x7d: {  	[tilespmem:s15+$0x84A0] =	vst v1;
	v1 =	vmul.f32 $8.000000000e+00, v2  }
0x7e: {  	[tilespmem:s15+$0x84B0] =	vst v0;
	v0 =	vmul.f32 $8.000000000e+00, v3  }
0x7f: {  	s14 =	sshll.u32 s14, $0xD;
	[tilespmem:s15+$0x84C0] =	vst v1;
	v1 =	vmul.f32 $8.000000000e+00, v4  }
0x80: {  	s14 =	sadd.s32 s6, s14;
	[tilespmem:s15+$0x84D0] =	vst v0;
	v0 =	vmul.f32 $8.000000000e+00, v6  }
0x81: {  	s14 =	sshrl.u32 s14, $0x3;
	[tilespmem:s15+$0x84E0] =	vst v1  }
0x82: {  	s16 =	simm.s32 $0x0;
	s17 =	simm.s32 $0x8400;
	s14 =	sadd.s32 s2, s14;
	[tilespmem:s15+$0x84F0] =	vst v0  }
0x83: {  	[hbm4b:s14+s16] =	stream.linear.scatter [tilespmem:s17], [sflag:$0xA], $0x2000, $0x38;
	[tilespmem:$0x16400] =	vst v63  }
0x84: {  	_ =	swait.ge [sflag:s20], $0x2000  }
0x85: {  	[sflag:s20] =	ssyncset.done $0x0  }
0x86: {  	s14 =	simm.s32 $0x0;
	[sflag:s20] =	ssyncadd.s32 $0xFFFFE000  }
0x87: {  	v0 =	vld [tilespmem:s14+$0xA400]  }
0x88: {  	v1 =	vld [tilespmem:s14+$0xA410]  }
0x89: {  	v2 =	vld [tilespmem:s14+$0xA420]  }
0x8a: {  	v3 =	vld [tilespmem:s14+$0xA430]  }
0x8b: {  	v4 =	vld [tilespmem:s14+$0xA440]  }
0x8c: {  	v5 =	vld [tilespmem:s14+$0xA450];
	v0 =	vmul.f32 $8.000000000e+00, v0  }
0x8d: {  	v6 =	vld [tilespmem:s14+$0xA460];
	v1 =	vmul.f32 $8.000000000e+00, v1  }
0x8e: {  	v7 =	vld [tilespmem:s14+$0xA470];
	[tilespmem:s14+$0xA400] =	vst v0;
	v0 =	vmul.f32 $8.000000000e+00, v2  }
0x8f: {  	v8 =	vld [tilespmem:s14+$0xA480];
	[tilespmem:s14+$0xA410] =	vst v1;
	v1 =	vmul.f32 $8.000000000e+00, v3  }
0x90: {  	v9 =	vld [tilespmem:s14+$0xA490];
	[tilespmem:s14+$0xA420] =	vst v0;
	v0 =	vmul.f32 $8.000000000e+00, v4  }
0x91: {  	v2 =	vmul.f32 $8.000000000e+00, v5;
	[tilespmem:s14+$0xA430] =	vst v1;
	v1 =	vld [tilespmem:s14+$0xA4A0]  }
0x92: {  	v3 =	vmul.f32 $8.000000000e+00, v6;
	[tilespmem:s14+$0xA440] =	vst v0;
	v0 =	vld [tilespmem:s14+$0xA4B0]  }
0x93: {  	[tilespmem:s14+$0xA450] =	vst v2;
	v2 =	vld [tilespmem:s14+$0xA4C0];
	v4 =	vmul.f32 $8.000000000e+00, v7  }
0x94: {  	v6 =	vmul.f32 $8.000000000e+00, v8;
	[tilespmem:s14+$0xA460] =	vst v3;
	v3 =	vld [tilespmem:s14+$0xA4D0]  }
0x95: {  	s15 =	simm.s32 $0x400;
	v5 =	vmul.f32 $8.000000000e+00, v9;
	[tilespmem:s14+$0xA470] =	vst v4;
	v4 =	vld [tilespmem:s14+$0xA4E0]  }
.LBB2_7:
0x96: {  	s16 =	sshra.s32 s15, $0x2;
	p0 =	sne.s32 s15, $0x7C00;
	[tilespmem:s14+$0xA480] =	vst v6;
	v1 =	vmul.f32 $8.000000000e+00, v1;
	v6 =	vld [tilespmem:s14+$0xA4F0]  }
0x97: {  	v7 =	vld [tilespmem:s16+$0xA400];
	[tilespmem:s14+$0xA490] =	vst v5;
	v0 =	vmul.f32 $8.000000000e+00, v0  }
0x98: {  	v5 =	vld [tilespmem:s16+$0xA410];
	[tilespmem:s14+$0xA4A0] =	vst v1;
	v1 =	vmul.f32 $8.000000000e+00, v2  }
0x99: {  	v2 =	vld [tilespmem:s16+$0xA420];
	[tilespmem:s14+$0xA4B0] =	vst v0;
	v0 =	vmul.f32 $8.000000000e+00, v3  }
0x9a: {  	v3 =	vld [tilespmem:s16+$0xA430];
	[tilespmem:s14+$0xA4C0] =	vst v1;
	v1 =	vmul.f32 $8.000000000e+00, v4  }
0x9b: {  	v4 =	vld [tilespmem:s16+$0xA440];
	[tilespmem:s14+$0xA4D0] =	vst v0;
	v0 =	vmul.f32 $8.000000000e+00, v6  }
0x9c: {  	v6 =	vmul.f32 $8.000000000e+00, v7;
	v7 =	vld [tilespmem:s16+$0xA450];
	[tilespmem:s14+$0xA4E0] =	vst v1  }
0x9d: {  	v1 =	vmul.f32 $8.000000000e+00, v5;
	v5 =	vld [tilespmem:s16+$0xA460];
	[tilespmem:s14+$0xA4F0] =	vst v0;
	s14 =	smov.u32 s16  }
0x9e: {  	[tilespmem:s14+$0xA400] =	vst v6;
	v0 =	vmul.f32 $8.000000000e+00, v2;
	v2 =	vld [tilespmem:s14+$0xA470]  }
0x9f: {  	[tilespmem:s14+$0xA410] =	vst v1;
	v1 =	vmul.f32 $8.000000000e+00, v3;
	v3 =	vld [tilespmem:s14+$0xA480]  }
0xa0: {  	[tilespmem:s14+$0xA420] =	vst v0;
	v0 =	vmul.f32 $8.000000000e+00, v4;
	v4 =	vld [tilespmem:s14+$0xA490]  }
.Ltmp2:
0xa1: {  	[tilespmem:s14+$0xA430] =	vst v1;
	v6 =	vmul.f32 $8.000000000e+00, v7;
	v1 =	vld [tilespmem:s14+$0xA4A0];
	(pc) =	sbr.rel @p0 .LBB2_7-.Ltmp2, $4  }
0xa2: {  	[tilespmem:s14+$0xA440] =	vst v0;
	v5 =	vmul.f32 $8.000000000e+00, v5;
	v0 =	vld [tilespmem:s14+$0xA4B0]  }
0xa3: {  	[tilespmem:s14+$0xA450] =	vst v6;
	v7 =	vmul.f32 $8.000000000e+00, v2;
	v2 =	vld [tilespmem:s14+$0xA4C0]  }
0xa4: {  	[tilespmem:s14+$0xA460] =	vst v5;
	v6 =	vmul.f32 $8.000000000e+00, v3;
	v3 =	vld [tilespmem:s14+$0xA4D0]  }
0xa5: {  	s15 =	sadd.s32 $0x400, s15;
	[tilespmem:s14+$0xA470] =	vst v7;
	v5 =	vmul.f32 $8.000000000e+00, v4;
	v4 =	vld [tilespmem:s14+$0xA4E0]  }
0xa6: {  	[tilespmem:s14+$0xA480] =	vst v6;
	v1 =	vmul.f32 $8.000000000e+00, v1;
	v6 =	vld [tilespmem:s14+$0xA4F0]  }
0xa7: {  	[tilespmem:s14+$0xA490] =	vst v5;
	v0 =	vmul.f32 $8.000000000e+00, v0  }
0xa8: {  	[tilespmem:s14+$0xA4A0] =	vst v1;
	v1 =	vmul.f32 $8.000000000e+00, v2  }
0xa9: {  	[tilespmem:s14+$0xA4B0] =	vst v0;
	v0 =	vmul.f32 $8.000000000e+00, v3  }
0xaa: {  	s13 =	sshll.u32 s13, $0xD;
	[tilespmem:s14+$0xA4C0] =	vst v1;
	v1 =	vmul.f32 $8.000000000e+00, v4  }
0xab: {  	s13 =	sadd.s32 s6, s13;
	[tilespmem:s14+$0xA4D0] =	vst v0;
	v0 =	vmul.f32 $8.000000000e+00, v6  }
0xac: {  	s13 =	sshrl.u32 s13, $0x3;
	[tilespmem:s14+$0xA4E0] =	vst v1  }
0xad: {  	s15 =	simm.s32 $0x0;
	s16 =	simm.s32 $0xA400;
	s13 =	sadd.s32 s2, s13;
	[tilespmem:s14+$0xA4F0] =	vst v0  }
0xae: {  	[hbm4b:s13+s15] =	stream.linear.scatter [tilespmem:s16], [sflag:$0xB], $0x2000, $0x38;
	[tilespmem:$0x16400] =	vst v63  }
0xaf: {  	_ =	swait.ge [sflag:s21], $0x2000  }
0xb0: {  	[sflag:s21] =	ssyncset.done $0x0  }
0xb1: {  	s13 =	simm.s32 $0x0;
	[sflag:s21] =	ssyncadd.s32 $0xFFFFE000  }
0xb2: {  	v0 =	vld [tilespmem:s13+$0xC400]  }
0xb3: {  	v1 =	vld [tilespmem:s13+$0xC410]  }
0xb4: {  	v2 =	vld [tilespmem:s13+$0xC420]  }
0xb5: {  	v3 =	vld [tilespmem:s13+$0xC430]  }
0xb6: {  	v4 =	vld [tilespmem:s13+$0xC440]  }
0xb7: {  	v5 =	vld [tilespmem:s13+$0xC450];
	v0 =	vmul.f32 $8.000000000e+00, v0  }
0xb8: {  	v6 =	vld [tilespmem:s13+$0xC460];
	v1 =	vmul.f32 $8.000000000e+00, v1  }
0xb9: {  	v7 =	vld [tilespmem:s13+$0xC470];
	[tilespmem:s13+$0xC400] =	vst v0;
	v0 =	vmul.f32 $8.000000000e+00, v2  }
0xba: {  	v8 =	vld [tilespmem:s13+$0xC480];
	[tilespmem:s13+$0xC410] =	vst v1;
	v1 =	vmul.f32 $8.000000000e+00, v3  }
0xbb: {  	v9 =	vld [tilespmem:s13+$0xC490];
	[tilespmem:s13+$0xC420] =	vst v0;
	v0 =	vmul.f32 $8.000000000e+00, v4  }
0xbc: {  	v2 =	vmul.f32 $8.000000000e+00, v5;
	[tilespmem:s13+$0xC430] =	vst v1;
	v1 =	vld [tilespmem:s13+$0xC4A0]  }
0xbd: {  	v3 =	vmul.f32 $8.000000000e+00, v6;
	[tilespmem:s13+$0xC440] =	vst v0;
	v0 =	vld [tilespmem:s13+$0xC4B0]  }
0xbe: {  	[tilespmem:s13+$0xC450] =	vst v2;
	v2 =	vld [tilespmem:s13+$0xC4C0];
	v4 =	vmul.f32 $8.000000000e+00, v7  }
0xbf: {  	v6 =	vmul.f32 $8.000000000e+00, v8;
	[tilespmem:s13+$0xC460] =	vst v3;
	v3 =	vld [tilespmem:s13+$0xC4D0]  }
0xc0: {  	s14 =	simm.s32 $0x400;
	v5 =	vmul.f32 $8.000000000e+00, v9;
	[tilespmem:s13+$0xC470] =	vst v4;
	v4 =	vld [tilespmem:s13+$0xC4E0]  }
.LBB2_9:
0xc1: {  	s15 =	sshra.s32 s14, $0x2;
	p0 =	sne.s32 s14, $0x7C00;
	[tilespmem:s13+$0xC480] =	vst v6;
	v1 =	vmul.f32 $8.000000000e+00, v1;
	v6 =	vld [tilespmem:s13+$0xC4F0]  }
0xc2: {  	v7 =	vld [tilespmem:s15+$0xC400];
	[tilespmem:s13+$0xC490] =	vst v5;
	v0 =	vmul.f32 $8.000000000e+00, v0  }
0xc3: {  	v5 =	vld [tilespmem:s15+$0xC410];
	[tilespmem:s13+$0xC4A0] =	vst v1;
	v1 =	vmul.f32 $8.000000000e+00, v2  }
0xc4: {  	v2 =	vld [tilespmem:s15+$0xC420];
	[tilespmem:s13+$0xC4B0] =	vst v0;
	v0 =	vmul.f32 $8.000000000e+00, v3  }
0xc5: {  	v3 =	vld [tilespmem:s15+$0xC430];
	[tilespmem:s13+$0xC4C0] =	vst v1;
	v1 =	vmul.f32 $8.000000000e+00, v4  }
0xc6: {  	v4 =	vld [tilespmem:s15+$0xC440];
	[tilespmem:s13+$0xC4D0] =	vst v0;
	v0 =	vmul.f32 $8.000000000e+00, v6  }
0xc7: {  	v6 =	vmul.f32 $8.000000000e+00, v7;
	v7 =	vld [tilespmem:s15+$0xC450];
	[tilespmem:s13+$0xC4E0] =	vst v1  }
0xc8: {  	v1 =	vmul.f32 $8.000000000e+00, v5;
	v5 =	vld [tilespmem:s15+$0xC460];
	[tilespmem:s13+$0xC4F0] =	vst v0;
	s13 =	smov.u32 s15  }
0xc9: {  	[tilespmem:s13+$0xC400] =	vst v6;
	v0 =	vmul.f32 $8.000000000e+00, v2;
	v2 =	vld [tilespmem:s13+$0xC470]  }
0xca: {  	[tilespmem:s13+$0xC410] =	vst v1;
	v1 =	vmul.f32 $8.000000000e+00, v3;
	v3 =	vld [tilespmem:s13+$0xC480]  }
0xcb: {  	[tilespmem:s13+$0xC420] =	vst v0;
	v0 =	vmul.f32 $8.000000000e+00, v4;
	v4 =	vld [tilespmem:s13+$0xC490]  }
.Ltmp3:
0xcc: {  	[tilespmem:s13+$0xC430] =	vst v1;
	v6 =	vmul.f32 $8.000000000e+00, v7;
	v1 =	vld [tilespmem:s13+$0xC4A0];
	(pc) =	sbr.rel @p0 .LBB2_9-.Ltmp3, $4  }
0xcd: {  	[tilespmem:s13+$0xC440] =	vst v0;
	v5 =	vmul.f32 $8.000000000e+00, v5;
	v0 =	vld [tilespmem:s13+$0xC4B0]  }
0xce: {  	[tilespmem:s13+$0xC450] =	vst v6;
	v7 =	vmul.f32 $8.000000000e+00, v2;
	v2 =	vld [tilespmem:s13+$0xC4C0]  }
0xcf: {  	[tilespmem:s13+$0xC460] =	vst v5;
	v6 =	vmul.f32 $8.000000000e+00, v3;
	v3 =	vld [tilespmem:s13+$0xC4D0]  }
0xd0: {  	s14 =	sadd.s32 $0x400, s14;
	[tilespmem:s13+$0xC470] =	vst v7;
	v5 =	vmul.f32 $8.000000000e+00, v4;
	v4 =	vld [tilespmem:s13+$0xC4E0]  }
0xd1: {  	[tilespmem:s13+$0xC480] =	vst v6;
	v1 =	vmul.f32 $8.000000000e+00, v1;
	v6 =	vld [tilespmem:s13+$0xC4F0]  }
0xd2: {  	[tilespmem:s13+$0xC490] =	vst v5;
	v0 =	vmul.f32 $8.000000000e+00, v0  }
0xd3: {  	[tilespmem:s13+$0xC4A0] =	vst v1;
	v1 =	vmul.f32 $8.000000000e+00, v2  }
0xd4: {  	[tilespmem:s13+$0xC4B0] =	vst v0;
	v0 =	vmul.f32 $8.000000000e+00, v3  }
0xd5: {  	s12 =	sshll.u32 s12, $0xD;
	[tilespmem:s13+$0xC4C0] =	vst v1;
	v1 =	vmul.f32 $8.000000000e+00, v4  }
0xd6: {  	s12 =	sadd.s32 s6, s12;
	[tilespmem:s13+$0xC4D0] =	vst v0;
	v0 =	vmul.f32 $8.000000000e+00, v6  }
0xd7: {  	s12 =	sshrl.u32 s12, $0x3;
	[tilespmem:s13+$0xC4E0] =	vst v1  }
0xd8: {  	s14 =	simm.s32 $0x0;
	s15 =	simm.s32 $0xC400;
	s12 =	sadd.s32 s2, s12;
	[tilespmem:s13+$0xC4F0] =	vst v0  }
0xd9: {  	[hbm4b:s12+s14] =	stream.linear.scatter [tilespmem:s15], [sflag:$0xC], $0x2000, $0x38;
	[tilespmem:$0x16400] =	vst v63  }
0xda: {  	_ =	swait.ge [sflag:s22], $0x2000  }
0xdb: {  	[sflag:s22] =	ssyncset.done $0x0  }
0xdc: {  	s12 =	simm.s32 $0x0;
	[sflag:s22] =	ssyncadd.s32 $0xFFFFE000  }
0xdd: {  	v0 =	vld [tilespmem:s12+$0xE400]  }
0xde: {  	v1 =	vld [tilespmem:s12+$0xE410]  }
0xdf: {  	v2 =	vld [tilespmem:s12+$0xE420]  }
0xe0: {  	v3 =	vld [tilespmem:s12+$0xE430]  }
0xe1: {  	v4 =	vld [tilespmem:s12+$0xE440]  }
0xe2: {  	v5 =	vld [tilespmem:s12+$0xE450];
	v0 =	vmul.f32 $8.000000000e+00, v0  }
0xe3: {  	v6 =	vld [tilespmem:s12+$0xE460];
	v1 =	vmul.f32 $8.000000000e+00, v1  }
0xe4: {  	v7 =	vld [tilespmem:s12+$0xE470];
	[tilespmem:s12+$0xE400] =	vst v0;
	v0 =	vmul.f32 $8.000000000e+00, v2  }
0xe5: {  	v8 =	vld [tilespmem:s12+$0xE480];
	[tilespmem:s12+$0xE410] =	vst v1;
	v1 =	vmul.f32 $8.000000000e+00, v3  }
0xe6: {  	v9 =	vld [tilespmem:s12+$0xE490];
	[tilespmem:s12+$0xE420] =	vst v0;
	v0 =	vmul.f32 $8.000000000e+00, v4  }
0xe7: {  	v2 =	vmul.f32 $8.000000000e+00, v5;
	[tilespmem:s12+$0xE430] =	vst v1;
	v1 =	vld [tilespmem:s12+$0xE4A0]  }
0xe8: {  	v3 =	vmul.f32 $8.000000000e+00, v6;
	[tilespmem:s12+$0xE440] =	vst v0;
	v0 =	vld [tilespmem:s12+$0xE4B0]  }
0xe9: {  	[tilespmem:s12+$0xE450] =	vst v2;
	v2 =	vld [tilespmem:s12+$0xE4C0];
	v4 =	vmul.f32 $8.000000000e+00, v7  }
0xea: {  	v6 =	vmul.f32 $8.000000000e+00, v8;
	[tilespmem:s12+$0xE460] =	vst v3;
	v3 =	vld [tilespmem:s12+$0xE4D0]  }
0xeb: {  	s13 =	simm.s32 $0x400;
	v5 =	vmul.f32 $8.000000000e+00, v9;
	[tilespmem:s12+$0xE470] =	vst v4;
	v4 =	vld [tilespmem:s12+$0xE4E0]  }
.LBB2_11:
0xec: {  	s14 =	sshra.s32 s13, $0x2;
	p0 =	sne.s32 s13, $0x7C00;
	[tilespmem:s12+$0xE480] =	vst v6;
	v1 =	vmul.f32 $8.000000000e+00, v1;
	v6 =	vld [tilespmem:s12+$0xE4F0]  }
0xed: {  	v7 =	vld [tilespmem:s14+$0xE400];
	[tilespmem:s12+$0xE490] =	vst v5;
	v0 =	vmul.f32 $8.000000000e+00, v0  }
0xee: {  	v5 =	vld [tilespmem:s14+$0xE410];
	[tilespmem:s12+$0xE4A0] =	vst v1;
	v1 =	vmul.f32 $8.000000000e+00, v2  }
0xef: {  	v2 =	vld [tilespmem:s14+$0xE420];
	[tilespmem:s12+$0xE4B0] =	vst v0;
	v0 =	vmul.f32 $8.000000000e+00, v3  }
0xf0: {  	v3 =	vld [tilespmem:s14+$0xE430];
	[tilespmem:s12+$0xE4C0] =	vst v1;
	v1 =	vmul.f32 $8.000000000e+00, v4  }
0xf1: {  	v4 =	vld [tilespmem:s14+$0xE440];
	[tilespmem:s12+$0xE4D0] =	vst v0;
	v0 =	vmul.f32 $8.000000000e+00, v6  }
0xf2: {  	v6 =	vmul.f32 $8.000000000e+00, v7;
	v7 =	vld [tilespmem:s14+$0xE450];
	[tilespmem:s12+$0xE4E0] =	vst v1  }
0xf3: {  	v1 =	vmul.f32 $8.000000000e+00, v5;
	v5 =	vld [tilespmem:s14+$0xE460];
	[tilespmem:s12+$0xE4F0] =	vst v0;
	s12 =	smov.u32 s14  }
0xf4: {  	[tilespmem:s12+$0xE400] =	vst v6;
	v0 =	vmul.f32 $8.000000000e+00, v2;
	v2 =	vld [tilespmem:s12+$0xE470]  }
0xf5: {  	[tilespmem:s12+$0xE410] =	vst v1;
	v1 =	vmul.f32 $8.000000000e+00, v3;
	v3 =	vld [tilespmem:s12+$0xE480]  }
0xf6: {  	[tilespmem:s12+$0xE420] =	vst v0;
	v0 =	vmul.f32 $8.000000000e+00, v4;
	v4 =	vld [tilespmem:s12+$0xE490]  }
.Ltmp4:
0xf7: {  	[tilespmem:s12+$0xE430] =	vst v1;
	v6 =	vmul.f32 $8.000000000e+00, v7;
	v1 =	vld [tilespmem:s12+$0xE4A0];
	(pc) =	sbr.rel @p0 .LBB2_11-.Ltmp4, $4  }
0xf8: {  	[tilespmem:s12+$0xE440] =	vst v0;
	v5 =	vmul.f32 $8.000000000e+00, v5;
	v0 =	vld [tilespmem:s12+$0xE4B0]  }
0xf9: {  	[tilespmem:s12+$0xE450] =	vst v6;
	v7 =	vmul.f32 $8.000000000e+00, v2;
	v2 =	vld [tilespmem:s12+$0xE4C0]  }
0xfa: {  	[tilespmem:s12+$0xE460] =	vst v5;
	v6 =	vmul.f32 $8.000000000e+00, v3;
	v3 =	vld [tilespmem:s12+$0xE4D0]  }
0xfb: {  	s13 =	sadd.s32 $0x400, s13;
	[tilespmem:s12+$0xE470] =	vst v7;
	v5 =	vmul.f32 $8.000000000e+00, v4;
	v4 =	vld [tilespmem:s12+$0xE4E0]  }
0xfc: {  	[tilespmem:s12+$0xE480] =	vst v6;
	v1 =	vmul.f32 $8.000000000e+00, v1;
	v6 =	vld [tilespmem:s12+$0xE4F0]  }
0xfd: {  	[tilespmem:s12+$0xE490] =	vst v5;
	v0 =	vmul.f32 $8.000000000e+00, v0  }
0xfe: {  	[tilespmem:s12+$0xE4A0] =	vst v1;
	v1 =	vmul.f32 $8.000000000e+00, v2  }
0xff: {  	[tilespmem:s12+$0xE4B0] =	vst v0;
	v0 =	vmul.f32 $8.000000000e+00, v3  }
0x100: {  	s11 =	sshll.u32 s11, $0xD;
	[tilespmem:s12+$0xE4C0] =	vst v1;
	v1 =	vmul.f32 $8.000000000e+00, v4  }
0x101: {  	s11 =	sadd.s32 s6, s11;
	[tilespmem:s12+$0xE4D0] =	vst v0;
	v0 =	vmul.f32 $8.000000000e+00, v6  }
0x102: {  	s11 =	sshrl.u32 s11, $0x3;
	[tilespmem:s12+$0xE4E0] =	vst v1  }
0x103: {  	s14 =	simm.s32 $0x0;
	s13 =	simm.s32 $0xE400;
	s11 =	sadd.s32 s2, s11;
	[tilespmem:s12+$0xE4F0] =	vst v0  }
0x104: {  	[hbm4b:s11+s14] =	stream.linear.scatter [tilespmem:s13], [sflag:$0xD], $0x2000, $0x38;
	[tilespmem:$0x16400] =	vst v63  }
0x105: {  	_ =	swait.ge [sflag:s23], $0x2000  }
0x106: {  	[sflag:s23] =	ssyncset.done $0x0  }
0x107: {  	s11 =	simm.s32 $0x0;
	[sflag:s23] =	ssyncadd.s32 $0xFFFFE000  }
0x108: {  	v0 =	vld [tilespmem:s11+$0x10400]  }
0x109: {  	v1 =	vld [tilespmem:s11+$0x10410]  }
0x10a: {  	v2 =	vld [tilespmem:s11+$0x10420]  }
0x10b: {  	v3 =	vld [tilespmem:s11+$0x10430]  }
0x10c: {  	v4 =	vld [tilespmem:s11+$0x10440]  }
0x10d: {  	v5 =	vld [tilespmem:s11+$0x10450];
	v0 =	vmul.f32 $8.000000000e+00, v0  }
0x10e: {  	v6 =	vld [tilespmem:s11+$0x10460];
	v1 =	vmul.f32 $8.000000000e+00, v1  }
0x10f: {  	v7 =	vld [tilespmem:s11+$0x10470];
	[tilespmem:s11+$0x10400] =	vst v0;
	v0 =	vmul.f32 $8.000000000e+00, v2  }
0x110: {  	v8 =	vld [tilespmem:s11+$0x10480];
	[tilespmem:s11+$0x10410] =	vst v1;
	v1 =	vmul.f32 $8.000000000e+00, v3  }
0x111: {  	v9 =	vld [tilespmem:s11+$0x10490];
	[tilespmem:s11+$0x10420] =	vst v0;
	v0 =	vmul.f32 $8.000000000e+00, v4  }
0x112: {  	v2 =	vmul.f32 $8.000000000e+00, v5;
	[tilespmem:s11+$0x10430] =	vst v1;
	v1 =	vld [tilespmem:s11+$0x104A0]  }
0x113: {  	v3 =	vmul.f32 $8.000000000e+00, v6;
	[tilespmem:s11+$0x10440] =	vst v0;
	v0 =	vld [tilespmem:s11+$0x104B0]  }
0x114: {  	[tilespmem:s11+$0x10450] =	vst v2;
	v2 =	vld [tilespmem:s11+$0x104C0];
	v4 =	vmul.f32 $8.000000000e+00, v7  }
0x115: {  	v6 =	vmul.f32 $8.000000000e+00, v8;
	[tilespmem:s11+$0x10460] =	vst v3;
	v3 =	vld [tilespmem:s11+$0x104D0]  }
0x116: {  	s12 =	simm.s32 $0x400;
	v5 =	vmul.f32 $8.000000000e+00, v9;
	[tilespmem:s11+$0x10470] =	vst v4;
	v4 =	vld [tilespmem:s11+$0x104E0]  }
.LBB2_13:
0x117: {  	s13 =	sshra.s32 s12, $0x2;
	p0 =	sne.s32 s12, $0x7C00;
	[tilespmem:s11+$0x10480] =	vst v6;
	v1 =	vmul.f32 $8.000000000e+00, v1;
	v6 =	vld [tilespmem:s11+$0x104F0]  }
0x118: {  	v7 =	vld [tilespmem:s13+$0x10400];
	[tilespmem:s11+$0x10490] =	vst v5;
	v0 =	vmul.f32 $8.000000000e+00, v0  }
0x119: {  	v5 =	vld [tilespmem:s13+$0x10410];
	[tilespmem:s11+$0x104A0] =	vst v1;
	v1 =	vmul.f32 $8.000000000e+00, v2  }
0x11a: {  	v2 =	vld [tilespmem:s13+$0x10420];
	[tilespmem:s11+$0x104B0] =	vst v0;
	v0 =	vmul.f32 $8.000000000e+00, v3  }
0x11b: {  	v3 =	vld [tilespmem:s13+$0x10430];
	[tilespmem:s11+$0x104C0] =	vst v1;
	v1 =	vmul.f32 $8.000000000e+00, v4  }
0x11c: {  	v4 =	vld [tilespmem:s13+$0x10440];
	[tilespmem:s11+$0x104D0] =	vst v0;
	v0 =	vmul.f32 $8.000000000e+00, v6  }
0x11d: {  	v6 =	vmul.f32 $8.000000000e+00, v7;
	v7 =	vld [tilespmem:s13+$0x10450];
	[tilespmem:s11+$0x104E0] =	vst v1  }
0x11e: {  	v1 =	vmul.f32 $8.000000000e+00, v5;
	v5 =	vld [tilespmem:s13+$0x10460];
	[tilespmem:s11+$0x104F0] =	vst v0;
	s11 =	smov.u32 s13  }
0x11f: {  	[tilespmem:s11+$0x10400] =	vst v6;
	v0 =	vmul.f32 $8.000000000e+00, v2;
	v2 =	vld [tilespmem:s11+$0x10470]  }
0x120: {  	[tilespmem:s11+$0x10410] =	vst v1;
	v1 =	vmul.f32 $8.000000000e+00, v3;
	v3 =	vld [tilespmem:s11+$0x10480]  }
0x121: {  	[tilespmem:s11+$0x10420] =	vst v0;
	v0 =	vmul.f32 $8.000000000e+00, v4;
	v4 =	vld [tilespmem:s11+$0x10490]  }
.Ltmp5:
0x122: {  	[tilespmem:s11+$0x10430] =	vst v1;
	v6 =	vmul.f32 $8.000000000e+00, v7;
	v1 =	vld [tilespmem:s11+$0x104A0];
	(pc) =	sbr.rel @p0 .LBB2_13-.Ltmp5, $4  }
0x123: {  	[tilespmem:s11+$0x10440] =	vst v0;
	v5 =	vmul.f32 $8.000000000e+00, v5;
	v0 =	vld [tilespmem:s11+$0x104B0]  }
0x124: {  	[tilespmem:s11+$0x10450] =	vst v6;
	v7 =	vmul.f32 $8.000000000e+00, v2;
	v2 =	vld [tilespmem:s11+$0x104C0]  }
0x125: {  	[tilespmem:s11+$0x10460] =	vst v5;
	v6 =	vmul.f32 $8.000000000e+00, v3;
	v3 =	vld [tilespmem:s11+$0x104D0]  }
0x126: {  	s12 =	sadd.s32 $0x400, s12;
	[tilespmem:s11+$0x10470] =	vst v7;
	v5 =	vmul.f32 $8.000000000e+00, v4;
	v4 =	vld [tilespmem:s11+$0x104E0]  }
0x127: {  	[tilespmem:s11+$0x10480] =	vst v6;
	v1 =	vmul.f32 $8.000000000e+00, v1;
	v6 =	vld [tilespmem:s11+$0x104F0]  }
0x128: {  	[tilespmem:s11+$0x10490] =	vst v5;
	v0 =	vmul.f32 $8.000000000e+00, v0  }
0x129: {  	[tilespmem:s11+$0x104A0] =	vst v1;
	v1 =	vmul.f32 $8.000000000e+00, v2  }
0x12a: {  	[tilespmem:s11+$0x104B0] =	vst v0;
	v0 =	vmul.f32 $8.000000000e+00, v3  }
0x12b: {  	s10 =	sshll.u32 s10, $0xD;
	[tilespmem:s11+$0x104C0] =	vst v1;
	v1 =	vmul.f32 $8.000000000e+00, v4  }
0x12c: {  	s10 =	sadd.s32 s6, s10;
	[tilespmem:s11+$0x104D0] =	vst v0;
	v0 =	vmul.f32 $8.000000000e+00, v6  }
0x12d: {  	s10 =	sshrl.u32 s10, $0x3;
	[tilespmem:s11+$0x104E0] =	vst v1  }
0x12e: {  	s14 =	simm.s32 $0x0;
	s12 =	simm.s32 $0x10400;
	s10 =	sadd.s32 s2, s10;
	[tilespmem:s11+$0x104F0] =	vst v0  }
0x12f: {  	[hbm4b:s10+s14] =	stream.linear.scatter [tilespmem:s12], [sflag:$0xE], $0x2000, $0x38;
	[tilespmem:$0x16400] =	vst v63  }
0x130: {  	_ =	swait.ge [sflag:s24], $0x2000  }
0x131: {  	[sflag:s24] =	ssyncset.done $0x0  }
0x132: {  	s10 =	simm.s32 $0x0;
	[sflag:s24] =	ssyncadd.s32 $0xFFFFE000  }
0x133: {  	v0 =	vld [tilespmem:s10+$0x12400]  }
0x134: {  	v1 =	vld [tilespmem:s10+$0x12410]  }
0x135: {  	v2 =	vld [tilespmem:s10+$0x12420]  }
0x136: {  	v3 =	vld [tilespmem:s10+$0x12430]  }
0x137: {  	v4 =	vld [tilespmem:s10+$0x12440]  }
0x138: {  	v5 =	vld [tilespmem:s10+$0x12450];
	v0 =	vmul.f32 $8.000000000e+00, v0  }
0x139: {  	v6 =	vld [tilespmem:s10+$0x12460];
	v1 =	vmul.f32 $8.000000000e+00, v1  }
0x13a: {  	v7 =	vld [tilespmem:s10+$0x12470];
	[tilespmem:s10+$0x12400] =	vst v0;
	v0 =	vmul.f32 $8.000000000e+00, v2  }
0x13b: {  	v8 =	vld [tilespmem:s10+$0x12480];
	[tilespmem:s10+$0x12410] =	vst v1;
	v1 =	vmul.f32 $8.000000000e+00, v3  }
0x13c: {  	v9 =	vld [tilespmem:s10+$0x12490];
	[tilespmem:s10+$0x12420] =	vst v0;
	v0 =	vmul.f32 $8.000000000e+00, v4  }
0x13d: {  	v2 =	vmul.f32 $8.000000000e+00, v5;
	[tilespmem:s10+$0x12430] =	vst v1;
	v1 =	vld [tilespmem:s10+$0x124A0]  }
0x13e: {  	v3 =	vmul.f32 $8.000000000e+00, v6;
	[tilespmem:s10+$0x12440] =	vst v0;
	v0 =	vld [tilespmem:s10+$0x124B0]  }
0x13f: {  	[tilespmem:s10+$0x12450] =	vst v2;
	v2 =	vld [tilespmem:s10+$0x124C0];
	v4 =	vmul.f32 $8.000000000e+00, v7  }
0x140: {  	v6 =	vmul.f32 $8.000000000e+00, v8;
	[tilespmem:s10+$0x12460] =	vst v3;
	v3 =	vld [tilespmem:s10+$0x124D0]  }
0x141: {  	s11 =	simm.s32 $0x400;
	v5 =	vmul.f32 $8.000000000e+00, v9;
	[tilespmem:s10+$0x12470] =	vst v4;
	v4 =	vld [tilespmem:s10+$0x124E0]  }
.LBB2_15:
0x142: {  	s12 =	sshra.s32 s11, $0x2;
	p0 =	sne.s32 s11, $0x7C00;
	[tilespmem:s10+$0x12480] =	vst v6;
	v1 =	vmul.f32 $8.000000000e+00, v1;
	v6 =	vld [tilespmem:s10+$0x124F0]  }
0x143: {  	v7 =	vld [tilespmem:s12+$0x12400];
	[tilespmem:s10+$0x12490] =	vst v5;
	v0 =	vmul.f32 $8.000000000e+00, v0  }
0x144: {  	v5 =	vld [tilespmem:s12+$0x12410];
	[tilespmem:s10+$0x124A0] =	vst v1;
	v1 =	vmul.f32 $8.000000000e+00, v2  }
0x145: {  	v2 =	vld [tilespmem:s12+$0x12420];
	[tilespmem:s10+$0x124B0] =	vst v0;
	v0 =	vmul.f32 $8.000000000e+00, v3  }
0x146: {  	v3 =	vld [tilespmem:s12+$0x12430];
	[tilespmem:s10+$0x124C0] =	vst v1;
	v1 =	vmul.f32 $8.000000000e+00, v4  }
0x147: {  	v4 =	vld [tilespmem:s12+$0x12440];
	[tilespmem:s10+$0x124D0] =	vst v0;
	v0 =	vmul.f32 $8.000000000e+00, v6  }
0x148: {  	v6 =	vmul.f32 $8.000000000e+00, v7;
	v7 =	vld [tilespmem:s12+$0x12450];
	[tilespmem:s10+$0x124E0] =	vst v1  }
0x149: {  	v1 =	vmul.f32 $8.000000000e+00, v5;
	v5 =	vld [tilespmem:s12+$0x12460];
	[tilespmem:s10+$0x124F0] =	vst v0;
	s10 =	smov.u32 s12  }
0x14a: {  	[tilespmem:s10+$0x12400] =	vst v6;
	v0 =	vmul.f32 $8.000000000e+00, v2;
	v2 =	vld [tilespmem:s10+$0x12470]  }
0x14b: {  	[tilespmem:s10+$0x12410] =	vst v1;
	v1 =	vmul.f32 $8.000000000e+00, v3;
	v3 =	vld [tilespmem:s10+$0x12480]  }
0x14c: {  	[tilespmem:s10+$0x12420] =	vst v0;
	v0 =	vmul.f32 $8.000000000e+00, v4;
	v4 =	vld [tilespmem:s10+$0x12490]  }
.Ltmp6:
0x14d: {  	[tilespmem:s10+$0x12430] =	vst v1;
	v6 =	vmul.f32 $8.000000000e+00, v7;
	v1 =	vld [tilespmem:s10+$0x124A0];
	(pc) =	sbr.rel @p0 .LBB2_15-.Ltmp6, $4  }
0x14e: {  	[tilespmem:s10+$0x12440] =	vst v0;
	v5 =	vmul.f32 $8.000000000e+00, v5;
	v0 =	vld [tilespmem:s10+$0x124B0]  }
0x14f: {  	[tilespmem:s10+$0x12450] =	vst v6;
	v7 =	vmul.f32 $8.000000000e+00, v2;
	v2 =	vld [tilespmem:s10+$0x124C0]  }
0x150: {  	[tilespmem:s10+$0x12460] =	vst v5;
	v6 =	vmul.f32 $8.000000000e+00, v3;
	v3 =	vld [tilespmem:s10+$0x124D0]  }
0x151: {  	s11 =	sadd.s32 $0x400, s11;
	[tilespmem:s10+$0x12470] =	vst v7;
	v5 =	vmul.f32 $8.000000000e+00, v4;
	v4 =	vld [tilespmem:s10+$0x124E0]  }
0x152: {  	[tilespmem:s10+$0x12480] =	vst v6;
	v1 =	vmul.f32 $8.000000000e+00, v1;
	v6 =	vld [tilespmem:s10+$0x124F0]  }
0x153: {  	[tilespmem:s10+$0x12490] =	vst v5;
	v0 =	vmul.f32 $8.000000000e+00, v0  }
0x154: {  	[tilespmem:s10+$0x124A0] =	vst v1;
	v1 =	vmul.f32 $8.000000000e+00, v2  }
0x155: {  	[tilespmem:s10+$0x124B0] =	vst v0;
	v0 =	vmul.f32 $8.000000000e+00, v3  }
0x156: {  	s3 =	sshll.u32 s3, $0xD;
	[tilespmem:s10+$0x124C0] =	vst v1;
	v1 =	vmul.f32 $8.000000000e+00, v4  }
0x157: {  	s3 =	sadd.s32 s6, s3;
	[tilespmem:s10+$0x124D0] =	vst v0;
	v0 =	vmul.f32 $8.000000000e+00, v6  }
0x158: {  	s3 =	sshrl.u32 s3, $0x3;
	[tilespmem:s10+$0x124E0] =	vst v1  }
0x159: {  	s14 =	simm.s32 $0x0;
	s11 =	simm.s32 $0x12400;
	s3 =	sadd.s32 s2, s3;
	[tilespmem:s10+$0x124F0] =	vst v0  }
0x15a: {  	[hbm4b:s3+s14] =	stream.linear.scatter [tilespmem:s11], [sflag:$0xF], $0x2000, $0x38;
	[tilespmem:$0x16400] =	vst v63  }
0x15b: {  	_ =	swait.ge [sflag:s25], $0x2000  }
0x15c: {  	[sflag:s25] =	ssyncset.done $0x0  }
0x15d: {  	s3 =	simm.s32 $0x0;
	[sflag:s25] =	ssyncadd.s32 $0xFFFFE000  }
0x15e: {  	v0 =	vld [tilespmem:s3+$0x14400]  }
0x15f: {  	v1 =	vld [tilespmem:s3+$0x14410]  }
0x160: {  	v2 =	vld [tilespmem:s3+$0x14420]  }
0x161: {  	v3 =	vld [tilespmem:s3+$0x14430]  }
0x162: {  	v4 =	vld [tilespmem:s3+$0x14440]  }
0x163: {  	v5 =	vld [tilespmem:s3+$0x14450];
	v0 =	vmul.f32 $8.000000000e+00, v0  }
0x164: {  	v6 =	vld [tilespmem:s3+$0x14460];
	v1 =	vmul.f32 $8.000000000e+00, v1  }
0x165: {  	v7 =	vld [tilespmem:s3+$0x14470];
	[tilespmem:s3+$0x14400] =	vst v0;
	v0 =	vmul.f32 $8.000000000e+00, v2  }
0x166: {  	v8 =	vld [tilespmem:s3+$0x14480];
	[tilespmem:s3+$0x14410] =	vst v1;
	v1 =	vmul.f32 $8.000000000e+00, v3  }
0x167: {  	v9 =	vld [tilespmem:s3+$0x14490];
	[tilespmem:s3+$0x14420] =	vst v0;
	v0 =	vmul.f32 $8.000000000e+00, v4  }
0x168: {  	v2 =	vmul.f32 $8.000000000e+00, v5;
	[tilespmem:s3+$0x14430] =	vst v1;
	v1 =	vld [tilespmem:s3+$0x144A0]  }
0x169: {  	v3 =	vmul.f32 $8.000000000e+00, v6;
	[tilespmem:s3+$0x14440] =	vst v0;
	v0 =	vld [tilespmem:s3+$0x144B0]  }
0x16a: {  	[tilespmem:s3+$0x14450] =	vst v2;
	v2 =	vld [tilespmem:s3+$0x144C0];
	v4 =	vmul.f32 $8.000000000e+00, v7  }
0x16b: {  	v6 =	vmul.f32 $8.000000000e+00, v8;
	[tilespmem:s3+$0x14460] =	vst v3;
	v3 =	vld [tilespmem:s3+$0x144D0]  }
0x16c: {  	s10 =	simm.s32 $0x400;
	v5 =	vmul.f32 $8.000000000e+00, v9;
	[tilespmem:s3+$0x14470] =	vst v4;
	v4 =	vld [tilespmem:s3+$0x144E0]  }
.LBB2_17:
0x16d: {  	s11 =	sshra.s32 s10, $0x2;
	p0 =	sne.s32 s10, $0x7C00;
	[tilespmem:s3+$0x14480] =	vst v6;
	v1 =	vmul.f32 $8.000000000e+00, v1;
	v6 =	vld [tilespmem:s3+$0x144F0]  }
0x16e: {  	v7 =	vld [tilespmem:s11+$0x14400];
	[tilespmem:s3+$0x14490] =	vst v5;
	v0 =	vmul.f32 $8.000000000e+00, v0  }
0x16f: {  	v5 =	vld [tilespmem:s11+$0x14410];
	[tilespmem:s3+$0x144A0] =	vst v1;
	v1 =	vmul.f32 $8.000000000e+00, v2  }
0x170: {  	v2 =	vld [tilespmem:s11+$0x14420];
	[tilespmem:s3+$0x144B0] =	vst v0;
	v0 =	vmul.f32 $8.000000000e+00, v3  }
0x171: {  	v3 =	vld [tilespmem:s11+$0x14430];
	[tilespmem:s3+$0x144C0] =	vst v1;
	v1 =	vmul.f32 $8.000000000e+00, v4  }
0x172: {  	v4 =	vld [tilespmem:s11+$0x14440];
	[tilespmem:s3+$0x144D0] =	vst v0;
	v0 =	vmul.f32 $8.000000000e+00, v6  }
0x173: {  	v6 =	vmul.f32 $8.000000000e+00, v7;
	v7 =	vld [tilespmem:s11+$0x14450];
	[tilespmem:s3+$0x144E0] =	vst v1  }
0x174: {  	v1 =	vmul.f32 $8.000000000e+00, v5;
	v5 =	vld [tilespmem:s11+$0x14460];
	[tilespmem:s3+$0x144F0] =	vst v0;
	s3 =	smov.u32 s11  }
0x175: {  	[tilespmem:s3+$0x14400] =	vst v6;
	v0 =	vmul.f32 $8.000000000e+00, v2;
	v2 =	vld [tilespmem:s3+$0x14470]  }
0x176: {  	[tilespmem:s3+$0x14410] =	vst v1;
	v1 =	vmul.f32 $8.000000000e+00, v3;
	v3 =	vld [tilespmem:s3+$0x14480]  }
0x177: {  	[tilespmem:s3+$0x14420] =	vst v0;
	v0 =	vmul.f32 $8.000000000e+00, v4;
	v4 =	vld [tilespmem:s3+$0x14490]  }
.Ltmp7:
0x178: {  	[tilespmem:s3+$0x14430] =	vst v1;
	v6 =	vmul.f32 $8.000000000e+00, v7;
	v1 =	vld [tilespmem:s3+$0x144A0];
	(pc) =	sbr.rel @p0 .LBB2_17-.Ltmp7, $4  }
0x179: {  	[tilespmem:s3+$0x14440] =	vst v0;
	v5 =	vmul.f32 $8.000000000e+00, v5;
	v0 =	vld [tilespmem:s3+$0x144B0]  }
0x17a: {  	[tilespmem:s3+$0x14450] =	vst v6;
	v7 =	vmul.f32 $8.000000000e+00, v2;
	v2 =	vld [tilespmem:s3+$0x144C0]  }
0x17b: {  	[tilespmem:s3+$0x14460] =	vst v5;
	v6 =	vmul.f32 $8.000000000e+00, v3;
	v3 =	vld [tilespmem:s3+$0x144D0]  }
0x17c: {  	s10 =	sadd.s32 $0x400, s10;
	[tilespmem:s3+$0x14470] =	vst v7;
	v5 =	vmul.f32 $8.000000000e+00, v4;
	v4 =	vld [tilespmem:s3+$0x144E0]  }
0x17d: {  	[tilespmem:s3+$0x14480] =	vst v6;
	v1 =	vmul.f32 $8.000000000e+00, v1;
	v59 =	vld [tilespmem:s3+$0x144F0]  }
0x17e: {  	[tilespmem:s3+$0x14490] =	vst v5;
	v0 =	vmul.f32 $8.000000000e+00, v0  }
0x17f: {  	[tilespmem:s3+$0x144A0] =	vst v1;
	v60 =	vmul.f32 $8.000000000e+00, v2  }
0x180: {  	[tilespmem:s3+$0x144B0] =	vst v0;
	v61 =	vmul.f32 $8.000000000e+00, v3  }
0x181: {  	s7 =	sshll.u32 s7, $0xD;
	[tilespmem:s3+$0x144C0] =	vst v60;
	v62 =	vmul.f32 $8.000000000e+00, v4  }
0x182: {  	s7 =	sadd.s32 s6, s7;
	[tilespmem:s3+$0x144D0] =	vst v61;
	v63 =	vmul.f32 $8.000000000e+00, v59  }
0x183: {  	s7 =	sshrl.u32 s7, $0x3;
	[tilespmem:s3+$0x144E0] =	vst v62  }
0x184: {  	s14 =	simm.s32 $0x0;
	s10 =	simm.s32 $0x14400;
	s13 =	sadd.s32 s2, s7;
	[tilespmem:s3+$0x144F0] =	vst v63  }
0x185: {  	[hbm4b:s13+s14] =	stream.linear.scatter [tilespmem:s10], [sflag:$0x10], $0x2000, $0x38;
	[tilespmem:$0x16400] =	vst v63  }
0x186: {  	_ =	swait.ge [sflag:s26], $0x2000  }
0x187: {  	[sflag:s26] =	ssyncset.done $0x0  }
0x188: {  	[sflag:s26] =	ssyncadd.s32 $0xFFFFE000  }
0x189: {  	_ =	swait.ge [sflag:s28], $0x2000  }
0x18a: {  	[sflag:s28] =	ssyncset.done $0x0  }
0x18b: {  	[sflag:s28] =	ssyncadd.s32 $0xFFFFE000  }
0x18c: {  	_ =	swait.ge [sflag:s29], $0x2000  }
0x18d: {  	[sflag:s29] =	ssyncset.done $0x0  }
0x18e: {  	[sflag:s29] =	ssyncadd.s32 $0xFFFFE000  }
0x18f: {  	_ =	swait.ge [sflag:s30], $0x2000  }
0x190: {  	[sflag:s30] =	ssyncset.done $0x0  }
0x191: {  	[sflag:s30] =	ssyncadd.s32 $0xFFFFE000  }
0x192: {  	_ =	swait.ge [sflag:s31], $0x2000  }
0x193: {  	[sflag:s31] =	ssyncset.done $0x0  }
0x194: {  	[sflag:s31] =	ssyncadd.s32 $0xFFFFE000  }
0x195: {  	_ =	swait.ge [sflag:s0], $0x2000  }
0x196: {  	[sflag:s0] =	ssyncset.done $0x0  }
0x197: {  	s8 =	sadd.s32 $0x1, s8;
	[sflag:s0] =	ssyncadd.s32 $0xFFFFE000  }
0x198: {  	p0 =	sne.s32 s8, $0x19;
	_ =	swait.ge [sflag:s1], $0x2000  }
.Ltmp8:
0x199: {  	[sflag:s1] =	ssyncset.done $0x0;
	(pc) =	sbr.rel @p0 .LBB2_2-.Ltmp8, $4  }
0x19a: {  	[sflag:s1] =	ssyncadd.s32 $0xFFFFE000  }
0x19b: {  	_ =	swait.ge [sflag:s5], $0x2000  }
0x19c: {  	[sflag:s5] =	ssyncset.done $0x0  }
0x19d: {  	[sflag:s5] =	ssyncadd.s32 $0xFFFFE000  }
0x19e: {  	s7 =	rddreg [dreg:$0x5]  }
0x19f: {  	s3 =	rddreg [dreg:$0x4];
	s7 =	sadd.s32 $0x1, s7  }
0x1a0: {  	p0 =	sne.s32 s7, s3  }
.Ltmp9:
0x1a1: {  	_ = 	snop;
	(pc) =	sbr.rel @p0 .LBB2_1-.Ltmp9, $1  }
0x1a2: {  	_ =	sdelay $0x3  }
0x1a3: {  	_ =	sfence.sel $0x180000  }
0x1a4: {  	[bflag:$0x0] =	sbarrier.arrive $0xFFFF  }
0x1a5: {  	_ =	strace $0x90000047  }
0x1a6: {  	s0 =	stileid.u32;
	[bflag:$0x2] =	sbarrier.arrive $0xFFFF  }
0x1a7: {  	p0 =	sne.s32 s0, $0x0;
	s0 =	rddreg [dreg:$0x2]  }
0x1a8: {  	s0 =	sadd.s32 @!p0 $0x100000, s0  }
0x1a9: {  	[sflag:s0] =	ssyncadd.tile.s32 @!p0 $0x1;
	_ =	shalt  }
.Lfunc_end2:
_tile_overlayer_lowered:
.L_overlay_start_2:
0x1aa: {  	(tag) =	ssettag $0x2  }
0x1ab: {  	s0 =	rddreg [dreg:$0x0];
	s2 =	stileid.u32  }
0x1ac: {  	s1 =	rddreg [dreg:$0x1];
	p0 =	sne.s32 s2, $0x0  }
0x1ad: {  	s3 =	rddreg [dreg:$0x2];
	[bflag:$0x3] =	sbarrier.arrive $0xFFFF;
	s2 =	simm.s32 @!p0 $0x1C11  }
0x1ae: {  	[timem:s3], [sflag:s2] =	dma.local @!p0 [hbm:s0], s1  }
0x1af: {  	s0 =	simm.s32 @!p0 $0x11  }
0x1b0: {  	_ =	swait.ge @!p0 [sflag:s0], s1  }
0x1b1: {  	s1 =	ssub.s32 @!p0 $0x0, s1;
	[sflag:s0] =	ssyncset.done @!p0 $0x0  }
0x1b2: {  	[sflag:s0] =	ssyncadd.s32 @!p0 s1  }
0x1b3: {  	[bflag:$0x3] =	sbarrier.arrive $0xFFFF  }
0x1b4: {  	_ =	shalt  }

// kernel: sparse-core-data-format-call.cloned.1.call-start
scs
called_computation_lowered:
.L_overlay_start_0:
0x0: {  	s2 =	sld [smem:$0x3FD9]  }
0x1: {  	s3 =	sld [smem:$0x3FFE];
	_ =	sdelay $0x1  }
0x2: {  	s1 =	srdreg.scid  }
0x3: {  	s0 =	sand.u32 $0x1, s1  }
0x4: {  	s18 =	sshll.u32 s0, $0xA;
	s2 =	sadd.s32 s3, s2  }
0x5: {  	s2 =	sadd.s32 s2, s18  }
0x6: {  	[smem:$0x3FC6] =	sst s2  }
0x7: {  	_ = 	snop  }
0x8: {  	s2 =	sld [smem:$0x3FD0];
	(tm) =	ssettm $0x1  }
0x9: {  	s19 =	sld [smem:$0x3FFB];
	_ =	sdelay $0x3  }
0xa: {  	_ =	strace s19  }
0xb: {  	s3 =	sld [smem:$0x3FFC];
	_ =	sdelay $0x3  }
0xc: {  	_ =	strace s3  }
0xd: {  	s3 =	sld [smem:$0x3FFD];
	_ =	sdelay $0x3  }
0xe: {  	_ =	strace s3  }
0xf: {  	_ =	strace $0x8FFFFFFF  }
0x10: {  	s20 =	sld [smem:$0x3FDB];
	_ =	sdelay $0x1  }
0x11: {  	s4 =	simm.s32 $_scs_section_size  }
0x12: {  	s5 =	simm.s32 $_size__tile_overlayer_lowered;
	s6 =	simm.s32 $_tile_overlayer_lowered  }
0x13: {  	s23 =	simm.s32 $0x1BFF;
	s22 =	sshll.u32 s6, $0x1;
	s3 =	sadd.s32 s4, s20  }
0x14: {  	s7 =	simm.s32 $0x0;
	s21 =	sshll.u32 s5, $0x1;
	s5 =	sadd.s32 s22, s3  }
0x15: {  	[timem:s7], [sflag:s23] =	dma.local [hbm:s5], s21  }
0x16: {  	_ =	swait.ge [sflag:s23], s21  }
0x17: {  	s4 =	ssub.s32 $0x0, s21;
	[sflag:s23] =	ssyncset.done $0x0  }
0x18: {  	[sflag:s23] =	ssyncadd.s32 s4;
	_ =	sdelay $0x1  }
0x19: {  	s24 =	simm.s32 $0x1B8B  }
0x1a: {  	_ =	swait.ge [sflag:s24], $0x1  }
0x1b: {  	[sflag:s24] =	ssyncset.done $0x0  }
0x1c: {  	s26 =	simm.s32 $0x1B8E;
	s25 =	sld [smem:$0x3FFE];
	[sflag:s24] =	ssyncadd.s32 $0xFFFFFFFF  }
0x1d: {  	s27 =	simm.s32 $execute0_lowered;
	[smem:$0x3FD2] =	sst s26  }
0x1e: {  	s5 =	sshll.u32 s27, $0x1;
	_ =	strace $0x80000049;
	[dreg:$0x1] =	wrdreg $0xFFFFFFFF  }
0x1f: {  	s28 =	simm.s32 $_size_execute0_lowered;
	s3 =	sadd.s32 s3, s5;
	[dreg:$0x0] =	wrdreg $0x0  }
0x20: {  	s5 =	sshll.u32 s28, $0x1;
	[dreg:$0x2] =	wrdreg s3  }
0x21: {  	[dreg:$0x3] =	wrdreg s5  }
0x22: {  	[dreg:$0x4] =	wrdreg $0xC0  }
0x23: {  	_ =	task [dreg:s7], $0x5FFFF  }
0x24: {  	[dreg:$0x1] =	wrdreg $0xFFFFFFFF  }
0x25: {  	[dreg:$0x0] =	wrdreg $0x60  }
0x26: {  	[dreg:$0x2] =	wrdreg s25  }
0x27: {  	[dreg:$0x3] =	wrdreg s2  }
0x28: {  	[dreg:$0x4] =	wrdreg $0x9  }
0x29: {  	_ =	task.clear_ibuf [dreg:s7], $0x5FFFF;
	_ =	strace $0x90000049  }
0x2a: {  	s29 =	simm.s32 $0x9;
	_ =	strace $0x8000004B  }
0x2b: {  	_ =	swait.ge [sflag:s29], $0x1  }
0x2c: {  	[sflag:s29] =	ssyncadd.s32 $0xFFFFFFFF  }
0x2d: {  	_ =	strace $0x9000004B  }
0x2e: {  	_ =	sfence  }
0x2f: {  	s30 =	sld [smem:$0x0];
	_ =	sdelay $0x2  }
0x30: {  	s31 =	sshll.u32 s1, $0xD;
	s1 =	sshrl.u32 s1, $0x2  }
0x31: {  	s3 =	sand.u32 $0x4000, s31;
	s1 =	sadd.s32 s1, s30  }
0x32: {  	s0 =	sor.u32 s3, s0;
	s1 =	sshll.u32 s1, $0x11  }
0x33: {  	s0 =	sor.u32 s1, s0  }
0x34: {  	s0 =	sadd.s32 $0x8F2B, s0  }
0x35: {  	[sflag:s0] =	ssyncadd.remote.s32 $0x1  }
0x36: {  	_ =	sfence.sel $0xFFFF  }
0x37: {  	[dreg:$0x0] =	wrdreg $0xFFFFFFFF;
	(pc) =	sbr.abs _section_cstart, $3  }
0x38: {  	[dreg:$0x1] =	wrdreg $0xFFFFFFFF  }
0x39: {  	_ =	task.clear_ibuf [dreg:s7], $0x2FFFF;
	_ =	strace $0x9FFFFFFF  }
0x3a: {  	(tm) =	ssettm $0x7FFFFFFF  }
0x3b: {  	_ =	shalt  }
tec
execute0_lowered:
.L_overlay_start_1:
0x0: {  	(tag) =	ssettag $0x1  }
0x1: {  	s0 =	srdreg.scid  }
0x2: {  	s1 =	sshll.u32 s0, $0x4  }
0x3: {  	s0 =	stileid.u32;
	s1 =	sand.u32 $0x10, s1  }
0x4: {  	s1 =	sor.u32 s0, s1  }
0x5: {  	s6 =	rddreg [dreg:$0x0];
	s4 =	simm.s32 $0x1;
	s2 =	sshll.u32 s1, $0x7  }
0x6: {  	s7 =	simm.s32 $0x2;
	s12 =	simm.s32 $0x0;
	s1 =	ssub.s32 $0x1000, s2  }
0x7: {  	s8 =	simm.s32 $0x8000;
	s13 =	simm.s32 $0x0;
	s3 =	sand.u32 $0xF80, s1  }
0x8: {  	s9 =	simm.s32 $0x0;
	s5 =	sshrl.u32 s1, $0xC;
	p0 =	sne.s32 s3, $0x0  }
.Ltmp0:
0x9: {  	s1 =	rddreg [dreg:$0x2];
	s4 =	simm.s32 @!p0 $0x0;
	(pc) =	sbr.rel .LBB1_1-.Ltmp0, $4  }
0xa: {  	s11 =	simm.s32 $0x0;
	s3 =	rddreg [dreg:$0x1];
	s5 =	sadd.s32 s4, s5  }
0xb: {  	_ =	strace $0x8000004A;
	s4 =	simm.s32 $0x1;
	s5 =	smul.u32 $0xC8, s5  }
0xc: {  	s6 =	sadd.s32 $0xA00, s6;
	s10 =	smov.u32 s2;
	[sflag:s4] =	ssyncpa.u1 $0x0  }
0xd: {  	p0 =	por $0x0, $0x0;
	[sflag:s7] =	ssyncpa.u1 $0x0;
	s7 =	sor.u32 $0x1, s5  }
.LBB1_4:
0xe: {  	s16 =	sshll.u32 s13, $0x3;
	s17 =	sand.u32 $0x78, s13  }
0xf: {  	s30 =	sand.u32 $0x7E00, s13;
	s12 =	sshll.u32 s12, $0xF;
	s16 =	sand.u32 $0xC00, s16  }
0x10: {  	[tilespmem:s15+$0x810 ss:$0x81] =	vst.msk $0xffff, v2;
	s31 =	sand.u32 $0x7, s13;
	s16 =	sor.u32 s17, s16;
	s17 =	sadd.s32 s3, s30  }
0x11: {  	[tilespmem:s15+$0x1020 ss:$0x81] =	vst.msk $0xffff, v0;
	s13 =	sshll.u32 s31, $0x12;
	s12 =	sadd.s32 s12, s17;
	s16 =	sshrl.u32 s16, $0x3  }
0x12: {  	[tilespmem:s15+$0x0 ss:$0x81] =	vst.msk $0xffff, v1;
	s13 =	sor.u32 $0x400, s13;
	s12 =	sadd.s32 s16, s12  }
0x13: {  	[hbm4b:s12+s13] =	stream.strided.scatter [tilespmem:s14], [sflag:$0x2], $0x2000, s8, s13, $0x20;
	[tilespmem:$0x8080] =	vst v63  }
.LBB1_5:
0x14: {  	s14 =	sadd.s32 $0x1, s9  }
0x15: {  	s12 =	sadd.s32 $0x1000, s10;
	s16 =	smov.u32 s10;
	p2 =	sgt.s32 s14, $0xC7  }
0x16: {  	s16 =	smov.u32 @p2 s12  }
0x17: {  	s14 =	simm.s32 @p2 $0x0;
	p2 =	sgt.s32 s16, $0xFFF  }
0x18: {  	s16 =	smov.u32 @p2 s2;
	p2 =	sne.s32 s11, s7  }
.Ltmp1:
0x19: {  	p1 =	slt.u32 s11, $0x2;
	(pc) =	sbr.rel @!p2 .LBB1_6-.Ltmp1, $4  }
0x1a: {  	s15 =	simm.s32 @!p1 $0x2  }
0x1b: {  	s13 =	smov.u32 s10;
	p0 =	por !p0, !p0;
	_ =	swait.ge @!p1 [sflag:s15], $0x2000  }
0x1c: {  	s12 =	smov.u32 s9;
	[sflag:s15] =	ssyncset.done @!p1 $0x0;
	s9 =	smov.u32 s14  }
0x1d: {  	s11 =	sadd.s32 $0x1, s11;
	[sflag:s15] =	ssyncadd.s32 @!p1 $0xFFFFE000;
	s10 =	smov.u32 s16  }
.LBB1_1:
0x1e: {  	p1 =	sge.u32 s11, s5  }
0x1f: {  	s14 =	sand.u32 @!p1 $0x1FFFFFF, s9  }
0x20: {  	s15 =	smulhi.u32 @!p1 $0x147AE15, s14;
	_ =	sdelay $0x1  }
0x21: {  	s15 =	smul.u32 @!p1 $0xC8, s15  }
0x22: {  	s16 =	sxor.u32 @!p1 $0xFFFFFFFF, s11;
	s17 =	smul.u32 @!p1 $0xC80, s10  }
0x23: {  	s31 =	sadd.s32 $0xFFFFFFFF, s11;
	s16 =	sshll.u32 @!p1 s16, $0xD;
	s14 =	ssub.s32 @!p1 s14, s15  }
0x24: {  	s15 =	sand.u32 @!p1 $0x2000, s16;
	s16 =	sadd.s32 @!p1 s6, s17;
	s14 =	sshll.u32 @!p1 s14, $0x4  }
0x25: {  	s17 =	simm.s32 @!p1 $0x6400;
	s14 =	sadd.s32 @!p1 s14, s16;
	s16 =	simm.s32 @!p1 $0x40  }
0x26: {  	[tilespmem:s15], [sflag:$0x1] =	stream.strided.gather @!p1 [hbm4b:s14+s16], $0x2000, s17, s16, $0x38;
	[tilespmem:$0x8080] =	vst v63  }
0x27: {  	p1 =	sge.u32 s31, s5  }
.Ltmp2:
0x28: {  	_ = 	snop;
	(pc) =	sbr.rel @p1 .LBB1_5-.Ltmp2, $1  }
0x29: {  	_ =	sdelay $0x3  }
0x2a: {  	s14 =	simm.s32 $0x1  }
0x2b: {  	_ =	swait.ge [sflag:s4], $0x2000;
	s14 =	simm.s32 @!p0 $0x0  }
0x2c: {  	[sflag:s4] =	ssyncset.done $0x0;
	s15 =	sshll.u32 s14, $0xD  }
0x2d: {  	[sflag:s4] =	ssyncadd.s32 $0xFFFFE000;
	s18 =	sor.u32 $0x20, s15  }
0x2e: {  	s14 =	smul.u32 $0x8100, s14;
	v3 =	vld [tilespmem:s18+$0x10]  }
0x2f: {  	s30 =	sand.u32 $0x1, s11;
	v2 =	vld [tilespmem:s18+$0xFFFFFFF0]  }
0x30: {  	s15 =	smul.u32 $0x8100, s30;
	s14 =	sshrl.u32 s14, $0x2;
	v0 =	vld [tilespmem:s18+$0x0]  }
0x31: {  	v1 =	vld [tilespmem:s18+$0xFFFFFFE0];
	s16 =	sor.u32 $0x4000, s14  }
0x32: {  	s31 =	sshrl.u32 s15, $0x2;
	s15 =	sadd.s32 $0x0, s16  }
0x33: {  	s17 =	simm.s32 $0x4;
	s18 =	sadd.s32 $0x40, s18;
	s14 =	sor.u32 $0x4000, s31;
	[tilespmem:s15+$0x1830 ss:$0x81] =	vst.msk $0xffff, v3  }
.LBB1_3:
0x34: {  	v3 =	vld [tilespmem:s18+$0x10];
	p1 =	sne.s32 s17, $0x1FC;
	[tilespmem:s15+$0x810 ss:$0x81] =	vst.msk $0xffff, v2;
	s19 =	smov.u32 s17;
	s17 =	sadd.s32 $0x4, s17  }
.Ltmp3:
0x35: {  	v2 =	vld [tilespmem:s18+$0xFFFFFFF0];
	[tilespmem:s15+$0x1020 ss:$0x81] =	vst.msk $0xffff, v0;
	(pc) =	sbr.rel @p1 .LBB1_3-.Ltmp3, $4  }
0x36: {  	v0 =	vld [tilespmem:s18+$0x0];
	[tilespmem:s15+$0x0 ss:$0x81] =	vst.msk $0xffff, v1  }
0x37: {  	s15 =	sshra.s32 s19, $0x2;
	v1 =	vld [tilespmem:s18+$0xFFFFFFE0]  }
0x38: {  	s15 =	sadd.s32 s15, s16  }
0x39: {  	s18 =	sadd.s32 $0x40, s18;
	[tilespmem:s15+$0x1830 ss:$0x81] =	vst.msk $0xffff, v3  }
.Ltmp4:
0x3a: {  	_ = 	snop;
	(pc) =	sbr.rel .LBB1_4-.Ltmp4, $1  }
0x3b: {  	_ =	sdelay $0x3  }
.LBB1_6:
0x3c: {  	_ =	sfence.sel $0x180000  }
0x3d: {  	s2 =	simm.s32 $0x1;
	[bflag:$0x0] =	sbarrier.arrive $0xFFFF  }
0x3e: {  	s31 =	simm.s32 $0x2;
	[sflag:s2] =	ssyncpa.u1 $0x1  }
0x3f: {  	[sflag:s31] =	ssyncpa.u1 $0x1  }
0x40: {  	p0 =	sne.s32 s0, $0x0;
	_ =	strace $0x9000004A  }
0x41: {  	s0 =	sadd.s32 @!p0 $0x100000, s1;
	[bflag:$0x2] =	sbarrier.arrive $0xFFFF  }
0x42: {  	[sflag:s0] =	ssyncadd.tile.s32 @!p0 $0x1;
	_ =	shalt  }
.Lfunc_end1:
_tile_overlayer_lowered:
.L_overlay_start_2:
0x43: {  	(tag) =	ssettag $0x2  }
0x44: {  	s0 =	rddreg [dreg:$0x0];
	s2 =	stileid.u32  }
0x45: {  	s1 =	rddreg [dreg:$0x1];
	p0 =	sne.s32 s2, $0x0  }
0x46: {  	s3 =	rddreg [dreg:$0x2];
	[bflag:$0x3] =	sbarrier.arrive $0xFFFF;
	s2 =	simm.s32 @!p0 $0x1C01  }
0x47: {  	[timem:s3], [sflag:s2] =	dma.local @!p0 [hbm:s0], s1  }
0x48: {  	s0 =	simm.s32 @!p0 $0x1  }
0x49: {  	_ =	swait.ge @!p0 [sflag:s0], s1  }
0x4a: {  	s1 =	ssub.s32 @!p0 $0x0, s1;
	[sflag:s0] =	ssyncset.done @!p0 $0x0  }
0x4b: {  	[sflag:s0] =	ssyncadd.s32 @!p0 s1  }
0x4c: {  	[bflag:$0x3] =	sbarrier.arrive $0xFFFF  }
0x4d: {  	_ =	shalt  }

</sc_bundles>
